<compile_context>
chip_gen: v7x
topology: tpu7x:2x2x1
jax: 0.10.2.dev20260603
libtpu: 0.0.44.dev20260713+nightly
codegen_flags: <defaults>
</compile_context>

<pallas_src>
import functools

import jax
import jax.numpy as jnp
from jax import lax
from jax.experimental import pallas as pl
from jax.experimental.pallas import tpu as pltpu
from jax.experimental.pallas import tpu_sc as plsc

BATCH = 16384
DIM = 64
ROWS = 1000000
FULL_ROWS = 999936
N_FULL_SLABS = FULL_ROWS // 128
PIECE = 4
CLAMP_SLAB = N_FULL_SLABS - PIECE
PER_W = 245
N_PIECES = 62
STAGE = 64


def _iota16():
    return lax.iota(jnp.int32, 16)


def _full16(v):
    return jnp.full((16,), v, jnp.int32)


def _gather_call(nw):
    mesh = plsc.VectorSubcoreMesh(core_axis_name="c", subcore_axis_name="s")

    @functools.partial(
        pl.kernel,
        mesh=mesh,
        out_type=jax.ShapeDtypeStruct((BATCH, 128), jnp.float32),
        scratch_types=[
            pltpu.VMEM((BATCH,), jnp.int32),
            pltpu.VMEM((BATCH,), jnp.int32),
            pltpu.VMEM((2, DIM, 128 * PIECE), jnp.float32),
            pltpu.VMEM((DIM, DIM), jnp.float32),
            pltpu.VMEM((2 * STAGE, 128), jnp.float32),
            pltpu.VMEM((2 * STAGE,), jnp.int32),
            pltpu.SemaphoreType.DMA,
            pltpu.SemaphoreType.DMA,
            pltpu.SemaphoreType.DMA,
            pltpu.SemaphoreType.DMA,
        ],
        compiler_params=pltpu.CompilerParams(
            use_tc_tiling_on_sc=True, needs_layout_passes=False
        ),
    )
    def k(x_hbm, t_hbm, tail_hbm, out_hbm,
          xv, listv, bufs, tailv, stage, oidx, sem0, sem1, tsem, fsem):
        pbuf = xv
        num_cores = lax.axis_size("c")
        wid = lax.axis_index("s") * num_cores + lax.axis_index("c")
        s0 = wid * PER_W
        sems = (sem0, sem1)
        iota = _iota16()

        def base_slab(pp):
            return jnp.minimum(s0 + pp * PIECE, CLAMP_SLAB)

        def fetch(pp, b):
            pltpu.async_copy(
                t_hbm.at[:, pl.ds(base_slab(pp) * 128, 128 * PIECE)],
                bufs.at[b],
                sems[b],
            )

        def wait(pp, b):
            pltpu.make_async_copy(
                t_hbm.at[:, pl.ds(base_slab(pp) * 128, 128 * PIECE)],
                bufs.at[b],
                sems[b],
            ).wait()

        pltpu.sync_copy(x_hbm, xv)
        fetch(0, 0)
        fetch(1, 1)
        pltpu.async_copy(tail_hbm, tailv, tsem)

        for q in range(2 * STAGE // 16):
            oidx[pl.ds(q * 16, 16)] = _full16(-1)

        lim = jnp.minimum(PER_W, (ROWS + 127) // 128 - s0) * 128

        def scan_body(kk2, n):
            rv0 = xv[pl.ds(kk2 * 32, 16)]
            rv1 = xv[pl.ds(kk2 * 32 + 16, 16)]
            roff0 = rv0 - s0 * 128
            roff1 = rv1 - s0 * 128
            m0 = (roff0 >= 0) & (roff0 < lim)
            m1 = (roff1 >= 0) & (roff1 < lim)
            cs0 = plsc.cumsum(m0.astype(jnp.int32))
            cs1 = plsc.cumsum(m1.astype(jnp.int32))
            pk0 = ((kk2 * 32 + iota) << 15) | roff0
            pk1 = ((kk2 * 32 + 16 + iota) << 15) | roff1
            c0 = cs0[15]
            plsc.store_scatter(listv, [n + cs0 - 1], pk0, mask=m0)
            plsc.store_scatter(listv, [n + c0 + cs1 - 1], pk1, mask=m1)
            return n + c0 + cs1[15]

        n = lax.fori_loop(0, BATCH // 32, scan_body, 0)
        nv = (n + 15) // 16

        def flush_refs(f):
            return (
                stage.at[pl.ds(f * STAGE, STAGE)],
                out_hbm.at[
                    plsc.Indices(
                        oidx.at[pl.ds(f * STAGE, STAGE)], ignored_value=-1
                    )
                ],
            )

        def start_flush(f):
            src, dst = flush_refs(f)
            pltpu.async_copy(src, dst, fsem)

        def wait_flush(f):
            src, dst = flush_refs(f)
            pltpu.make_async_copy(src, dst, fsem).wait()

        def extract_hits(rlo, width, buf, np_, carry_in):

            def hbody(h, carry):
                slot, flushed = carry
                pk16 = plsc.load_gather(pbuf, [_full16(h)])
                col = (pk16 & 32767) - rlo
                i16 = lax.shift_right_logical(pk16, 15)
                for q in range(DIM // 16):
                    vals = plsc.load_gather(buf, [iota + q * 16, col])
                    stage[slot, pl.ds(q * 16, 16)] = vals
                plsc.store_scatter(oidx, [_full16(slot)], i16, mask=iota == 0)
                s2 = slot + 1

                @pl.when(s2 % STAGE == 0)
                def _():
                    filled = (s2 // STAGE - 1) % 2
                    other = 1 - filled
                    start_flush(filled)

                    @pl.when(flushed != 0)
                    def _():
                        wait_flush(other)

                    for q in range(STAGE // 16):
                        oidx[pl.ds(other * STAGE + q * 16, 16)] = _full16(-1)

                return (
                    jnp.where(s2 == 2 * STAGE, 0, s2),
                    jnp.where(s2 % STAGE == 0, 1, flushed),
                )

            return lax.fori_loop(0, np_, hbody, carry_in)

        def compress(rlo, width):

            def cbody(v, np_):
                pk = listv[pl.ds(v * 16, 16)]
                valid = (v * 16 + iota) < n
                roff = pk & 32767
                m = valid & (roff >= rlo) & (roff < rlo + width)
                cs = plsc.cumsum(m.astype(jnp.int32))
                plsc.store_scatter(pbuf, [np_ + cs - 1], pk, mask=m)
                return np_ + cs[15]

            return lax.fori_loop(0, nv, cbody, 0)

        def process_piece(pp, b, carry):
            rlo = base_slab(pp) * 128 - s0 * 128
            np_ = compress(rlo, 128 * PIECE)
            return extract_hits(rlo, 128 * PIECE, bufs.at[b], np_, carry)

        def piece_loop(g, carry):
            for b in range(2):
                pp = g * 2 + b
                wait(pp, b)
                carry = process_piece(pp, b, carry)

                @pl.when(pp + 2 < N_PIECES)
                def _(pp=pp, b=b):
                    fetch(pp + 2, b)

            return carry

        carry = lax.fori_loop(0, N_PIECES // 2, piece_loop, (0, 0))

        pltpu.make_async_copy(tail_hbm, tailv, tsem).wait()
        tlo = FULL_ROWS - s0 * 128
        np_ = compress(tlo, DIM)
        slot, flushed = extract_hits(tlo, DIM, tailv, np_, carry)

        cur = slot // STAGE

        @pl.when(flushed != 0)
        def _():
            wait_flush(1 - cur)

        @pl.when(slot % STAGE != 0)
        def _():
            start_flush(cur)
            wait_flush(cur)

    return k


def kernel(x, table):
    info = plsc.get_sparse_core_info()
    nw = info.num_cores * info.num_subcores
    table_t = table.T
    tail = table_t[:, FULL_ROWS:]
    out_padded = _gather_call(nw)(x.astype(jnp.int32), table_t, tail)
    return out_padded[:, :DIM]

# --- scband reference (transcript-rebuilt; emitter-appended) ---
"""Pipeline reference for scband-label-embedding-10548439679219 (READ-ONLY COPY).

The authoritative reference and input builder live on the scoring server;
editing this copy changes nothing except your own understanding.
"""

import jax, jax.numpy as jnp
import numpy as np

AMOUNT_CLASSES = 1000000
EMBEDDING_DIM = 64
BATCH = 16384

def setup_inputs(seed: int = 0) -> dict:
    key = jax.random.key(seed)
    k_idx, k_tab = jax.random.split(key)
    x = jax.random.randint(k_idx, (BATCH,), 0, AMOUNT_CLASSES, dtype=jnp.int64 if jax.config.jax_enable_x64 else jnp.int32)
    # nn.Embedding default init: N(0, 1)
    table = jax.random.normal(k_tab, (AMOUNT_CLASSES, EMBEDDING_DIM), dtype=jnp.float32)
    return {"x": x, "table": table}

def reference(x, table):
    # LabelEmbedding.forward: self.embedding(x)
    return jnp.take(table, x, axis=0)

if __name__ == "__main__":
    import jax
    _d = setup_inputs()
    print(jax.jit(kernel)(*tuple(_d.values())))

</pallas_src>

<mosaic_0001>
#map = affine_map<(d0, d1) -> (0)>
#map1 = affine_map<(d0, d1) -> (0, 0)>
module attributes {stable_mosaic.version = 14 : i64} {
  func.func @k(%arg0: i32, %arg1: i32, %arg2: memref<16384xi32, #tpu.memory_space<hbm>>, %arg3: memref<64x1000000xf32, #tpu.memory_space<hbm>>, %arg4: memref<64x64xf32, #tpu.memory_space<hbm>>, %arg5: memref<16384x128xf32, #tpu.memory_space<hbm>>, %arg6: memref<16384xi32, #tpu.memory_space<vmem>>, %arg7: memref<16384xi32, #tpu.memory_space<vmem>>, %arg8: memref<2x64x512xf32, #tpu.memory_space<vmem>>, %arg9: memref<64x64xf32, #tpu.memory_space<vmem>>, %arg10: memref<128x128xf32, #tpu.memory_space<vmem>>, %arg11: memref<128xi32, #tpu.memory_space<vmem>>, %arg12: memref<!tpu.dma_semaphore, #tpu.memory_space<semaphore_mem>>, %arg13: memref<!tpu.dma_semaphore, #tpu.memory_space<semaphore_mem>>, %arg14: memref<!tpu.dma_semaphore, #tpu.memory_space<semaphore_mem>>, %arg15: memref<!tpu.dma_semaphore, #tpu.memory_space<semaphore_mem>>) attributes {dimension_semantics = [#tpu.dimension_semantics<core_parallel>, #tpu.dimension_semantics<subcore_parallel>], iteration_bounds = array<i64: 2, 16>, scalar_prefetch = 0 : i64, scratch_operands = 10 : i64, tpu.core_type = #tpu.core_type<sc_vector_subcore>, window_params = [{transform_indices = #map}, {transform_indices = #map1}, {transform_indices = #map1}, {transform_indices = #map1}]} {
    %mul3A = arith.constant 2 : i32
    %mul3A_0 = arith.muli %arg1, %mul3A : i32
    %add3A = arith.addi %mul3A_0, %arg0 : i32
    %mul3A_1 = arith.constant 245 : i32
    %mul3A_2 = arith.muli %add3A, %mul3A_1 : i32
    %iota3A = tpu.iota {dimensions = array<i32: 0>} : vector<16xi32>
    "tpu.region"() ({
      %run_scoped3A = tpu.sem_alloc : memref<!tpu.dma_semaphore, #tpu.memory_space<semaphore_mem>>
      tpu.enqueue_dma source(%arg2 : memref<16384xi32, #tpu.memory_space<hbm>>) target(%arg6 : memref<16384xi32, #tpu.memory_space<vmem>>) target_semaphore(%run_scoped3A : memref<!tpu.dma_semaphore, #tpu.memory_space<semaphore_mem>>)
      tpu.wait_dma2 semaphore(%run_scoped3A : memref<!tpu.dma_semaphore, #tpu.memory_space<semaphore_mem>>) src(%arg2 : memref<16384xi32, #tpu.memory_space<hbm>>) dst(%arg6 : memref<16384xi32, #tpu.memory_space<vmem>>)
      tpu.yield
    }) : () -> ()
    %add3A_3 = arith.constant 0 : i32
    %add3A_4 = arith.addi %mul3A_2, %add3A_3 : i32
    %min3A = arith.constant 7808 : i32
    %min3A_5 = arith.minsi %add3A_4, %min3A : i32
    %mul3A_6 = arith.constant 128 : i32
    %mul3A_7 = arith.muli %min3A_5, %mul3A_6 : i32
    %dma_start3A = arith.constant 0 : i32
    %dma_start3A_8 = arith.constant 0 : i32
    %dma_start3A_9 = arith.constant 0 : i32
    %dma_start3A_10 = tpu.memref_slice %arg8[%dma_start3A, %dma_start3A_8, %dma_start3A_9] : memref<2x64x512xf32, #tpu.memory_space<vmem>> -> memref<1x64x512xf32, #tpu.memory_space<vmem>>
    %dma_start3A_11 = tpu.memref_squeeze %dma_start3A_10 : memref<1x64x512xf32, #tpu.memory_space<vmem>> -> memref<64x512xf32, #tpu.memory_space<vmem>>
    %dma_start3A_12 = arith.constant 0 : i32
    %dma_start3A_13 = tpu.memref_slice %arg3[%dma_start3A_12, %mul3A_7] : memref<64x1000000xf32, #tpu.memory_space<hbm>> -> memref<64x512xf32, #tpu.memory_space<hbm>>
    %dma_start3A_14 = arith.constant 0 : i32
    %dma_start3A_15 = arith.constant 0 : i32
    %dma_start3A_16 = tpu.memref_slice %arg8[%dma_start3A, %dma_start3A_14, %dma_start3A_15] : memref<2x64x512xf32, #tpu.memory_space<vmem>> -> memref<1x64x512xf32, #tpu.memory_space<vmem>>
    %dma_start3A_17 = tpu.memref_squeeze %dma_start3A_16 : memref<1x64x512xf32, #tpu.memory_space<vmem>> -> memref<64x512xf32, #tpu.memory_space<vmem>>
    %dma_start3A_18 = arith.constant 0 : i32
    %dma_start3A_19 = tpu.memref_slice %arg3[%dma_start3A_18, %mul3A_7] : memref<64x1000000xf32, #tpu.memory_space<hbm>> -> memref<64x512xf32, #tpu.memory_space<hbm>>
    tpu.enqueue_dma source(%dma_start3A_19 : memref<64x512xf32, #tpu.memory_space<hbm>>) target(%dma_start3A_17 : memref<64x512xf32, #tpu.memory_space<vmem>>) target_semaphore(%arg12 : memref<!tpu.dma_semaphore, #tpu.memory_space<semaphore_mem>>)
    %add3A_20 = arith.constant 4 : i32
    %add3A_21 = arith.addi %mul3A_2, %add3A_20 : i32
    %min3A_22 = arith.constant 7808 : i32
    %min3A_23 = arith.minsi %add3A_21, %min3A_22 : i32
    %mul3A_24 = arith.constant 128 : i32
    %mul3A_25 = arith.muli %min3A_23, %mul3A_24 : i32
    %dma_start3A_26 = arith.constant 1 : i32
    %dma_start3A_27 = arith.constant 0 : i32
    %dma_start3A_28 = arith.constant 0 : i32
    %dma_start3A_29 = tpu.memref_slice %arg8[%dma_start3A_26, %dma_start3A_27, %dma_start3A_28] : memref<2x64x512xf32, #tpu.memory_space<vmem>> -> memref<1x64x512xf32, #tpu.memory_space<vmem>>
    %dma_start3A_30 = tpu.memref_squeeze %dma_start3A_29 : memref<1x64x512xf32, #tpu.memory_space<vmem>> -> memref<64x512xf32, #tpu.memory_space<vmem>>
    %dma_start3A_31 = arith.constant 0 : i32
    %dma_start3A_32 = tpu.memref_slice %arg3[%dma_start3A_31, %mul3A_25] : memref<64x1000000xf32, #tpu.memory_space<hbm>> -> memref<64x512xf32, #tpu.memory_space<hbm>>
    %dma_start3A_33 = arith.constant 0 : i32
    %dma_start3A_34 = arith.constant 0 : i32
    %dma_start3A_35 = tpu.memref_slice %arg8[%dma_start3A_26, %dma_start3A_33, %dma_start3A_34] : memref<2x64x512xf32, #tpu.memory_space<vmem>> -> memref<1x64x512xf32, #tpu.memory_space<vmem>>
    %dma_start3A_36 = tpu.memref_squeeze %dma_start3A_35 : memref<1x64x512xf32, #tpu.memory_space<vmem>> -> memref<64x512xf32, #tpu.memory_space<vmem>>
    %dma_start3A_37 = arith.constant 0 : i32
    %dma_start3A_38 = tpu.memref_slice %arg3[%dma_start3A_37, %mul3A_25] : memref<64x1000000xf32, #tpu.memory_space<hbm>> -> memref<64x512xf32, #tpu.memory_space<hbm>>
    tpu.enqueue_dma source(%dma_start3A_38 : memref<64x512xf32, #tpu.memory_space<hbm>>) target(%dma_start3A_36 : memref<64x512xf32, #tpu.memory_space<vmem>>) target_semaphore(%arg13 : memref<!tpu.dma_semaphore, #tpu.memory_space<semaphore_mem>>)
    tpu.enqueue_dma source(%arg4 : memref<64x64xf32, #tpu.memory_space<hbm>>) target(%arg9 : memref<64x64xf32, #tpu.memory_space<vmem>>) target_semaphore(%arg14 : memref<!tpu.dma_semaphore, #tpu.memory_space<semaphore_mem>>)
    %broadcast_in_dim3A = arith.constant -1 : i32
    %broadcast_in_dim3A_39 = vector.broadcast %broadcast_in_dim3A : i32 to vector<16xi32>
    %swap3A = arith.constant 0 : index
    %swap3A_40 = tpu.vector_load %arg11[%swap3A] {strides = array<i32>} : memref<128xi32, #tpu.memory_space<vmem>>, vector<16xi32>,
    tpu.vector_store %arg11[%swap3A], %broadcast_in_dim3A_39 {strides = array<i32>} : memref<128xi32, #tpu.memory_space<vmem>>, vector<16xi32>,
    %broadcast_in_dim3A_41 = arith.constant -1 : i32
    %broadcast_in_dim3A_42 = vector.broadcast %broadcast_in_dim3A_41 : i32 to vector<16xi32>
    %swap3A_43 = arith.constant 16 : index
    %swap3A_44 = tpu.vector_load %arg11[%swap3A_43] {strides = array<i32>} : memref<128xi32, #tpu.memory_space<vmem>>, vector<16xi32>,
    tpu.vector_store %arg11[%swap3A_43], %broadcast_in_dim3A_42 {strides = array<i32>} : memref<128xi32, #tpu.memory_space<vmem>>, vector<16xi32>,
    %broadcast_in_dim3A_45 = arith.constant -1 : i32
    %broadcast_in_dim3A_46 = vector.broadcast %broadcast_in_dim3A_45 : i32 to vector<16xi32>
    %swap3A_47 = arith.constant 32 : index
    %swap3A_48 = tpu.vector_load %arg11[%swap3A_47] {strides = array<i32>} : memref<128xi32, #tpu.memory_space<vmem>>, vector<16xi32>,
    tpu.vector_store %arg11[%swap3A_47], %broadcast_in_dim3A_46 {strides = array<i32>} : memref<128xi32, #tpu.memory_space<vmem>>, vector<16xi32>,
    %broadcast_in_dim3A_49 = arith.constant -1 : i32
    %broadcast_in_dim3A_50 = vector.broadcast %broadcast_in_dim3A_49 : i32 to vector<16xi32>
    %swap3A_51 = arith.constant 48 : index
    %swap3A_52 = tpu.vector_load %arg11[%swap3A_51] {strides = array<i32>} : memref<128xi32, #tpu.memory_space<vmem>>, vector<16xi32>,
    tpu.vector_store %arg11[%swap3A_51], %broadcast_in_dim3A_50 {strides = array<i32>} : memref<128xi32, #tpu.memory_space<vmem>>, vector<16xi32>,
    %broadcast_in_dim3A_53 = arith.constant -1 : i32
    %broadcast_in_dim3A_54 = vector.broadcast %broadcast_in_dim3A_53 : i32 to vector<16xi32>
    %swap3A_55 = arith.constant 64 : index
    %swap3A_56 = tpu.vector_load %arg11[%swap3A_55] {strides = array<i32>} : memref<128xi32, #tpu.memory_space<vmem>>, vector<16xi32>,
    tpu.vector_store %arg11[%swap3A_55], %broadcast_in_dim3A_54 {strides = array<i32>} : memref<128xi32, #tpu.memory_space<vmem>>, vector<16xi32>,
    %broadcast_in_dim3A_57 = arith.constant -1 : i32
    %broadcast_in_dim3A_58 = vector.broadcast %broadcast_in_dim3A_57 : i32 to vector<16xi32>
    %swap3A_59 = arith.constant 80 : index
    %swap3A_60 = tpu.vector_load %arg11[%swap3A_59] {strides = array<i32>} : memref<128xi32, #tpu.memory_space<vmem>>, vector<16xi32>,
    tpu.vector_store %arg11[%swap3A_59], %broadcast_in_dim3A_58 {strides = array<i32>} : memref<128xi32, #tpu.memory_space<vmem>>, vector<16xi32>,
    %broadcast_in_dim3A_61 = arith.constant -1 : i32
    %broadcast_in_dim3A_62 = vector.broadcast %broadcast_in_dim3A_61 : i32 to vector<16xi32>
    %swap3A_63 = arith.constant 96 : index
    %swap3A_64 = tpu.vector_load %arg11[%swap3A_63] {strides = array<i32>} : memref<128xi32, #tpu.memory_space<vmem>>, vector<16xi32>,
    tpu.vector_store %arg11[%swap3A_63], %broadcast_in_dim3A_62 {strides = array<i32>} : memref<128xi32, #tpu.memory_space<vmem>>, vector<16xi32>,
    %broadcast_in_dim3A_65 = arith.constant -1 : i32
    %broadcast_in_dim3A_66 = vector.broadcast %broadcast_in_dim3A_65 : i32 to vector<16xi32>
    %swap3A_67 = arith.constant 112 : index
    %swap3A_68 = tpu.vector_load %arg11[%swap3A_67] {strides = array<i32>} : memref<128xi32, #tpu.memory_space<vmem>>, vector<16xi32>,
    tpu.vector_store %arg11[%swap3A_67], %broadcast_in_dim3A_66 {strides = array<i32>} : memref<128xi32, #tpu.memory_space<vmem>>, vector<16xi32>,
    %sub3A = arith.constant 7813 : i32
    %sub3A_69 = arith.subi %sub3A, %mul3A_2 : i32
    %min3A_70 = arith.constant 245 : i32
    %min3A_71 = arith.minsi %min3A_70, %sub3A_69 : i32
    %mul3A_72 = arith.constant 128 : i32
    %mul3A_73 = arith.muli %min3A_71, %mul3A_72 : i32
    %scan3A = arith.constant 0 : i32
    %scan3A_74 = arith.constant 0 : i32
    %scan3A_75 = arith.constant 512 : i32
    %scan3A_76 = arith.addi %scan3A_74, %scan3A_75 : i32
    %scan3A_77 = arith.constant 1 : i32
    %scan3A_78 = scf.for %scan3A_179 = %scan3A_74 to %scan3A_76 step %scan3A_77 iter_args(%scan3A_180 = %scan3A) -> (i32)  : i32 {
      %mul3A_181 = arith.constant 32 : i32
      %mul3A_182 = arith.muli %scan3A_179, %mul3A_181 : i32
      %get3A = arith.index_cast %mul3A_182 : i32 to index
      %get3A_183 = tpu.vector_load %arg6[%get3A] {strides = array<i32>} : memref<16384xi32, #tpu.memory_space<vmem>>, vector<16xi32>,
      %mul3A_184 = arith.constant 32 : i32
      %mul3A_185 = arith.muli %scan3A_179, %mul3A_184 : i32
      %add3A_186 = arith.constant 16 : i32
      %add3A_187 = arith.addi %mul3A_185, %add3A_186 : i32
      %get3A_188 = arith.index_cast %add3A_187 : i32 to index
      %get3A_189 = tpu.vector_load %arg6[%get3A_188] {strides = array<i32>} : memref<16384xi32, #tpu.memory_space<vmem>>, vector<16xi32>,
      %mul3A_190 = arith.constant 128 : i32
      %mul3A_191 = arith.muli %mul3A_2, %mul3A_190 : i32
      %sub3A_192 = vector.broadcast %mul3A_191 : i32 to vector<16xi32>
      %sub3A_193 = arith.subi %get3A_183, %sub3A_192 : vector<16xi32>
      %mul3A_194 = arith.constant 128 : i32
      %mul3A_195 = arith.muli %mul3A_2, %mul3A_194 : i32
      %sub3A_196 = vector.broadcast %mul3A_195 : i32 to vector<16xi32>
      %sub3A_197 = arith.subi %get3A_189, %sub3A_196 : vector<16xi32>
      %ge3A = arith.constant 0 : i32
      %ge3A_198 = vector.broadcast %ge3A : i32 to vector<16xi32>
      %ge3A_199 = arith.cmpi sge, %sub3A_193, %ge3A_198 : vector<16xi32>
      %lt3A_200 = vector.broadcast %mul3A_73 : i32 to vector<16xi32>
      %lt3A_201 = arith.cmpi slt, %sub3A_193, %lt3A_200 : vector<16xi32>
      %and3A_202 = arith.andi %ge3A_199, %lt3A_201 : vector<16xi1>
      %ge3A_203 = arith.constant 0 : i32
      %ge3A_204 = vector.broadcast %ge3A_203 : i32 to vector<16xi32>
      %ge3A_205 = arith.cmpi sge, %sub3A_197, %ge3A_204 : vector<16xi32>
      %lt3A_206 = vector.broadcast %mul3A_73 : i32 to vector<16xi32>
      %lt3A_207 = arith.cmpi slt, %sub3A_197, %lt3A_206 : vector<16xi32>
      %and3A_208 = arith.andi %ge3A_205, %lt3A_207 : vector<16xi1>
      %convert_element_type3A_209 = arith.extui %and3A_202 : vector<16xi1> to vector<16xi32>
      %broadcast_in_dim3A_210 = arith.constant true
      %broadcast_in_dim3A_211 = vector.broadcast %broadcast_in_dim3A_210 : i1 to vector<16xi1>
      %masked_cumsum3A = tpu.scan <sum>, %convert_element_type3A_209 masked %broadcast_in_dim3A_211 : vector<16xi32>, vector<16xi1> -> vector<16xi32>
      %convert_element_type3A_212 = arith.extui %and3A_208 : vector<16xi1> to vector<16xi32>
      %broadcast_in_dim3A_213 = arith.constant true
      %broadcast_in_dim3A_214 = vector.broadcast %broadcast_in_dim3A_213 : i1 to vector<16xi1>
      %masked_cumsum3A_215 = tpu.scan <sum>, %convert_element_type3A_212 masked %broadcast_in_dim3A_214 : vector<16xi32>, vector<16xi1> -> vector<16xi32>
      %mul3A_216 = arith.constant 32 : i32
      %mul3A_217 = arith.muli %scan3A_179, %mul3A_216 : i32
      %add3A_218 = vector.broadcast %mul3A_217 : i32 to vector<16xi32>
      %add3A_219 = arith.addi %add3A_218, %iota3A : vector<16xi32>
      %shift_left3A = arith.constant 15 : i32
      %shift_left3A_220 = vector.broadcast %shift_left3A : i32 to vector<16xi32>
      %shift_left3A_221 = arith.shli %add3A_219, %shift_left3A_220 : vector<16xi32>
      %or3A = arith.ori %shift_left3A_221, %sub3A_193 : vector<16xi32>
      %mul3A_222 = arith.constant 32 : i32
      %mul3A_223 = arith.muli %scan3A_179, %mul3A_222 : i32
      %add3A_224 = arith.constant 16 : i32
      %add3A_225 = arith.addi %mul3A_223, %add3A_224 : i32
      %add3A_226 = vector.broadcast %add3A_225 : i32 to vector<16xi32>
      %add3A_227 = arith.addi %add3A_226, %iota3A : vector<16xi32>
      %shift_left3A_228 = arith.constant 15 : i32
      %shift_left3A_229 = vector.broadcast %shift_left3A_228 : i32 to vector<16xi32>
      %shift_left3A_230 = arith.shli %add3A_227, %shift_left3A_229 : vector<16xi32>
      %or3A_231 = arith.ori %shift_left3A_230, %sub3A_197 : vector<16xi32>
      %slice3A = vector.extract_strided_slice %masked_cumsum3A {offsets = [15], sizes = [1], strides = [1]} : vector<16xi32> to vector<1xi32>
      %squeeze3A = vector.extract %slice3A[0] : i32 from vector<1xi32>
      %add3A_232 = vector.broadcast %scan3A_180 : i32 to vector<16xi32>
      %add3A_233 = arith.addi %add3A_232, %masked_cumsum3A : vector<16xi32>
      %sub3A_234 = arith.constant 1 : i32
      %sub3A_235 = vector.broadcast %sub3A_234 : i32 to vector<16xi32>
      %sub3A_236 = arith.subi %add3A_233, %sub3A_235 : vector<16xi32>
      tpu.vector_store_idx %arg7[%sub3A_236], %or3A masked %and3A_202 : memref<16384xi32, #tpu.memory_space<vmem>>[vector<16xi32>], vector<16xi32>, vector<16xi1>
      %add3A_237 = arith.addi %scan3A_180, %squeeze3A : i32
      %add3A_238 = vector.broadcast %add3A_237 : i32 to vector<16xi32>
      %add3A_239 = arith.addi %add3A_238, %masked_cumsum3A_215 : vector<16xi32>
      %sub3A_240 = arith.constant 1 : i32
      %sub3A_241 = vector.broadcast %sub3A_240 : i32 to vector<16xi32>
      %sub3A_242 = arith.subi %add3A_239, %sub3A_241 : vector<16xi32>
      tpu.vector_store_idx %arg7[%sub3A_242], %or3A_231 masked %and3A_208 : memref<16384xi32, #tpu.memory_space<vmem>>[vector<16xi32>], vector<16xi32>, vector<16xi1>
      %add3A_243 = arith.addi %scan3A_180, %squeeze3A : i32
      %slice3A_244 = vector.extract_strided_slice %masked_cumsum3A_215 {offsets = [15], sizes = [1], strides = [1]} : vector<16xi32> to vector<1xi32>
      %squeeze3A_245 = vector.extract %slice3A_244[0] : i32 from vector<1xi32>
      %add3A_246 = arith.addi %add3A_243, %squeeze3A_245 : i32
      scf.yield %add3A_246 : i32
    }
    %scan3A_79 = arith.constant 512 : i32
    %add3A_80 = arith.constant 15 : i32
    %add3A_81 = arith.addi %scan3A_78, %add3A_80 : i32
    %jit3A = arith.constant 16 : i32
    %div3A = arith.divsi %add3A_81, %jit3A : i32
    %sign3A = arith.constant 0 : i32
    %sign3A_82 = arith.cmpi sgt, %add3A_81, %sign3A : i32
    %sign3A_83 = arith.extui %sign3A_82 : i1 to i32
    %sign3A_84 = arith.constant 0 : i32
    %sign3A_85 = arith.cmpi slt, %add3A_81, %sign3A_84 : i32
    %sign3A_86 = arith.extui %sign3A_85 : i1 to i32
    %sign3A_87 = arith.subi %sign3A_83, %sign3A_86 : i32
    %sign3A_88 = arith.constant 0 : i32
    %sign3A_89 = arith.cmpi sgt, %jit3A, %sign3A_88 : i32
    %sign3A_90 = arith.extui %sign3A_89 : i1 to i32
    %sign3A_91 = arith.constant 0 : i32
    %sign3A_92 = arith.cmpi slt, %jit3A, %sign3A_91 : i32
    %sign3A_93 = arith.extui %sign3A_92 : i1 to i32
    %sign3A_94 = arith.subi %sign3A_90, %sign3A_93 : i32
    %ne3A = arith.cmpi ne, %sign3A_87, %sign3A_94 : i32
    %rem3A = arith.remsi %add3A_81, %jit3A : i32
    %ne3A_95 = arith.constant 0 : i32
    %ne3A_96 = arith.cmpi ne, %rem3A, %ne3A_95 : i32
    %and3A = arith.andi %ne3A, %ne3A_96 : i1
    %sub3A_97 = arith.constant 1 : i32
    %sub3A_98 = arith.subi %div3A, %sub3A_97 : i32
    %select_n3A = arith.select %and3A, %sub3A_98, %div3A : i32
    %scan3A_99 = arith.constant 0 : i32
    %scan3A_100 = arith.constant 0 : i32
    %scan3A_101 = arith.constant 0 : i32
    %scan3A_102 = arith.constant 31 : i32
    %scan3A_103 = arith.addi %scan3A_101, %scan3A_102 : i32
    %scan3A_104 = arith.constant 1 : i32
    %scan3A_105:2 = scf.for %scan3A_179 = %scan3A_101 to %scan3A_103 step %scan3A_104 iter_args(%scan3A_180 = %scan3A_99, %scan3A_181 = %scan3A_100) -> (i32, i32)  : i32 {
      %mul3A_182 = arith.constant 2 : i32
      %mul3A_183 = arith.muli %scan3A_179, %mul3A_182 : i32
      %add3A_184 = arith.constant 0 : i32
      %add3A_185 = arith.addi %mul3A_183, %add3A_184 : i32
      %mul3A_186 = arith.constant 4 : i32
      %mul3A_187 = arith.muli %add3A_185, %mul3A_186 : i32
      %add3A_188 = arith.addi %mul3A_2, %mul3A_187 : i32
      %min3A_189 = arith.constant 7808 : i32
      %min3A_190 = arith.minsi %add3A_188, %min3A_189 : i32
      %mul3A_191 = arith.constant 128 : i32
      %mul3A_192 = arith.muli %min3A_190, %mul3A_191 : i32
      %dma_wait3A = arith.constant 0 : i32
      %dma_wait3A_193 = arith.constant 0 : i32
      %dma_wait3A_194 = arith.constant 0 : i32
      %dma_wait3A_195 = tpu.memref_slice %arg8[%dma_wait3A, %dma_wait3A_193, %dma_wait3A_194] : memref<2x64x512xf32, #tpu.memory_space<vmem>> -> memref<1x64x512xf32, #tpu.memory_space<vmem>>
      %dma_wait3A_196 = tpu.memref_squeeze %dma_wait3A_195 : memref<1x64x512xf32, #tpu.memory_space<vmem>> -> memref<64x512xf32, #tpu.memory_space<vmem>>
      %dma_wait3A_197 = arith.constant 0 : i32
      %dma_wait3A_198 = tpu.memref_slice %arg3[%dma_wait3A_197, %mul3A_192] : memref<64x1000000xf32, #tpu.memory_space<hbm>> -> memref<64x512xf32, #tpu.memory_space<hbm>>
      %dma_wait3A_199 = arith.constant 0 : i32
      %dma_wait3A_200 = arith.constant 0 : i32
      %dma_wait3A_201 = tpu.memref_slice %arg8[%dma_wait3A, %dma_wait3A_199, %dma_wait3A_200] : memref<2x64x512xf32, #tpu.memory_space<vmem>> -> memref<1x64x512xf32, #tpu.memory_space<vmem>>
      %dma_wait3A_202 = tpu.memref_squeeze %dma_wait3A_201 : memref<1x64x512xf32, #tpu.memory_space<vmem>> -> memref<64x512xf32, #tpu.memory_space<vmem>>
      %dma_wait3A_203 = arith.constant 0 : i32
      %dma_wait3A_204 = tpu.memref_slice %arg3[%dma_wait3A_203, %mul3A_192] : memref<64x1000000xf32, #tpu.memory_space<hbm>> -> memref<64x512xf32, #tpu.memory_space<hbm>>
      tpu.wait_dma2 semaphore(%arg12 : memref<!tpu.dma_semaphore, #tpu.memory_space<semaphore_mem>>) src(%dma_wait3A_204 : memref<64x512xf32, #tpu.memory_space<hbm>>) dst(%dma_wait3A_202 : memref<64x512xf32, #tpu.memory_space<vmem>>)
      %mul3A_205 = arith.constant 4 : i32
      %mul3A_206 = arith.muli %add3A_185, %mul3A_205 : i32
      %add3A_207 = arith.addi %mul3A_2, %mul3A_206 : i32
      %min3A_208 = arith.constant 7808 : i32
      %min3A_209 = arith.minsi %add3A_207, %min3A_208 : i32
      %mul3A_210 = arith.constant 128 : i32
      %mul3A_211 = arith.muli %min3A_209, %mul3A_210 : i32
      %mul3A_212 = arith.constant 128 : i32
      %mul3A_213 = arith.muli %mul3A_2, %mul3A_212 : i32
      %sub3A_214 = arith.subi %mul3A_211, %mul3A_213 : i32
      %while3A_215 = arith.constant 0 : i32
      %while3A_216 = arith.constant 0 : i32
      %while3A_217 = arith.subi %select_n3A, %while3A_215 : i32
      %while3A_218 = arith.addi %while3A_215, %while3A_217 : i32
      %while3A_219 = arith.constant 1 : i32
      %while3A_220 = arith.divsi %while3A_217, %while3A_219 : i32
      %while3A_221 = arith.muli %while3A_220, %while3A_219 : i32
      %while3A_222 = arith.addi %while3A_215, %while3A_221 : i32
      %while3A_223 = arith.constant 1 : i32
      %while3A_224 = scf.for %while3A_311 = %while3A_215 to %while3A_222 step %while3A_223 iter_args(%while3A_312 = %while3A_216) -> (i32)  : i32 {
        %mul3A_313 = arith.constant 16 : i32
        %mul3A_314 = arith.muli %while3A_311, %mul3A_313 : i32
        %get3A = arith.index_cast %mul3A_314 : i32 to index
        %get3A_315 = tpu.vector_load %arg7[%get3A] {strides = array<i32>} : memref<16384xi32, #tpu.memory_space<vmem>>, vector<16xi32>,
        %mul3A_316 = arith.constant 16 : i32
        %mul3A_317 = arith.muli %while3A_311, %mul3A_316 : i32
        %add3A_318 = vector.broadcast %mul3A_317 : i32 to vector<16xi32>
        %add3A_319 = arith.addi %add3A_318, %iota3A : vector<16xi32>
        %lt3A_320 = vector.broadcast %scan3A_78 : i32 to vector<16xi32>
        %lt3A_321 = arith.cmpi slt, %add3A_319, %lt3A_320 : vector<16xi32>
        %and3A_322 = arith.constant 32767 : i32
        %and3A_323 = vector.broadcast %and3A_322 : i32 to vector<16xi32>
        %and3A_324 = arith.andi %get3A_315, %and3A_323 : vector<16xi32>
        %ge3A = vector.broadcast %sub3A_214 : i32 to vector<16xi32>
        %ge3A_325 = arith.cmpi sge, %and3A_324, %ge3A : vector<16xi32>
        %and3A_326 = arith.andi %lt3A_321, %ge3A_325 : vector<16xi1>
        %add3A_327 = arith.constant 512 : i32
        %add3A_328 = arith.addi %sub3A_214, %add3A_327 : i32
        %lt3A_329 = vector.broadcast %add3A_328 : i32 to vector<16xi32>
        %lt3A_330 = arith.cmpi slt, %and3A_324, %lt3A_329 : vector<16xi32>
        %and3A_331 = arith.andi %and3A_326, %lt3A_330 : vector<16xi1>
        %convert_element_type3A_332 = arith.extui %and3A_331 : vector<16xi1> to vector<16xi32>
        %broadcast_in_dim3A_333 = arith.constant true
        %broadcast_in_dim3A_334 = vector.broadcast %broadcast_in_dim3A_333 : i1 to vector<16xi1>
        %masked_cumsum3A = tpu.scan <sum>, %convert_element_type3A_332 masked %broadcast_in_dim3A_334 : vector<16xi32>, vector<16xi1> -> vector<16xi32>
        %add3A_335 = vector.broadcast %while3A_312 : i32 to vector<16xi32>
        %add3A_336 = arith.addi %add3A_335, %masked_cumsum3A : vector<16xi32>
        %sub3A_337 = arith.constant 1 : i32
        %sub3A_338 = vector.broadcast %sub3A_337 : i32 to vector<16xi32>
        %sub3A_339 = arith.subi %add3A_336, %sub3A_338 : vector<16xi32>
        tpu.vector_store_idx %arg6[%sub3A_339], %get3A_315 masked %and3A_331 : memref<16384xi32, #tpu.memory_space<vmem>>[vector<16xi32>], vector<16xi32>, vector<16xi1>
        %slice3A = vector.extract_strided_slice %masked_cumsum3A {offsets = [15], sizes = [1], strides = [1]} : vector<16xi32> to vector<1xi32>
        %squeeze3A = vector.extract %slice3A[0] : i32 from vector<1xi32>
        %add3A_340 = arith.addi %while3A_312, %squeeze3A : i32
        scf.yield %add3A_340 : i32
      }
      %while3A_225 = arith.constant 1 : i32
      %while3A_226 = scf.for %while3A_311 = %while3A_222 to %while3A_218 step %while3A_225 iter_args(%while3A_312 = %while3A_224) -> (i32)  : i32 {
        %mul3A_313 = arith.constant 16 : i32
        %mul3A_314 = arith.muli %while3A_311, %mul3A_313 : i32
        %get3A = arith.index_cast %mul3A_314 : i32 to index
        %get3A_315 = tpu.vector_load %arg7[%get3A] {strides = array<i32>} : memref<16384xi32, #tpu.memory_space<vmem>>, vector<16xi32>,
        %mul3A_316 = arith.constant 16 : i32
        %mul3A_317 = arith.muli %while3A_311, %mul3A_316 : i32
        %add3A_318 = vector.broadcast %mul3A_317 : i32 to vector<16xi32>
        %add3A_319 = arith.addi %add3A_318, %iota3A : vector<16xi32>
        %lt3A_320 = vector.broadcast %scan3A_78 : i32 to vector<16xi32>
        %lt3A_321 = arith.cmpi slt, %add3A_319, %lt3A_320 : vector<16xi32>
        %and3A_322 = arith.constant 32767 : i32
        %and3A_323 = vector.broadcast %and3A_322 : i32 to vector<16xi32>
        %and3A_324 = arith.andi %get3A_315, %and3A_323 : vector<16xi32>
        %ge3A = vector.broadcast %sub3A_214 : i32 to vector<16xi32>
        %ge3A_325 = arith.cmpi sge, %and3A_324, %ge3A : vector<16xi32>
        %and3A_326 = arith.andi %lt3A_321, %ge3A_325 : vector<16xi1>
        %add3A_327 = arith.constant 512 : i32
        %add3A_328 = arith.addi %sub3A_214, %add3A_327 : i32
        %lt3A_329 = vector.broadcast %add3A_328 : i32 to vector<16xi32>
        %lt3A_330 = arith.cmpi slt, %and3A_324, %lt3A_329 : vector<16xi32>
        %and3A_331 = arith.andi %and3A_326, %lt3A_330 : vector<16xi1>
        %convert_element_type3A_332 = arith.extui %and3A_331 : vector<16xi1> to vector<16xi32>
        %broadcast_in_dim3A_333 = arith.constant true
        %broadcast_in_dim3A_334 = vector.broadcast %broadcast_in_dim3A_333 : i1 to vector<16xi1>
        %masked_cumsum3A = tpu.scan <sum>, %convert_element_type3A_332 masked %broadcast_in_dim3A_334 : vector<16xi32>, vector<16xi1> -> vector<16xi32>
        %add3A_335 = vector.broadcast %while3A_312 : i32 to vector<16xi32>
        %add3A_336 = arith.addi %add3A_335, %masked_cumsum3A : vector<16xi32>
        %sub3A_337 = arith.constant 1 : i32
        %sub3A_338 = vector.broadcast %sub3A_337 : i32 to vector<16xi32>
        %sub3A_339 = arith.subi %add3A_336, %sub3A_338 : vector<16xi32>
        tpu.vector_store_idx %arg6[%sub3A_339], %get3A_315 masked %and3A_331 : memref<16384xi32, #tpu.memory_space<vmem>>[vector<16xi32>], vector<16xi32>, vector<16xi1>
        %slice3A = vector.extract_strided_slice %masked_cumsum3A {offsets = [15], sizes = [1], strides = [1]} : vector<16xi32> to vector<1xi32>
        %squeeze3A = vector.extract %slice3A[0] : i32 from vector<1xi32>
        %add3A_340 = arith.addi %while3A_312, %squeeze3A : i32
        scf.yield %add3A_340 : i32
      }
      %while3A_227 = arith.constant 0 : i32
      %while3A_228 = arith.constant 0 : i32
      %while3A_229 = arith.subi %while3A_226, %while3A_228 : i32
      %while3A_230 = arith.addi %while3A_228, %while3A_229 : i32
      %while3A_231 = arith.constant 1 : i32
      %while3A_232 = arith.divsi %while3A_229, %while3A_231 : i32
      %while3A_233 = arith.muli %while3A_232, %while3A_231 : i32
      %while3A_234 = arith.addi %while3A_228, %while3A_233 : i32
      %while3A_235 = arith.constant 1 : i32
      %while3A_236:2 = scf.for %while3A_311 = %while3A_228 to %while3A_234 step %while3A_235 iter_args(%while3A_312 = %scan3A_180, %while3A_313 = %scan3A_181) -> (i32, i32)  : i32 {
        %broadcast_in_dim3A_314 = vector.broadcast %while3A_311 : i32 to vector<16xi32>
        %gather3A = tpu.vector_load_idx %arg6[%broadcast_in_dim3A_314] : memref<16384xi32, #tpu.memory_space<vmem>>[vector<16xi32>], vector<16xi32>,
        %and3A_315 = arith.constant 32767 : i32
        %and3A_316 = vector.broadcast %and3A_315 : i32 to vector<16xi32>
        %and3A_317 = arith.andi %gather3A, %and3A_316 : vector<16xi32>
        %sub3A_318 = vector.broadcast %sub3A_214 : i32 to vector<16xi32>
        %sub3A_319 = arith.subi %and3A_317, %sub3A_318 : vector<16xi32>
        %shift_right_logical3A = arith.constant 15 : i32
        %shift_right_logical3A_320 = vector.broadcast %shift_right_logical3A : i32 to vector<16xi32>
        %shift_right_logical3A_321 = arith.shrui %gather3A, %shift_right_logical3A_320 : vector<16xi32>
        %add3A_322 = arith.constant 0 : i32
        %add3A_323 = vector.broadcast %add3A_322 : i32 to vector<16xi32>
        %add3A_324 = arith.addi %iota3A, %add3A_323 : vector<16xi32>
        %gather3A_325 = arith.constant 0 : i32
        %gather3A_326 = arith.constant 0 : i32
        %gather3A_327 = tpu.memref_slice %arg8[%while3A_227, %gather3A_325, %gather3A_326] : memref<2x64x512xf32, #tpu.memory_space<vmem>> -> memref<1x64x512xf32, #tpu.memory_space<vmem>>
        %gather3A_328 = tpu.memref_squeeze %gather3A_327 : memref<1x64x512xf32, #tpu.memory_space<vmem>> -> memref<64x512xf32, #tpu.memory_space<vmem>>
        %gather3A_329 = tpu.vector_load_idx %gather3A_328[%add3A_324, %sub3A_319] : memref<64x512xf32, #tpu.memory_space<vmem>>[vector<16xi32>, vector<16xi32>], vector<16xf32>,
        %swap3A_330 = arith.index_cast %while3A_312 : i32 to index
        %swap3A_331 = arith.constant 0 : index
        %swap3A_332 = tpu.vector_load %arg10[%swap3A_330, %swap3A_331] {strides = array<i32>} : memref<128x128xf32, #tpu.memory_space<vmem>>, vector<16xf32>,
        tpu.vector_store %arg10[%swap3A_330, %swap3A_331], %gather3A_329 {strides = array<i32>} : memref<128x128xf32, #tpu.memory_space<vmem>>, vector<16xf32>,
        %add3A_333 = arith.constant 16 : i32
        %add3A_334 = vector.broadcast %add3A_333 : i32 to vector<16xi32>
        %add3A_335 = arith.addi %iota3A, %add3A_334 : vector<16xi32>
        %gather3A_336 = arith.constant 0 : i32
        %gather3A_337 = arith.constant 0 : i32
        %gather3A_338 = tpu.memref_slice %arg8[%while3A_227, %gather3A_336, %gather3A_337] : memref<2x64x512xf32, #tpu.memory_space<vmem>> -> memref<1x64x512xf32, #tpu.memory_space<vmem>>
        %gather3A_339 = tpu.memref_squeeze %gather3A_338 : memref<1x64x512xf32, #tpu.memory_space<vmem>> -> memref<64x512xf32, #tpu.memory_space<vmem>>
        %gather3A_340 = tpu.vector_load_idx %gather3A_339[%add3A_335, %sub3A_319] : memref<64x512xf32, #tpu.memory_space<vmem>>[vector<16xi32>, vector<16xi32>], vector<16xf32>,
        %swap3A_341 = arith.index_cast %while3A_312 : i32 to index
        %swap3A_342 = arith.constant 16 : index
        %swap3A_343 = tpu.vector_load %arg10[%swap3A_341, %swap3A_342] {strides = array<i32>} : memref<128x128xf32, #tpu.memory_space<vmem>>, vector<16xf32>,
        tpu.vector_store %arg10[%swap3A_341, %swap3A_342], %gather3A_340 {strides = array<i32>} : memref<128x128xf32, #tpu.memory_space<vmem>>, vector<16xf32>,
        %add3A_344 = arith.constant 32 : i32
        %add3A_345 = vector.broadcast %add3A_344 : i32 to vector<16xi32>
        %add3A_346 = arith.addi %iota3A, %add3A_345 : vector<16xi32>
        %gather3A_347 = arith.constant 0 : i32
        %gather3A_348 = arith.constant 0 : i32
        %gather3A_349 = tpu.memref_slice %arg8[%while3A_227, %gather3A_347, %gather3A_348] : memref<2x64x512xf32, #tpu.memory_space<vmem>> -> memref<1x64x512xf32, #tpu.memory_space<vmem>>
        %gather3A_350 = tpu.memref_squeeze %gather3A_349 : memref<1x64x512xf32, #tpu.memory_space<vmem>> -> memref<64x512xf32, #tpu.memory_space<vmem>>
        %gather3A_351 = tpu.vector_load_idx %gather3A_350[%add3A_346, %sub3A_319] : memref<64x512xf32, #tpu.memory_space<vmem>>[vector<16xi32>, vector<16xi32>], vector<16xf32>,
        %swap3A_352 = arith.index_cast %while3A_312 : i32 to index
        %swap3A_353 = arith.constant 32 : index
        %swap3A_354 = tpu.vector_load %arg10[%swap3A_352, %swap3A_353] {strides = array<i32>} : memref<128x128xf32, #tpu.memory_space<vmem>>, vector<16xf32>,
        tpu.vector_store %arg10[%swap3A_352, %swap3A_353], %gather3A_351 {strides = array<i32>} : memref<128x128xf32, #tpu.memory_space<vmem>>, vector<16xf32>,
        %add3A_355 = arith.constant 48 : i32
        %add3A_356 = vector.broadcast %add3A_355 : i32 to vector<16xi32>
        %add3A_357 = arith.addi %iota3A, %add3A_356 : vector<16xi32>
        %gather3A_358 = arith.constant 0 : i32
        %gather3A_359 = arith.constant 0 : i32
        %gather3A_360 = tpu.memref_slice %arg8[%while3A_227, %gather3A_358, %gather3A_359] : memref<2x64x512xf32, #tpu.memory_space<vmem>> -> memref<1x64x512xf32, #tpu.memory_space<vmem>>
        %gather3A_361 = tpu.memref_squeeze %gather3A_360 : memref<1x64x512xf32, #tpu.memory_space<vmem>> -> memref<64x512xf32, #tpu.memory_space<vmem>>
        %gather3A_362 = tpu.vector_load_idx %gather3A_361[%add3A_357, %sub3A_319] : memref<64x512xf32, #tpu.memory_space<vmem>>[vector<16xi32>, vector<16xi32>], vector<16xf32>,
        %swap3A_363 = arith.index_cast %while3A_312 : i32 to index
        %swap3A_364 = arith.constant 48 : index
        %swap3A_365 = tpu.vector_load %arg10[%swap3A_363, %swap3A_364] {strides = array<i32>} : memref<128x128xf32, #tpu.memory_space<vmem>>, vector<16xf32>,
        tpu.vector_store %arg10[%swap3A_363, %swap3A_364], %gather3A_362 {strides = array<i32>} : memref<128x128xf32, #tpu.memory_space<vmem>>, vector<16xf32>,
        %broadcast_in_dim3A_366 = vector.broadcast %while3A_312 : i32 to vector<16xi32>
        %eq3A_367 = arith.constant 0 : i32
        %eq3A_368 = vector.broadcast %eq3A_367 : i32 to vector<16xi32>
        %eq3A_369 = arith.cmpi eq, %iota3A, %eq3A_368 : vector<16xi32>
        tpu.vector_store_idx %arg11[%broadcast_in_dim3A_366], %shift_right_logical3A_321 masked %eq3A_369 : memref<128xi32, #tpu.memory_space<vmem>>[vector<16xi32>], vector<16xi32>, vector<16xi1>
        %add3A_370 = arith.constant 1 : i32
        %add3A_371 = arith.addi %while3A_312, %add3A_370 : i32
        %jit3A_372 = arith.constant 64 : i32
        %eq3A_373 = arith.constant 0 : i32
        %eq3A_374 = arith.cmpi eq, %jit3A_372, %eq3A_373 : i32
        %jit3A_375 = arith.constant 1 : i32
        %select_n3A_376 = arith.select %eq3A_374, %jit3A_375, %jit3A_372 : i32
        %rem3A_377 = arith.remsi %add3A_371, %select_n3A_376 : i32
        %ne3A_378 = arith.constant 0 : i32
        %ne3A_379 = arith.cmpi ne, %rem3A_377, %ne3A_378 : i32
        %lt3A_380 = arith.constant 0 : i32
        %lt3A_381 = arith.cmpi slt, %rem3A_377, %lt3A_380 : i32
        %lt3A_382 = arith.constant 0 : i32
        %lt3A_383 = arith.cmpi slt, %select_n3A_376, %lt3A_382 : i32
        %ne3A_384 = arith.xori %lt3A_381, %lt3A_383 : i1
        %and3A_385 = arith.andi %ne3A_384, %ne3A_379 : i1
        %add3A_386 = arith.addi %rem3A_377, %select_n3A_376 : i32
        %select_n3A_387 = arith.select %and3A_385, %add3A_386, %rem3A_377 : i32
        %eq3A_388 = arith.constant 0 : i32
        %eq3A_389 = arith.cmpi eq, %select_n3A_387, %eq3A_388 : i32
        %convert_element_type3A_390 = arith.extui %eq3A_389 : i1 to i32
        %cond3A_391 = arith.constant 0 : i32
        %cond3A_392 = arith.cmpi ne, %convert_element_type3A_390, %cond3A_391 : i32
        scf.if %cond3A_392 {
          %jit3A_417 = arith.constant 64 : i32
          %div3A_418 = arith.divsi %add3A_371, %jit3A_417 : i32
          %sign3A_419 = arith.constant 0 : i32
          %sign3A_420 = arith.cmpi sgt, %add3A_371, %sign3A_419 : i32
          %sign3A_421 = arith.extui %sign3A_420 : i1 to i32
          %sign3A_422 = arith.constant 0 : i32
          %sign3A_423 = arith.cmpi slt, %add3A_371, %sign3A_422 : i32
          %sign3A_424 = arith.extui %sign3A_423 : i1 to i32
          %sign3A_425 = arith.subi %sign3A_421, %sign3A_424 : i32
          %sign3A_426 = arith.constant 0 : i32
          %sign3A_427 = arith.cmpi sgt, %jit3A_417, %sign3A_426 : i32
          %sign3A_428 = arith.extui %sign3A_427 : i1 to i32
          %sign3A_429 = arith.constant 0 : i32
          %sign3A_430 = arith.cmpi slt, %jit3A_417, %sign3A_429 : i32
          %sign3A_431 = arith.extui %sign3A_430 : i1 to i32
          %sign3A_432 = arith.subi %sign3A_428, %sign3A_431 : i32
          %ne3A_433 = arith.cmpi ne, %sign3A_425, %sign3A_432 : i32
          %rem3A_434 = arith.remsi %add3A_371, %jit3A_417 : i32
          %ne3A_435 = arith.constant 0 : i32
          %ne3A_436 = arith.cmpi ne, %rem3A_434, %ne3A_435 : i32
          %and3A_437 = arith.andi %ne3A_433, %ne3A_436 : i1
          %sub3A_438 = arith.constant 1 : i32
          %sub3A_439 = arith.subi %div3A_418, %sub3A_438 : i32
          %select_n3A_440 = arith.select %and3A_437, %sub3A_439, %div3A_418 : i32
          %sub3A_441 = arith.constant 1 : i32
          %sub3A_442 = arith.subi %select_n3A_440, %sub3A_441 : i32
          %jit3A_443 = arith.constant 2 : i32
          %eq3A_444 = arith.constant 0 : i32
          %eq3A_445 = arith.cmpi eq, %jit3A_443, %eq3A_444 : i32
          %jit3A_446 = arith.constant 1 : i32
          %select_n3A_447 = arith.select %eq3A_445, %jit3A_446, %jit3A_443 : i32
          %rem3A_448 = arith.remsi %sub3A_442, %select_n3A_447 : i32
          %ne3A_449 = arith.constant 0 : i32
          %ne3A_450 = arith.cmpi ne, %rem3A_448, %ne3A_449 : i32
          %lt3A_451 = arith.constant 0 : i32
          %lt3A_452 = arith.cmpi slt, %rem3A_448, %lt3A_451 : i32
          %lt3A_453 = arith.constant 0 : i32
          %lt3A_454 = arith.cmpi slt, %select_n3A_447, %lt3A_453 : i32
          %ne3A_455 = arith.xori %lt3A_452, %lt3A_454 : i1
          %and3A_456 = arith.andi %ne3A_455, %ne3A_450 : i1
          %add3A_457 = arith.addi %rem3A_448, %select_n3A_447 : i32
          %select_n3A_458 = arith.select %and3A_456, %add3A_457, %rem3A_448 : i32
          %sub3A_459 = arith.constant 1 : i32
          %sub3A_460 = arith.subi %sub3A_459, %select_n3A_458 : i32
          %mul3A_461 = arith.constant 64 : i32
          %mul3A_462 = arith.muli %select_n3A_458, %mul3A_461 : i32
          %mul3A_463 = arith.constant 64 : i32
          %mul3A_464 = arith.muli %select_n3A_458, %mul3A_463 : i32
          %dma_start3A_465 = arith.constant 0 : i32
          %dma_start3A_466 = tpu.memref_slice %arg10[%mul3A_462, %dma_start3A_465] : memref<128x128xf32, #tpu.memory_space<vmem>> -> memref<64x128xf32, #tpu.memory_space<vmem>>
          %dma_start3A_467 = tpu.memref_slice %arg11[%mul3A_464] : memref<128xi32, #tpu.memory_space<vmem>> -> memref<64xi32, #tpu.memory_space<vmem>>
          %dma_start3A_468 = arith.constant 0 : i32
          %dma_start3A_469 = arith.constant 0 : i32
          %dma_start3A_470 = tpu.memref_slice %arg5[%dma_start3A_468, %dma_start3A_469] : memref<16384x128xf32, #tpu.memory_space<hbm>> -> memref<16384x128xf32, #tpu.memory_space<hbm>>
          %dma_start3A_471 = arith.constant -1 : i32
          tpu.enqueue_indirect_dma source(%dma_start3A_466 : memref<64x128xf32, #tpu.memory_space<vmem>>) target(%dma_start3A_470 : memref<16384x128xf32, #tpu.memory_space<hbm>>) offsets(%dma_start3A_467 : memref<64xi32, #tpu.memory_space<vmem>>) offset_filter(%dma_start3A_471) semaphore(%arg15 : memref<!tpu.dma_semaphore, #tpu.memory_space<semaphore_mem>>)
          %ne3A_472 = arith.constant 0 : i32
          %ne3A_473 = arith.cmpi ne, %while3A_313, %ne3A_472 : i32
          %convert_element_type3A_474 = arith.extui %ne3A_473 : i1 to i32
          %cond3A_475 = arith.constant 0 : i32
          %cond3A_476 = arith.cmpi ne, %convert_element_type3A_474, %cond3A_475 : i32
          scf.if %cond3A_476 {
            %mul3A_509 = arith.constant 64 : i32
            %mul3A_510 = arith.muli %sub3A_460, %mul3A_509 : i32
            %mul3A_511 = arith.constant 64 : i32
            %mul3A_512 = arith.muli %sub3A_460, %mul3A_511 : i32
            %dma_wait3A_513 = arith.constant 0 : i32
            %dma_wait3A_514 = tpu.memref_slice %arg10[%mul3A_510, %dma_wait3A_513] : memref<128x128xf32, #tpu.memory_space<vmem>> -> memref<64x128xf32, #tpu.memory_space<vmem>>
            %dma_wait3A_515 = tpu.memref_slice %arg11[%mul3A_512] : memref<128xi32, #tpu.memory_space<vmem>> -> memref<64xi32, #tpu.memory_space<vmem>>
            %dma_wait3A_516 = arith.constant 0 : i32
            %dma_wait3A_517 = arith.constant 0 : i32
            %dma_wait3A_518 = tpu.memref_slice %arg5[%dma_wait3A_516, %dma_wait3A_517] : memref<16384x128xf32, #tpu.memory_space<hbm>> -> memref<16384x128xf32, #tpu.memory_space<hbm>>
            tpu.wait_indirect_dma semaphore(%arg15 : memref<!tpu.dma_semaphore, #tpu.memory_space<semaphore_mem>>) src(%dma_wait3A_514 : memref<64x128xf32, #tpu.memory_space<vmem>>) dst(%dma_wait3A_518 : memref<16384x128xf32, #tpu.memory_space<hbm>>)
          } else {
          }
          %broadcast_in_dim3A_477 = arith.constant -1 : i32
          %broadcast_in_dim3A_478 = vector.broadcast %broadcast_in_dim3A_477 : i32 to vector<16xi32>
          %mul3A_479 = arith.constant 64 : i32
          %mul3A_480 = arith.muli %sub3A_460, %mul3A_479 : i32
          %add3A_481 = arith.constant 0 : i32
          %add3A_482 = arith.addi %mul3A_480, %add3A_481 : i32
          %swap3A_483 = arith.index_cast %add3A_482 : i32 to index
          %swap3A_484 = tpu.vector_load %arg11[%swap3A_483] {strides = array<i32>} : memref<128xi32, #tpu.memory_space<vmem>>, vector<16xi32>,
          tpu.vector_store %arg11[%swap3A_483], %broadcast_in_dim3A_478 {strides = array<i32>} : memref<128xi32, #tpu.memory_space<vmem>>, vector<16xi32>,
          %broadcast_in_dim3A_485 = arith.constant -1 : i32
          %broadcast_in_dim3A_486 = vector.broadcast %broadcast_in_dim3A_485 : i32 to vector<16xi32>
          %mul3A_487 = arith.constant 64 : i32
          %mul3A_488 = arith.muli %sub3A_460, %mul3A_487 : i32
          %add3A_489 = arith.constant 16 : i32
          %add3A_490 = arith.addi %mul3A_488, %add3A_489 : i32
          %swap3A_491 = arith.index_cast %add3A_490 : i32 to index
          %swap3A_492 = tpu.vector_load %arg11[%swap3A_491] {strides = array<i32>} : memref<128xi32, #tpu.memory_space<vmem>>, vector<16xi32>,
          tpu.vector_store %arg11[%swap3A_491], %broadcast_in_dim3A_486 {strides = array<i32>} : memref<128xi32, #tpu.memory_space<vmem>>, vector<16xi32>,
          %broadcast_in_dim3A_493 = arith.constant -1 : i32
          %broadcast_in_dim3A_494 = vector.broadcast %broadcast_in_dim3A_493 : i32 to vector<16xi32>
          %mul3A_495 = arith.constant 64 : i32
          %mul3A_496 = arith.muli %sub3A_460, %mul3A_495 : i32
          %add3A_497 = arith.constant 32 : i32
          %add3A_498 = arith.addi %mul3A_496, %add3A_497 : i32
          %swap3A_499 = arith.index_cast %add3A_498 : i32 to index
          %swap3A_500 = tpu.vector_load %arg11[%swap3A_499] {strides = array<i32>} : memref<128xi32, #tpu.memory_space<vmem>>, vector<16xi32>,
          tpu.vector_store %arg11[%swap3A_499], %broadcast_in_dim3A_494 {strides = array<i32>} : memref<128xi32, #tpu.memory_space<vmem>>, vector<16xi32>,
          %broadcast_in_dim3A_501 = arith.constant -1 : i32
          %broadcast_in_dim3A_502 = vector.broadcast %broadcast_in_dim3A_501 : i32 to vector<16xi32>
          %mul3A_503 = arith.constant 64 : i32
          %mul3A_504 = arith.muli %sub3A_460, %mul3A_503 : i32
          %add3A_505 = arith.constant 48 : i32
          %add3A_506 = arith.addi %mul3A_504, %add3A_505 : i32
          %swap3A_507 = arith.index_cast %add3A_506 : i32 to index
          %swap3A_508 = tpu.vector_load %arg11[%swap3A_507] {strides = array<i32>} : memref<128xi32, #tpu.memory_space<vmem>>, vector<16xi32>,
          tpu.vector_store %arg11[%swap3A_507], %broadcast_in_dim3A_502 {strides = array<i32>} : memref<128xi32, #tpu.memory_space<vmem>>, vector<16xi32>,
        } else {
        }
        %eq3A_393 = arith.constant 128 : i32
        %eq3A_394 = arith.cmpi eq, %add3A_371, %eq3A_393 : i32
        %jit3A_395 = arith.constant 0 : i32
        %select_n3A_396 = arith.select %eq3A_394, %jit3A_395, %add3A_371 : i32
        %jit3A_397 = arith.constant 64 : i32
        %eq3A_398 = arith.constant 0 : i32
        %eq3A_399 = arith.cmpi eq, %jit3A_397, %eq3A_398 : i32
        %jit3A_400 = arith.constant 1 : i32
        %select_n3A_401 = arith.select %eq3A_399, %jit3A_400, %jit3A_397 : i32
        %rem3A_402 = arith.remsi %add3A_371, %select_n3A_401 : i32
        %ne3A_403 = arith.constant 0 : i32
        %ne3A_404 = arith.cmpi ne, %rem3A_402, %ne3A_403 : i32
        %lt3A_405 = arith.constant 0 : i32
        %lt3A_406 = arith.cmpi slt, %rem3A_402, %lt3A_405 : i32
        %lt3A_407 = arith.constant 0 : i32
        %lt3A_408 = arith.cmpi slt, %select_n3A_401, %lt3A_407 : i32
        %ne3A_409 = arith.xori %lt3A_406, %lt3A_408 : i1
        %and3A_410 = arith.andi %ne3A_409, %ne3A_404 : i1
        %add3A_411 = arith.addi %rem3A_402, %select_n3A_401 : i32
        %select_n3A_412 = arith.select %and3A_410, %add3A_411, %rem3A_402 : i32
        %eq3A_413 = arith.constant 0 : i32
        %eq3A_414 = arith.cmpi eq, %select_n3A_412, %eq3A_413 : i32
        %jit3A_415 = arith.constant 1 : i32
        %select_n3A_416 = arith.select %eq3A_414, %jit3A_415, %while3A_313 : i32
        scf.yield %select_n3A_396, %select_n3A_416 : i32, i32
      }
      %while3A_237 = arith.constant 1 : i32
      %while3A_238:2 = scf.for %while3A_311 = %while3A_234 to %while3A_230 step %while3A_237 iter_args(%while3A_312 = %while3A_236#0, %while3A_313 = %while3A_236#1) -> (i32, i32)  : i32 {
        %broadcast_in_dim3A_314 = vector.broadcast %while3A_311 : i32 to vector<16xi32>
        %gather3A = tpu.vector_load_idx %arg6[%broadcast_in_dim3A_314] : memref<16384xi32, #tpu.memory_space<vmem>>[vector<16xi32>], vector<16xi32>,
        %and3A_315 = arith.constant 32767 : i32
        %and3A_316 = vector.broadcast %and3A_315 : i32 to vector<16xi32>
        %and3A_317 = arith.andi %gather3A, %and3A_316 : vector<16xi32>
        %sub3A_318 = vector.broadcast %sub3A_214 : i32 to vector<16xi32>
        %sub3A_319 = arith.subi %and3A_317, %sub3A_318 : vector<16xi32>
        %shift_right_logical3A = arith.constant 15 : i32
        %shift_right_logical3A_320 = vector.broadcast %shift_right_logical3A : i32 to vector<16xi32>
        %shift_right_logical3A_321 = arith.shrui %gather3A, %shift_right_logical3A_320 : vector<16xi32>
        %add3A_322 = arith.constant 0 : i32
        %add3A_323 = vector.broadcast %add3A_322 : i32 to vector<16xi32>
        %add3A_324 = arith.addi %iota3A, %add3A_323 : vector<16xi32>
        %gather3A_325 = arith.constant 0 : i32
        %gather3A_326 = arith.constant 0 : i32
        %gather3A_327 = tpu.memref_slice %arg8[%while3A_227, %gather3A_325, %gather3A_326] : memref<2x64x512xf32, #tpu.memory_space<vmem>> -> memref<1x64x512xf32, #tpu.memory_space<vmem>>
        %gather3A_328 = tpu.memref_squeeze %gather3A_327 : memref<1x64x512xf32, #tpu.memory_space<vmem>> -> memref<64x512xf32, #tpu.memory_space<vmem>>
        %gather3A_329 = tpu.vector_load_idx %gather3A_328[%add3A_324, %sub3A_319] : memref<64x512xf32, #tpu.memory_space<vmem>>[vector<16xi32>, vector<16xi32>], vector<16xf32>,
        %swap3A_330 = arith.index_cast %while3A_312 : i32 to index
        %swap3A_331 = arith.constant 0 : index
        %swap3A_332 = tpu.vector_load %arg10[%swap3A_330, %swap3A_331] {strides = array<i32>} : memref<128x128xf32, #tpu.memory_space<vmem>>, vector<16xf32>,
        tpu.vector_store %arg10[%swap3A_330, %swap3A_331], %gather3A_329 {strides = array<i32>} : memref<128x128xf32, #tpu.memory_space<vmem>>, vector<16xf32>,
        %add3A_333 = arith.constant 16 : i32
        %add3A_334 = vector.broadcast %add3A_333 : i32 to vector<16xi32>
        %add3A_335 = arith.addi %iota3A, %add3A_334 : vector<16xi32>
        %gather3A_336 = arith.constant 0 : i32
        %gather3A_337 = arith.constant 0 : i32
        %gather3A_338 = tpu.memref_slice %arg8[%while3A_227, %gather3A_336, %gather3A_337] : memref<2x64x512xf32, #tpu.memory_space<vmem>> -> memref<1x64x512xf32, #tpu.memory_space<vmem>>
        %gather3A_339 = tpu.memref_squeeze %gather3A_338 : memref<1x64x512xf32, #tpu.memory_space<vmem>> -> memref<64x512xf32, #tpu.memory_space<vmem>>
        %gather3A_340 = tpu.vector_load_idx %gather3A_339[%add3A_335, %sub3A_319] : memref<64x512xf32, #tpu.memory_space<vmem>>[vector<16xi32>, vector<16xi32>], vector<16xf32>,
        %swap3A_341 = arith.index_cast %while3A_312 : i32 to index
        %swap3A_342 = arith.constant 16 : index
        %swap3A_343 = tpu.vector_load %arg10[%swap3A_341, %swap3A_342] {strides = array<i32>} : memref<128x128xf32, #tpu.memory_space<vmem>>, vector<16xf32>,
        tpu.vector_store %arg10[%swap3A_341, %swap3A_342], %gather3A_340 {strides = array<i32>} : memref<128x128xf32, #tpu.memory_space<vmem>>, vector<16xf32>,
        %add3A_344 = arith.constant 32 : i32
        %add3A_345 = vector.broadcast %add3A_344 : i32 to vector<16xi32>
        %add3A_346 = arith.addi %iota3A, %add3A_345 : vector<16xi32>
        %gather3A_347 = arith.constant 0 : i32
        %gather3A_348 = arith.constant 0 : i32
        %gather3A_349 = tpu.memref_slice %arg8[%while3A_227, %gather3A_347, %gather3A_348] : memref<2x64x512xf32, #tpu.memory_space<vmem>> -> memref<1x64x512xf32, #tpu.memory_space<vmem>>
        %gather3A_350 = tpu.memref_squeeze %gather3A_349 : memref<1x64x512xf32, #tpu.memory_space<vmem>> -> memref<64x512xf32, #tpu.memory_space<vmem>>
        %gather3A_351 = tpu.vector_load_idx %gather3A_350[%add3A_346, %sub3A_319] : memref<64x512xf32, #tpu.memory_space<vmem>>[vector<16xi32>, vector<16xi32>], vector<16xf32>,
        %swap3A_352 = arith.index_cast %while3A_312 : i32 to index
        %swap3A_353 = arith.constant 32 : index
        %swap3A_354 = tpu.vector_load %arg10[%swap3A_352, %swap3A_353] {strides = array<i32>} : memref<128x128xf32, #tpu.memory_space<vmem>>, vector<16xf32>,
        tpu.vector_store %arg10[%swap3A_352, %swap3A_353], %gather3A_351 {strides = array<i32>} : memref<128x128xf32, #tpu.memory_space<vmem>>, vector<16xf32>,
        %add3A_355 = arith.constant 48 : i32
        %add3A_356 = vector.broadcast %add3A_355 : i32 to vector<16xi32>
        %add3A_357 = arith.addi %iota3A, %add3A_356 : vector<16xi32>
        %gather3A_358 = arith.constant 0 : i32
        %gather3A_359 = arith.constant 0 : i32
        %gather3A_360 = tpu.memref_slice %arg8[%while3A_227, %gather3A_358, %gather3A_359] : memref<2x64x512xf32, #tpu.memory_space<vmem>> -> memref<1x64x512xf32, #tpu.memory_space<vmem>>
        %gather3A_361 = tpu.memref_squeeze %gather3A_360 : memref<1x64x512xf32, #tpu.memory_space<vmem>> -> memref<64x512xf32, #tpu.memory_space<vmem>>
        %gather3A_362 = tpu.vector_load_idx %gather3A_361[%add3A_357, %sub3A_319] : memref<64x512xf32, #tpu.memory_space<vmem>>[vector<16xi32>, vector<16xi32>], vector<16xf32>,
        %swap3A_363 = arith.index_cast %while3A_312 : i32 to index
        %swap3A_364 = arith.constant 48 : index
        %swap3A_365 = tpu.vector_load %arg10[%swap3A_363, %swap3A_364] {strides = array<i32>} : memref<128x128xf32, #tpu.memory_space<vmem>>, vector<16xf32>,
        tpu.vector_store %arg10[%swap3A_363, %swap3A_364], %gather3A_362 {strides = array<i32>} : memref<128x128xf32, #tpu.memory_space<vmem>>, vector<16xf32>,
        %broadcast_in_dim3A_366 = vector.broadcast %while3A_312 : i32 to vector<16xi32>
        %eq3A_367 = arith.constant 0 : i32
        %eq3A_368 = vector.broadcast %eq3A_367 : i32 to vector<16xi32>
        %eq3A_369 = arith.cmpi eq, %iota3A, %eq3A_368 : vector<16xi32>
        tpu.vector_store_idx %arg11[%broadcast_in_dim3A_366], %shift_right_logical3A_321 masked %eq3A_369 : memref<128xi32, #tpu.memory_space<vmem>>[vector<16xi32>], vector<16xi32>, vector<16xi1>
        %add3A_370 = arith.constant 1 : i32
        %add3A_371 = arith.addi %while3A_312, %add3A_370 : i32
        %jit3A_372 = arith.constant 64 : i32
        %eq3A_373 = arith.constant 0 : i32
        %eq3A_374 = arith.cmpi eq, %jit3A_372, %eq3A_373 : i32
        %jit3A_375 = arith.constant 1 : i32
        %select_n3A_376 = arith.select %eq3A_374, %jit3A_375, %jit3A_372 : i32
        %rem3A_377 = arith.remsi %add3A_371, %select_n3A_376 : i32
        %ne3A_378 = arith.constant 0 : i32
        %ne3A_379 = arith.cmpi ne, %rem3A_377, %ne3A_378 : i32
        %lt3A_380 = arith.constant 0 : i32
        %lt3A_381 = arith.cmpi slt, %rem3A_377, %lt3A_380 : i32
        %lt3A_382 = arith.constant 0 : i32
        %lt3A_383 = arith.cmpi slt, %select_n3A_376, %lt3A_382 : i32
        %ne3A_384 = arith.xori %lt3A_381, %lt3A_383 : i1
        %and3A_385 = arith.andi %ne3A_384, %ne3A_379 : i1
        %add3A_386 = arith.addi %rem3A_377, %select_n3A_376 : i32
        %select_n3A_387 = arith.select %and3A_385, %add3A_386, %rem3A_377 : i32
        %eq3A_388 = arith.constant 0 : i32
        %eq3A_389 = arith.cmpi eq, %select_n3A_387, %eq3A_388 : i32
        %convert_element_type3A_390 = arith.extui %eq3A_389 : i1 to i32
        %cond3A_391 = arith.constant 0 : i32
        %cond3A_392 = arith.cmpi ne, %convert_element_type3A_390, %cond3A_391 : i32
        scf.if %cond3A_392 {
          %jit3A_417 = arith.constant 64 : i32
          %div3A_418 = arith.divsi %add3A_371, %jit3A_417 : i32
          %sign3A_419 = arith.constant 0 : i32
          %sign3A_420 = arith.cmpi sgt, %add3A_371, %sign3A_419 : i32
          %sign3A_421 = arith.extui %sign3A_420 : i1 to i32
          %sign3A_422 = arith.constant 0 : i32
          %sign3A_423 = arith.cmpi slt, %add3A_371, %sign3A_422 : i32
          %sign3A_424 = arith.extui %sign3A_423 : i1 to i32
          %sign3A_425 = arith.subi %sign3A_421, %sign3A_424 : i32
          %sign3A_426 = arith.constant 0 : i32
          %sign3A_427 = arith.cmpi sgt, %jit3A_417, %sign3A_426 : i32
          %sign3A_428 = arith.extui %sign3A_427 : i1 to i32
          %sign3A_429 = arith.constant 0 : i32
          %sign3A_430 = arith.cmpi slt, %jit3A_417, %sign3A_429 : i32
          %sign3A_431 = arith.extui %sign3A_430 : i1 to i32
          %sign3A_432 = arith.subi %sign3A_428, %sign3A_431 : i32
          %ne3A_433 = arith.cmpi ne, %sign3A_425, %sign3A_432 : i32
          %rem3A_434 = arith.remsi %add3A_371, %jit3A_417 : i32
          %ne3A_435 = arith.constant 0 : i32
          %ne3A_436 = arith.cmpi ne, %rem3A_434, %ne3A_435 : i32
          %and3A_437 = arith.andi %ne3A_433, %ne3A_436 : i1
          %sub3A_438 = arith.constant 1 : i32
          %sub3A_439 = arith.subi %div3A_418, %sub3A_438 : i32
          %select_n3A_440 = arith.select %and3A_437, %sub3A_439, %div3A_418 : i32
          %sub3A_441 = arith.constant 1 : i32
          %sub3A_442 = arith.subi %select_n3A_440, %sub3A_441 : i32
          %jit3A_443 = arith.constant 2 : i32
          %eq3A_444 = arith.constant 0 : i32
          %eq3A_445 = arith.cmpi eq, %jit3A_443, %eq3A_444 : i32
          %jit3A_446 = arith.constant 1 : i32
          %select_n3A_447 = arith.select %eq3A_445, %jit3A_446, %jit3A_443 : i32
          %rem3A_448 = arith.remsi %sub3A_442, %select_n3A_447 : i32
          %ne3A_449 = arith.constant 0 : i32
          %ne3A_450 = arith.cmpi ne, %rem3A_448, %ne3A_449 : i32
          %lt3A_451 = arith.constant 0 : i32
          %lt3A_452 = arith.cmpi slt, %rem3A_448, %lt3A_451 : i32
          %lt3A_453 = arith.constant 0 : i32
          %lt3A_454 = arith.cmpi slt, %select_n3A_447, %lt3A_453 : i32
          %ne3A_455 = arith.xori %lt3A_452, %lt3A_454 : i1
          %and3A_456 = arith.andi %ne3A_455, %ne3A_450 : i1
          %add3A_457 = arith.addi %rem3A_448, %select_n3A_447 : i32
          %select_n3A_458 = arith.select %and3A_456, %add3A_457, %rem3A_448 : i32
          %sub3A_459 = arith.constant 1 : i32
          %sub3A_460 = arith.subi %sub3A_459, %select_n3A_458 : i32
          %mul3A_461 = arith.constant 64 : i32
          %mul3A_462 = arith.muli %select_n3A_458, %mul3A_461 : i32
          %mul3A_463 = arith.constant 64 : i32
          %mul3A_464 = arith.muli %select_n3A_458, %mul3A_463 : i32
          %dma_start3A_465 = arith.constant 0 : i32
          %dma_start3A_466 = tpu.memref_slice %arg10[%mul3A_462, %dma_start3A_465] : memref<128x128xf32, #tpu.memory_space<vmem>> -> memref<64x128xf32, #tpu.memory_space<vmem>>
          %dma_start3A_467 = tpu.memref_slice %arg11[%mul3A_464] : memref<128xi32, #tpu.memory_space<vmem>> -> memref<64xi32, #tpu.memory_space<vmem>>
          %dma_start3A_468 = arith.constant 0 : i32
          %dma_start3A_469 = arith.constant 0 : i32
          %dma_start3A_470 = tpu.memref_slice %arg5[%dma_start3A_468, %dma_start3A_469] : memref<16384x128xf32, #tpu.memory_space<hbm>> -> memref<16384x128xf32, #tpu.memory_space<hbm>>
          %dma_start3A_471 = arith.constant -1 : i32
          tpu.enqueue_indirect_dma source(%dma_start3A_466 : memref<64x128xf32, #tpu.memory_space<vmem>>) target(%dma_start3A_470 : memref<16384x128xf32, #tpu.memory_space<hbm>>) offsets(%dma_start3A_467 : memref<64xi32, #tpu.memory_space<vmem>>) offset_filter(%dma_start3A_471) semaphore(%arg15 : memref<!tpu.dma_semaphore, #tpu.memory_space<semaphore_mem>>)
          %ne3A_472 = arith.constant 0 : i32
          %ne3A_473 = arith.cmpi ne, %while3A_313, %ne3A_472 : i32
          %convert_element_type3A_474 = arith.extui %ne3A_473 : i1 to i32
          %cond3A_475 = arith.constant 0 : i32
          %cond3A_476 = arith.cmpi ne, %convert_element_type3A_474, %cond3A_475 : i32
          scf.if %cond3A_476 {
            %mul3A_509 = arith.constant 64 : i32
            %mul3A_510 = arith.muli %sub3A_460, %mul3A_509 : i32
            %mul3A_511 = arith.constant 64 : i32
            %mul3A_512 = arith.muli %sub3A_460, %mul3A_511 : i32
            %dma_wait3A_513 = arith.constant 0 : i32
            %dma_wait3A_514 = tpu.memref_slice %arg10[%mul3A_510, %dma_wait3A_513] : memref<128x128xf32, #tpu.memory_space<vmem>> -> memref<64x128xf32, #tpu.memory_space<vmem>>
            %dma_wait3A_515 = tpu.memref_slice %arg11[%mul3A_512] : memref<128xi32, #tpu.memory_space<vmem>> -> memref<64xi32, #tpu.memory_space<vmem>>
            %dma_wait3A_516 = arith.constant 0 : i32
            %dma_wait3A_517 = arith.constant 0 : i32
            %dma_wait3A_518 = tpu.memref_slice %arg5[%dma_wait3A_516, %dma_wait3A_517] : memref<16384x128xf32, #tpu.memory_space<hbm>> -> memref<16384x128xf32, #tpu.memory_space<hbm>>
            tpu.wait_indirect_dma semaphore(%arg15 : memref<!tpu.dma_semaphore, #tpu.memory_space<semaphore_mem>>) src(%dma_wait3A_514 : memref<64x128xf32, #tpu.memory_space<vmem>>) dst(%dma_wait3A_518 : memref<16384x128xf32, #tpu.memory_space<hbm>>)
          } else {
          }
          %broadcast_in_dim3A_477 = arith.constant -1 : i32
          %broadcast_in_dim3A_478 = vector.broadcast %broadcast_in_dim3A_477 : i32 to vector<16xi32>
          %mul3A_479 = arith.constant 64 : i32
          %mul3A_480 = arith.muli %sub3A_460, %mul3A_479 : i32
          %add3A_481 = arith.constant 0 : i32
          %add3A_482 = arith.addi %mul3A_480, %add3A_481 : i32
          %swap3A_483 = arith.index_cast %add3A_482 : i32 to index
          %swap3A_484 = tpu.vector_load %arg11[%swap3A_483] {strides = array<i32>} : memref<128xi32, #tpu.memory_space<vmem>>, vector<16xi32>,
          tpu.vector_store %arg11[%swap3A_483], %broadcast_in_dim3A_478 {strides = array<i32>} : memref<128xi32, #tpu.memory_space<vmem>>, vector<16xi32>,
          %broadcast_in_dim3A_485 = arith.constant -1 : i32
          %broadcast_in_dim3A_486 = vector.broadcast %broadcast_in_dim3A_485 : i32 to vector<16xi32>
          %mul3A_487 = arith.constant 64 : i32
          %mul3A_488 = arith.muli %sub3A_460, %mul3A_487 : i32
          %add3A_489 = arith.constant 16 : i32
          %add3A_490 = arith.addi %mul3A_488, %add3A_489 : i32
          %swap3A_491 = arith.index_cast %add3A_490 : i32 to index
          %swap3A_492 = tpu.vector_load %arg11[%swap3A_491] {strides = array<i32>} : memref<128xi32, #tpu.memory_space<vmem>>, vector<16xi32>,
          tpu.vector_store %arg11[%swap3A_491], %broadcast_in_dim3A_486 {strides = array<i32>} : memref<128xi32, #tpu.memory_space<vmem>>, vector<16xi32>,
          %broadcast_in_dim3A_493 = arith.constant -1 : i32
          %broadcast_in_dim3A_494 = vector.broadcast %broadcast_in_dim3A_493 : i32 to vector<16xi32>
          %mul3A_495 = arith.constant 64 : i32
          %mul3A_496 = arith.muli %sub3A_460, %mul3A_495 : i32
          %add3A_497 = arith.constant 32 : i32
          %add3A_498 = arith.addi %mul3A_496, %add3A_497 : i32
          %swap3A_499 = arith.index_cast %add3A_498 : i32 to index
          %swap3A_500 = tpu.vector_load %arg11[%swap3A_499] {strides = array<i32>} : memref<128xi32, #tpu.memory_space<vmem>>, vector<16xi32>,
          tpu.vector_store %arg11[%swap3A_499], %broadcast_in_dim3A_494 {strides = array<i32>} : memref<128xi32, #tpu.memory_space<vmem>>, vector<16xi32>,
          %broadcast_in_dim3A_501 = arith.constant -1 : i32
          %broadcast_in_dim3A_502 = vector.broadcast %broadcast_in_dim3A_501 : i32 to vector<16xi32>
          %mul3A_503 = arith.constant 64 : i32
          %mul3A_504 = arith.muli %sub3A_460, %mul3A_503 : i32
          %add3A_505 = arith.constant 48 : i32
          %add3A_506 = arith.addi %mul3A_504, %add3A_505 : i32
          %swap3A_507 = arith.index_cast %add3A_506 : i32 to index
          %swap3A_508 = tpu.vector_load %arg11[%swap3A_507] {strides = array<i32>} : memref<128xi32, #tpu.memory_space<vmem>>, vector<16xi32>,
          tpu.vector_store %arg11[%swap3A_507], %broadcast_in_dim3A_502 {strides = array<i32>} : memref<128xi32, #tpu.memory_space<vmem>>, vector<16xi32>,
        } else {
        }
        %eq3A_393 = arith.constant 128 : i32
        %eq3A_394 = arith.cmpi eq, %add3A_371, %eq3A_393 : i32
        %jit3A_395 = arith.constant 0 : i32
        %select_n3A_396 = arith.select %eq3A_394, %jit3A_395, %add3A_371 : i32
        %jit3A_397 = arith.constant 64 : i32
        %eq3A_398 = arith.constant 0 : i32
        %eq3A_399 = arith.cmpi eq, %jit3A_397, %eq3A_398 : i32
        %jit3A_400 = arith.constant 1 : i32
        %select_n3A_401 = arith.select %eq3A_399, %jit3A_400, %jit3A_397 : i32
        %rem3A_402 = arith.remsi %add3A_371, %select_n3A_401 : i32
        %ne3A_403 = arith.constant 0 : i32
        %ne3A_404 = arith.cmpi ne, %rem3A_402, %ne3A_403 : i32
        %lt3A_405 = arith.constant 0 : i32
        %lt3A_406 = arith.cmpi slt, %rem3A_402, %lt3A_405 : i32
        %lt3A_407 = arith.constant 0 : i32
        %lt3A_408 = arith.cmpi slt, %select_n3A_401, %lt3A_407 : i32
        %ne3A_409 = arith.xori %lt3A_406, %lt3A_408 : i1
        %and3A_410 = arith.andi %ne3A_409, %ne3A_404 : i1
        %add3A_411 = arith.addi %rem3A_402, %select_n3A_401 : i32
        %select_n3A_412 = arith.select %and3A_410, %add3A_411, %rem3A_402 : i32
        %eq3A_413 = arith.constant 0 : i32
        %eq3A_414 = arith.cmpi eq, %select_n3A_412, %eq3A_413 : i32
        %jit3A_415 = arith.constant 1 : i32
        %select_n3A_416 = arith.select %eq3A_414, %jit3A_415, %while3A_313 : i32
        scf.yield %select_n3A_396, %select_n3A_416 : i32, i32
      }
      %add3A_239 = arith.constant 2 : i32
      %add3A_240 = arith.addi %add3A_185, %add3A_239 : i32
      %lt3A_241 = arith.constant 62 : i32
      %lt3A_242 = arith.cmpi slt, %add3A_240, %lt3A_241 : i32
      %convert_element_type3A_243 = arith.extui %lt3A_242 : i1 to i32
      %cond3A_244 = arith.constant 0 : i32
      %cond3A_245 = arith.cmpi ne, %convert_element_type3A_243, %cond3A_244 : i32
      scf.if %cond3A_245 {
        %add3A_311 = arith.constant 2 : i32
        %add3A_312 = arith.addi %add3A_185, %add3A_311 : i32
        %mul3A_313 = arith.constant 4 : i32
        %mul3A_314 = arith.muli %add3A_312, %mul3A_313 : i32
        %add3A_315 = arith.addi %mul3A_2, %mul3A_314 : i32
        %min3A_316 = arith.constant 7808 : i32
        %min3A_317 = arith.minsi %add3A_315, %min3A_316 : i32
        %mul3A_318 = arith.constant 128 : i32
        %mul3A_319 = arith.muli %min3A_317, %mul3A_318 : i32
        %dma_start3A_320 = arith.constant 0 : i32
        %dma_start3A_321 = arith.constant 0 : i32
        %dma_start3A_322 = arith.constant 0 : i32
        %dma_start3A_323 = tpu.memref_slice %arg8[%dma_start3A_320, %dma_start3A_321, %dma_start3A_322] : memref<2x64x512xf32, #tpu.memory_space<vmem>> -> memref<1x64x512xf32, #tpu.memory_space<vmem>>
        %dma_start3A_324 = tpu.memref_squeeze %dma_start3A_323 : memref<1x64x512xf32, #tpu.memory_space<vmem>> -> memref<64x512xf32, #tpu.memory_space<vmem>>
        %dma_start3A_325 = arith.constant 0 : i32
        %dma_start3A_326 = tpu.memref_slice %arg3[%dma_start3A_325, %mul3A_319] : memref<64x1000000xf32, #tpu.memory_space<hbm>> -> memref<64x512xf32, #tpu.memory_space<hbm>>
        %dma_start3A_327 = arith.constant 0 : i32
        %dma_start3A_328 = arith.constant 0 : i32
        %dma_start3A_329 = tpu.memref_slice %arg8[%dma_start3A_320, %dma_start3A_327, %dma_start3A_328] : memref<2x64x512xf32, #tpu.memory_space<vmem>> -> memref<1x64x512xf32, #tpu.memory_space<vmem>>
        %dma_start3A_330 = tpu.memref_squeeze %dma_start3A_329 : memref<1x64x512xf32, #tpu.memory_space<vmem>> -> memref<64x512xf32, #tpu.memory_space<vmem>>
        %dma_start3A_331 = arith.constant 0 : i32
        %dma_start3A_332 = tpu.memref_slice %arg3[%dma_start3A_331, %mul3A_319] : memref<64x1000000xf32, #tpu.memory_space<hbm>> -> memref<64x512xf32, #tpu.memory_space<hbm>>
        tpu.enqueue_dma source(%dma_start3A_332 : memref<64x512xf32, #tpu.memory_space<hbm>>) target(%dma_start3A_330 : memref<64x512xf32, #tpu.memory_space<vmem>>) target_semaphore(%arg12 : memref<!tpu.dma_semaphore, #tpu.memory_space<semaphore_mem>>)
      } else {
      }
      %mul3A_246 = arith.constant 2 : i32
      %mul3A_247 = arith.muli %scan3A_179, %mul3A_246 : i32
      %add3A_248 = arith.constant 1 : i32
      %add3A_249 = arith.addi %mul3A_247, %add3A_248 : i32
      %mul3A_250 = arith.constant 4 : i32
      %mul3A_251 = arith.muli %add3A_249, %mul3A_250 : i32
      %add3A_252 = arith.addi %mul3A_2, %mul3A_251 : i32
      %min3A_253 = arith.constant 7808 : i32
      %min3A_254 = arith.minsi %add3A_252, %min3A_253 : i32
      %mul3A_255 = arith.constant 128 : i32
      %mul3A_256 = arith.muli %min3A_254, %mul3A_255 : i32
      %dma_wait3A_257 = arith.constant 1 : i32
      %dma_wait3A_258 = arith.constant 0 : i32
      %dma_wait3A_259 = arith.constant 0 : i32
      %dma_wait3A_260 = tpu.memref_slice %arg8[%dma_wait3A_257, %dma_wait3A_258, %dma_wait3A_259] : memref<2x64x512xf32, #tpu.memory_space<vmem>> -> memref<1x64x512xf32, #tpu.memory_space<vmem>>
      %dma_wait3A_261 = tpu.memref_squeeze %dma_wait3A_260 : memref<1x64x512xf32, #tpu.memory_space<vmem>> -> memref<64x512xf32, #tpu.memory_space<vmem>>
      %dma_wait3A_262 = arith.constant 0 : i32
      %dma_wait3A_263 = tpu.memref_slice %arg3[%dma_wait3A_262, %mul3A_256] : memref<64x1000000xf32, #tpu.memory_space<hbm>> -> memref<64x512xf32, #tpu.memory_space<hbm>>
      %dma_wait3A_264 = arith.constant 0 : i32
      %dma_wait3A_265 = arith.constant 0 : i32
      %dma_wait3A_266 = tpu.memref_slice %arg8[%dma_wait3A_257, %dma_wait3A_264, %dma_wait3A_265] : memref<2x64x512xf32, #tpu.memory_space<vmem>> -> memref<1x64x512xf32, #tpu.memory_space<vmem>>
      %dma_wait3A_267 = tpu.memref_squeeze %dma_wait3A_266 : memref<1x64x512xf32, #tpu.memory_space<vmem>> -> memref<64x512xf32, #tpu.memory_space<vmem>>
      %dma_wait3A_268 = arith.constant 0 : i32
      %dma_wait3A_269 = tpu.memref_slice %arg3[%dma_wait3A_268, %mul3A_256] : memref<64x1000000xf32, #tpu.memory_space<hbm>> -> memref<64x512xf32, #tpu.memory_space<hbm>>
      tpu.wait_dma2 semaphore(%arg13 : memref<!tpu.dma_semaphore, #tpu.memory_space<semaphore_mem>>) src(%dma_wait3A_269 : memref<64x512xf32, #tpu.memory_space<hbm>>) dst(%dma_wait3A_267 : memref<64x512xf32, #tpu.memory_space<vmem>>)
      %mul3A_270 = arith.constant 4 : i32
      %mul3A_271 = arith.muli %add3A_249, %mul3A_270 : i32
      %add3A_272 = arith.addi %mul3A_2, %mul3A_271 : i32
      %min3A_273 = arith.constant 7808 : i32
      %min3A_274 = arith.minsi %add3A_272, %min3A_273 : i32
      %mul3A_275 = arith.constant 128 : i32
      %mul3A_276 = arith.muli %min3A_274, %mul3A_275 : i32
      %mul3A_277 = arith.constant 128 : i32
      %mul3A_278 = arith.muli %mul3A_2, %mul3A_277 : i32
      %sub3A_279 = arith.subi %mul3A_276, %mul3A_278 : i32
      %while3A_280 = arith.constant 0 : i32
      %while3A_281 = arith.constant 0 : i32
      %while3A_282 = arith.subi %select_n3A, %while3A_280 : i32
      %while3A_283 = arith.addi %while3A_280, %while3A_282 : i32
      %while3A_284 = arith.constant 1 : i32
      %while3A_285 = arith.divsi %while3A_282, %while3A_284 : i32
      %while3A_286 = arith.muli %while3A_285, %while3A_284 : i32
      %while3A_287 = arith.addi %while3A_280, %while3A_286 : i32
      %while3A_288 = arith.constant 1 : i32
      %while3A_289 = scf.for %while3A_311 = %while3A_280 to %while3A_287 step %while3A_288 iter_args(%while3A_312 = %while3A_281) -> (i32)  : i32 {
        %mul3A_313 = arith.constant 16 : i32
        %mul3A_314 = arith.muli %while3A_311, %mul3A_313 : i32
        %get3A = arith.index_cast %mul3A_314 : i32 to index
        %get3A_315 = tpu.vector_load %arg7[%get3A] {strides = array<i32>} : memref<16384xi32, #tpu.memory_space<vmem>>, vector<16xi32>,
        %mul3A_316 = arith.constant 16 : i32
        %mul3A_317 = arith.muli %while3A_311, %mul3A_316 : i32
        %add3A_318 = vector.broadcast %mul3A_317 : i32 to vector<16xi32>
        %add3A_319 = arith.addi %add3A_318, %iota3A : vector<16xi32>
        %lt3A_320 = vector.broadcast %scan3A_78 : i32 to vector<16xi32>
        %lt3A_321 = arith.cmpi slt, %add3A_319, %lt3A_320 : vector<16xi32>
        %and3A_322 = arith.constant 32767 : i32
        %and3A_323 = vector.broadcast %and3A_322 : i32 to vector<16xi32>
        %and3A_324 = arith.andi %get3A_315, %and3A_323 : vector<16xi32>
        %ge3A = vector.broadcast %sub3A_279 : i32 to vector<16xi32>
        %ge3A_325 = arith.cmpi sge, %and3A_324, %ge3A : vector<16xi32>
        %and3A_326 = arith.andi %lt3A_321, %ge3A_325 : vector<16xi1>
        %add3A_327 = arith.constant 512 : i32
        %add3A_328 = arith.addi %sub3A_279, %add3A_327 : i32
        %lt3A_329 = vector.broadcast %add3A_328 : i32 to vector<16xi32>
        %lt3A_330 = arith.cmpi slt, %and3A_324, %lt3A_329 : vector<16xi32>
        %and3A_331 = arith.andi %and3A_326, %lt3A_330 : vector<16xi1>
        %convert_element_type3A_332 = arith.extui %and3A_331 : vector<16xi1> to vector<16xi32>
        %broadcast_in_dim3A_333 = arith.constant true
        %broadcast_in_dim3A_334 = vector.broadcast %broadcast_in_dim3A_333 : i1 to vector<16xi1>
        %masked_cumsum3A = tpu.scan <sum>, %convert_element_type3A_332 masked %broadcast_in_dim3A_334 : vector<16xi32>, vector<16xi1> -> vector<16xi32>
        %add3A_335 = vector.broadcast %while3A_312 : i32 to vector<16xi32>
        %add3A_336 = arith.addi %add3A_335, %masked_cumsum3A : vector<16xi32>
        %sub3A_337 = arith.constant 1 : i32
        %sub3A_338 = vector.broadcast %sub3A_337 : i32 to vector<16xi32>
        %sub3A_339 = arith.subi %add3A_336, %sub3A_338 : vector<16xi32>
        tpu.vector_store_idx %arg6[%sub3A_339], %get3A_315 masked %and3A_331 : memref<16384xi32, #tpu.memory_space<vmem>>[vector<16xi32>], vector<16xi32>, vector<16xi1>
        %slice3A = vector.extract_strided_slice %masked_cumsum3A {offsets = [15], sizes = [1], strides = [1]} : vector<16xi32> to vector<1xi32>
        %squeeze3A = vector.extract %slice3A[0] : i32 from vector<1xi32>
        %add3A_340 = arith.addi %while3A_312, %squeeze3A : i32
        scf.yield %add3A_340 : i32
      }
      %while3A_290 = arith.constant 1 : i32
      %while3A_291 = scf.for %while3A_311 = %while3A_287 to %while3A_283 step %while3A_290 iter_args(%while3A_312 = %while3A_289) -> (i32)  : i32 {
        %mul3A_313 = arith.constant 16 : i32
        %mul3A_314 = arith.muli %while3A_311, %mul3A_313 : i32
        %get3A = arith.index_cast %mul3A_314 : i32 to index
        %get3A_315 = tpu.vector_load %arg7[%get3A] {strides = array<i32>} : memref<16384xi32, #tpu.memory_space<vmem>>, vector<16xi32>,
        %mul3A_316 = arith.constant 16 : i32
        %mul3A_317 = arith.muli %while3A_311, %mul3A_316 : i32
        %add3A_318 = vector.broadcast %mul3A_317 : i32 to vector<16xi32>
        %add3A_319 = arith.addi %add3A_318, %iota3A : vector<16xi32>
        %lt3A_320 = vector.broadcast %scan3A_78 : i32 to vector<16xi32>
        %lt3A_321 = arith.cmpi slt, %add3A_319, %lt3A_320 : vector<16xi32>
        %and3A_322 = arith.constant 32767 : i32
        %and3A_323 = vector.broadcast %and3A_322 : i32 to vector<16xi32>
        %and3A_324 = arith.andi %get3A_315, %and3A_323 : vector<16xi32>
        %ge3A = vector.broadcast %sub3A_279 : i32 to vector<16xi32>
        %ge3A_325 = arith.cmpi sge, %and3A_324, %ge3A : vector<16xi32>
        %and3A_326 = arith.andi %lt3A_321, %ge3A_325 : vector<16xi1>
        %add3A_327 = arith.constant 512 : i32
        %add3A_328 = arith.addi %sub3A_279, %add3A_327 : i32
        %lt3A_329 = vector.broadcast %add3A_328 : i32 to vector<16xi32>
        %lt3A_330 = arith.cmpi slt, %and3A_324, %lt3A_329 : vector<16xi32>
        %and3A_331 = arith.andi %and3A_326, %lt3A_330 : vector<16xi1>
        %convert_element_type3A_332 = arith.extui %and3A_331 : vector<16xi1> to vector<16xi32>
        %broadcast_in_dim3A_333 = arith.constant true
        %broadcast_in_dim3A_334 = vector.broadcast %broadcast_in_dim3A_333 : i1 to vector<16xi1>
        %masked_cumsum3A = tpu.scan <sum>, %convert_element_type3A_332 masked %broadcast_in_dim3A_334 : vector<16xi32>, vector<16xi1> -> vector<16xi32>
        %add3A_335 = vector.broadcast %while3A_312 : i32 to vector<16xi32>
        %add3A_336 = arith.addi %add3A_335, %masked_cumsum3A : vector<16xi32>
        %sub3A_337 = arith.constant 1 : i32
        %sub3A_338 = vector.broadcast %sub3A_337 : i32 to vector<16xi32>
        %sub3A_339 = arith.subi %add3A_336, %sub3A_338 : vector<16xi32>
        tpu.vector_store_idx %arg6[%sub3A_339], %get3A_315 masked %and3A_331 : memref<16384xi32, #tpu.memory_space<vmem>>[vector<16xi32>], vector<16xi32>, vector<16xi1>
        %slice3A = vector.extract_strided_slice %masked_cumsum3A {offsets = [15], sizes = [1], strides = [1]} : vector<16xi32> to vector<1xi32>
        %squeeze3A = vector.extract %slice3A[0] : i32 from vector<1xi32>
        %add3A_340 = arith.addi %while3A_312, %squeeze3A : i32
        scf.yield %add3A_340 : i32
      }
      %while3A_292 = arith.constant 1 : i32
      %while3A_293 = arith.constant 0 : i32
      %while3A_294 = arith.subi %while3A_291, %while3A_293 : i32
      %while3A_295 = arith.addi %while3A_293, %while3A_294 : i32
      %while3A_296 = arith.constant 1 : i32
      %while3A_297 = arith.divsi %while3A_294, %while3A_296 : i32
      %while3A_298 = arith.muli %while3A_297, %while3A_296 : i32
      %while3A_299 = arith.addi %while3A_293, %while3A_298 : i32
      %while3A_300 = arith.constant 1 : i32
      %while3A_301:2 = scf.for %while3A_311 = %while3A_293 to %while3A_299 step %while3A_300 iter_args(%while3A_312 = %while3A_238#0, %while3A_313 = %while3A_238#1) -> (i32, i32)  : i32 {
        %broadcast_in_dim3A_314 = vector.broadcast %while3A_311 : i32 to vector<16xi32>
        %gather3A = tpu.vector_load_idx %arg6[%broadcast_in_dim3A_314] : memref<16384xi32, #tpu.memory_space<vmem>>[vector<16xi32>], vector<16xi32>,
        %and3A_315 = arith.constant 32767 : i32
        %and3A_316 = vector.broadcast %and3A_315 : i32 to vector<16xi32>
        %and3A_317 = arith.andi %gather3A, %and3A_316 : vector<16xi32>
        %sub3A_318 = vector.broadcast %sub3A_279 : i32 to vector<16xi32>
        %sub3A_319 = arith.subi %and3A_317, %sub3A_318 : vector<16xi32>
        %shift_right_logical3A = arith.constant 15 : i32
        %shift_right_logical3A_320 = vector.broadcast %shift_right_logical3A : i32 to vector<16xi32>
        %shift_right_logical3A_321 = arith.shrui %gather3A, %shift_right_logical3A_320 : vector<16xi32>
        %add3A_322 = arith.constant 0 : i32
        %add3A_323 = vector.broadcast %add3A_322 : i32 to vector<16xi32>
        %add3A_324 = arith.addi %iota3A, %add3A_323 : vector<16xi32>
        %gather3A_325 = arith.constant 0 : i32
        %gather3A_326 = arith.constant 0 : i32
        %gather3A_327 = tpu.memref_slice %arg8[%while3A_292, %gather3A_325, %gather3A_326] : memref<2x64x512xf32, #tpu.memory_space<vmem>> -> memref<1x64x512xf32, #tpu.memory_space<vmem>>
        %gather3A_328 = tpu.memref_squeeze %gather3A_327 : memref<1x64x512xf32, #tpu.memory_space<vmem>> -> memref<64x512xf32, #tpu.memory_space<vmem>>
        %gather3A_329 = tpu.vector_load_idx %gather3A_328[%add3A_324, %sub3A_319] : memref<64x512xf32, #tpu.memory_space<vmem>>[vector<16xi32>, vector<16xi32>], vector<16xf32>,
        %swap3A_330 = arith.index_cast %while3A_312 : i32 to index
        %swap3A_331 = arith.constant 0 : index
        %swap3A_332 = tpu.vector_load %arg10[%swap3A_330, %swap3A_331] {strides = array<i32>} : memref<128x128xf32, #tpu.memory_space<vmem>>, vector<16xf32>,
        tpu.vector_store %arg10[%swap3A_330, %swap3A_331], %gather3A_329 {strides = array<i32>} : memref<128x128xf32, #tpu.memory_space<vmem>>, vector<16xf32>,
        %add3A_333 = arith.constant 16 : i32
        %add3A_334 = vector.broadcast %add3A_333 : i32 to vector<16xi32>
        %add3A_335 = arith.addi %iota3A, %add3A_334 : vector<16xi32>
        %gather3A_336 = arith.constant 0 : i32
        %gather3A_337 = arith.constant 0 : i32
        %gather3A_338 = tpu.memref_slice %arg8[%while3A_292, %gather3A_336, %gather3A_337] : memref<2x64x512xf32, #tpu.memory_space<vmem>> -> memref<1x64x512xf32, #tpu.memory_space<vmem>>
        %gather3A_339 = tpu.memref_squeeze %gather3A_338 : memref<1x64x512xf32, #tpu.memory_space<vmem>> -> memref<64x512xf32, #tpu.memory_space<vmem>>
        %gather3A_340 = tpu.vector_load_idx %gather3A_339[%add3A_335, %sub3A_319] : memref<64x512xf32, #tpu.memory_space<vmem>>[vector<16xi32>, vector<16xi32>], vector<16xf32>,
        %swap3A_341 = arith.index_cast %while3A_312 : i32 to index
        %swap3A_342 = arith.constant 16 : index
        %swap3A_343 = tpu.vector_load %arg10[%swap3A_341, %swap3A_342] {strides = array<i32>} : memref<128x128xf32, #tpu.memory_space<vmem>>, vector<16xf32>,
        tpu.vector_store %arg10[%swap3A_341, %swap3A_342], %gather3A_340 {strides = array<i32>} : memref<128x128xf32, #tpu.memory_space<vmem>>, vector<16xf32>,
        %add3A_344 = arith.constant 32 : i32
        %add3A_345 = vector.broadcast %add3A_344 : i32 to vector<16xi32>
        %add3A_346 = arith.addi %iota3A, %add3A_345 : vector<16xi32>
        %gather3A_347 = arith.constant 0 : i32
        %gather3A_348 = arith.constant 0 : i32
        %gather3A_349 = tpu.memref_slice %arg8[%while3A_292, %gather3A_347, %gather3A_348] : memref<2x64x512xf32, #tpu.memory_space<vmem>> -> memref<1x64x512xf32, #tpu.memory_space<vmem>>
        %gather3A_350 = tpu.memref_squeeze %gather3A_349 : memref<1x64x512xf32, #tpu.memory_space<vmem>> -> memref<64x512xf32, #tpu.memory_space<vmem>>
        %gather3A_351 = tpu.vector_load_idx %gather3A_350[%add3A_346, %sub3A_319] : memref<64x512xf32, #tpu.memory_space<vmem>>[vector<16xi32>, vector<16xi32>], vector<16xf32>,
        %swap3A_352 = arith.index_cast %while3A_312 : i32 to index
        %swap3A_353 = arith.constant 32 : index
        %swap3A_354 = tpu.vector_load %arg10[%swap3A_352, %swap3A_353] {strides = array<i32>} : memref<128x128xf32, #tpu.memory_space<vmem>>, vector<16xf32>,
        tpu.vector_store %arg10[%swap3A_352, %swap3A_353], %gather3A_351 {strides = array<i32>} : memref<128x128xf32, #tpu.memory_space<vmem>>, vector<16xf32>,
        %add3A_355 = arith.constant 48 : i32
        %add3A_356 = vector.broadcast %add3A_355 : i32 to vector<16xi32>
        %add3A_357 = arith.addi %iota3A, %add3A_356 : vector<16xi32>
        %gather3A_358 = arith.constant 0 : i32
        %gather3A_359 = arith.constant 0 : i32
        %gather3A_360 = tpu.memref_slice %arg8[%while3A_292, %gather3A_358, %gather3A_359] : memref<2x64x512xf32, #tpu.memory_space<vmem>> -> memref<1x64x512xf32, #tpu.memory_space<vmem>>
        %gather3A_361 = tpu.memref_squeeze %gather3A_360 : memref<1x64x512xf32, #tpu.memory_space<vmem>> -> memref<64x512xf32, #tpu.memory_space<vmem>>
        %gather3A_362 = tpu.vector_load_idx %gather3A_361[%add3A_357, %sub3A_319] : memref<64x512xf32, #tpu.memory_space<vmem>>[vector<16xi32>, vector<16xi32>], vector<16xf32>,
        %swap3A_363 = arith.index_cast %while3A_312 : i32 to index
        %swap3A_364 = arith.constant 48 : index
        %swap3A_365 = tpu.vector_load %arg10[%swap3A_363, %swap3A_364] {strides = array<i32>} : memref<128x128xf32, #tpu.memory_space<vmem>>, vector<16xf32>,
        tpu.vector_store %arg10[%swap3A_363, %swap3A_364], %gather3A_362 {strides = array<i32>} : memref<128x128xf32, #tpu.memory_space<vmem>>, vector<16xf32>,
        %broadcast_in_dim3A_366 = vector.broadcast %while3A_312 : i32 to vector<16xi32>
        %eq3A_367 = arith.constant 0 : i32
        %eq3A_368 = vector.broadcast %eq3A_367 : i32 to vector<16xi32>
        %eq3A_369 = arith.cmpi eq, %iota3A, %eq3A_368 : vector<16xi32>
        tpu.vector_store_idx %arg11[%broadcast_in_dim3A_366], %shift_right_logical3A_321 masked %eq3A_369 : memref<128xi32, #tpu.memory_space<vmem>>[vector<16xi32>], vector<16xi32>, vector<16xi1>
        %add3A_370 = arith.constant 1 : i32
        %add3A_371 = arith.addi %while3A_312, %add3A_370 : i32
        %jit3A_372 = arith.constant 64 : i32
        %eq3A_373 = arith.constant 0 : i32
        %eq3A_374 = arith.cmpi eq, %jit3A_372, %eq3A_373 : i32
        %jit3A_375 = arith.constant 1 : i32
        %select_n3A_376 = arith.select %eq3A_374, %jit3A_375, %jit3A_372 : i32
        %rem3A_377 = arith.remsi %add3A_371, %select_n3A_376 : i32
        %ne3A_378 = arith.constant 0 : i32
        %ne3A_379 = arith.cmpi ne, %rem3A_377, %ne3A_378 : i32
        %lt3A_380 = arith.constant 0 : i32
        %lt3A_381 = arith.cmpi slt, %rem3A_377, %lt3A_380 : i32
        %lt3A_382 = arith.constant 0 : i32
        %lt3A_383 = arith.cmpi slt, %select_n3A_376, %lt3A_382 : i32
        %ne3A_384 = arith.xori %lt3A_381, %lt3A_383 : i1
        %and3A_385 = arith.andi %ne3A_384, %ne3A_379 : i1
        %add3A_386 = arith.addi %rem3A_377, %select_n3A_376 : i32
        %select_n3A_387 = arith.select %and3A_385, %add3A_386, %rem3A_377 : i32
        %eq3A_388 = arith.constant 0 : i32
        %eq3A_389 = arith.cmpi eq, %select_n3A_387, %eq3A_388 : i32
        %convert_element_type3A_390 = arith.extui %eq3A_389 : i1 to i32
        %cond3A_391 = arith.constant 0 : i32
        %cond3A_392 = arith.cmpi ne, %convert_element_type3A_390, %cond3A_391 : i32
        scf.if %cond3A_392 {
          %jit3A_417 = arith.constant 64 : i32
          %div3A_418 = arith.divsi %add3A_371, %jit3A_417 : i32
          %sign3A_419 = arith.constant 0 : i32
          %sign3A_420 = arith.cmpi sgt, %add3A_371, %sign3A_419 : i32
          %sign3A_421 = arith.extui %sign3A_420 : i1 to i32
          %sign3A_422 = arith.constant 0 : i32
          %sign3A_423 = arith.cmpi slt, %add3A_371, %sign3A_422 : i32
          %sign3A_424 = arith.extui %sign3A_423 : i1 to i32
          %sign3A_425 = arith.subi %sign3A_421, %sign3A_424 : i32
          %sign3A_426 = arith.constant 0 : i32
          %sign3A_427 = arith.cmpi sgt, %jit3A_417, %sign3A_426 : i32
          %sign3A_428 = arith.extui %sign3A_427 : i1 to i32
          %sign3A_429 = arith.constant 0 : i32
          %sign3A_430 = arith.cmpi slt, %jit3A_417, %sign3A_429 : i32
          %sign3A_431 = arith.extui %sign3A_430 : i1 to i32
          %sign3A_432 = arith.subi %sign3A_428, %sign3A_431 : i32
          %ne3A_433 = arith.cmpi ne, %sign3A_425, %sign3A_432 : i32
          %rem3A_434 = arith.remsi %add3A_371, %jit3A_417 : i32
          %ne3A_435 = arith.constant 0 : i32
          %ne3A_436 = arith.cmpi ne, %rem3A_434, %ne3A_435 : i32
          %and3A_437 = arith.andi %ne3A_433, %ne3A_436 : i1
          %sub3A_438 = arith.constant 1 : i32
          %sub3A_439 = arith.subi %div3A_418, %sub3A_438 : i32
          %select_n3A_440 = arith.select %and3A_437, %sub3A_439, %div3A_418 : i32
          %sub3A_441 = arith.constant 1 : i32
          %sub3A_442 = arith.subi %select_n3A_440, %sub3A_441 : i32
          %jit3A_443 = arith.constant 2 : i32
          %eq3A_444 = arith.constant 0 : i32
          %eq3A_445 = arith.cmpi eq, %jit3A_443, %eq3A_444 : i32
          %jit3A_446 = arith.constant 1 : i32
          %select_n3A_447 = arith.select %eq3A_445, %jit3A_446, %jit3A_443 : i32
          %rem3A_448 = arith.remsi %sub3A_442, %select_n3A_447 : i32
          %ne3A_449 = arith.constant 0 : i32
          %ne3A_450 = arith.cmpi ne, %rem3A_448, %ne3A_449 : i32
          %lt3A_451 = arith.constant 0 : i32
          %lt3A_452 = arith.cmpi slt, %rem3A_448, %lt3A_451 : i32
          %lt3A_453 = arith.constant 0 : i32
          %lt3A_454 = arith.cmpi slt, %select_n3A_447, %lt3A_453 : i32
          %ne3A_455 = arith.xori %lt3A_452, %lt3A_454 : i1
          %and3A_456 = arith.andi %ne3A_455, %ne3A_450 : i1
          %add3A_457 = arith.addi %rem3A_448, %select_n3A_447 : i32
          %select_n3A_458 = arith.select %and3A_456, %add3A_457, %rem3A_448 : i32
          %sub3A_459 = arith.constant 1 : i32
          %sub3A_460 = arith.subi %sub3A_459, %select_n3A_458 : i32
          %mul3A_461 = arith.constant 64 : i32
          %mul3A_462 = arith.muli %select_n3A_458, %mul3A_461 : i32
          %mul3A_463 = arith.constant 64 : i32
          %mul3A_464 = arith.muli %select_n3A_458, %mul3A_463 : i32
          %dma_start3A_465 = arith.constant 0 : i32
          %dma_start3A_466 = tpu.memref_slice %arg10[%mul3A_462, %dma_start3A_465] : memref<128x128xf32, #tpu.memory_space<vmem>> -> memref<64x128xf32, #tpu.memory_space<vmem>>
          %dma_start3A_467 = tpu.memref_slice %arg11[%mul3A_464] : memref<128xi32, #tpu.memory_space<vmem>> -> memref<64xi32, #tpu.memory_space<vmem>>
          %dma_start3A_468 = arith.constant 0 : i32
          %dma_start3A_469 = arith.constant 0 : i32
          %dma_start3A_470 = tpu.memref_slice %arg5[%dma_start3A_468, %dma_start3A_469] : memref<16384x128xf32, #tpu.memory_space<hbm>> -> memref<16384x128xf32, #tpu.memory_space<hbm>>
          %dma_start3A_471 = arith.constant -1 : i32
          tpu.enqueue_indirect_dma source(%dma_start3A_466 : memref<64x128xf32, #tpu.memory_space<vmem>>) target(%dma_start3A_470 : memref<16384x128xf32, #tpu.memory_space<hbm>>) offsets(%dma_start3A_467 : memref<64xi32, #tpu.memory_space<vmem>>) offset_filter(%dma_start3A_471) semaphore(%arg15 : memref<!tpu.dma_semaphore, #tpu.memory_space<semaphore_mem>>)
          %ne3A_472 = arith.constant 0 : i32
          %ne3A_473 = arith.cmpi ne, %while3A_313, %ne3A_472 : i32
          %convert_element_type3A_474 = arith.extui %ne3A_473 : i1 to i32
          %cond3A_475 = arith.constant 0 : i32
          %cond3A_476 = arith.cmpi ne, %convert_element_type3A_474, %cond3A_475 : i32
          scf.if %cond3A_476 {
            %mul3A_509 = arith.constant 64 : i32
            %mul3A_510 = arith.muli %sub3A_460, %mul3A_509 : i32
            %mul3A_511 = arith.constant 64 : i32
            %mul3A_512 = arith.muli %sub3A_460, %mul3A_511 : i32
            %dma_wait3A_513 = arith.constant 0 : i32
            %dma_wait3A_514 = tpu.memref_slice %arg10[%mul3A_510, %dma_wait3A_513] : memref<128x128xf32, #tpu.memory_space<vmem>> -> memref<64x128xf32, #tpu.memory_space<vmem>>
            %dma_wait3A_515 = tpu.memref_slice %arg11[%mul3A_512] : memref<128xi32, #tpu.memory_space<vmem>> -> memref<64xi32, #tpu.memory_space<vmem>>
            %dma_wait3A_516 = arith.constant 0 : i32
            %dma_wait3A_517 = arith.constant 0 : i32
            %dma_wait3A_518 = tpu.memref_slice %arg5[%dma_wait3A_516, %dma_wait3A_517] : memref<16384x128xf32, #tpu.memory_space<hbm>> -> memref<16384x128xf32, #tpu.memory_space<hbm>>
            tpu.wait_indirect_dma semaphore(%arg15 : memref<!tpu.dma_semaphore, #tpu.memory_space<semaphore_mem>>) src(%dma_wait3A_514 : memref<64x128xf32, #tpu.memory_space<vmem>>) dst(%dma_wait3A_518 : memref<16384x128xf32, #tpu.memory_space<hbm>>)
          } else {
          }
          %broadcast_in_dim3A_477 = arith.constant -1 : i32
          %broadcast_in_dim3A_478 = vector.broadcast %broadcast_in_dim3A_477 : i32 to vector<16xi32>
          %mul3A_479 = arith.constant 64 : i32
          %mul3A_480 = arith.muli %sub3A_460, %mul3A_479 : i32
          %add3A_481 = arith.constant 0 : i32
          %add3A_482 = arith.addi %mul3A_480, %add3A_481 : i32
          %swap3A_483 = arith.index_cast %add3A_482 : i32 to index
          %swap3A_484 = tpu.vector_load %arg11[%swap3A_483] {strides = array<i32>} : memref<128xi32, #tpu.memory_space<vmem>>, vector<16xi32>,
          tpu.vector_store %arg11[%swap3A_483], %broadcast_in_dim3A_478 {strides = array<i32>} : memref<128xi32, #tpu.memory_space<vmem>>, vector<16xi32>,
          %broadcast_in_dim3A_485 = arith.constant -1 : i32
          %broadcast_in_dim3A_486 = vector.broadcast %broadcast_in_dim3A_485 : i32 to vector<16xi32>
          %mul3A_487 = arith.constant 64 : i32
          %mul3A_488 = arith.muli %sub3A_460, %mul3A_487 : i32
          %add3A_489 = arith.constant 16 : i32
          %add3A_490 = arith.addi %mul3A_488, %add3A_489 : i32
          %swap3A_491 = arith.index_cast %add3A_490 : i32 to index
          %swap3A_492 = tpu.vector_load %arg11[%swap3A_491] {strides = array<i32>} : memref<128xi32, #tpu.memory_space<vmem>>, vector<16xi32>,
          tpu.vector_store %arg11[%swap3A_491], %broadcast_in_dim3A_486 {strides = array<i32>} : memref<128xi32, #tpu.memory_space<vmem>>, vector<16xi32>,
          %broadcast_in_dim3A_493 = arith.constant -1 : i32
          %broadcast_in_dim3A_494 = vector.broadcast %broadcast_in_dim3A_493 : i32 to vector<16xi32>
          %mul3A_495 = arith.constant 64 : i32
          %mul3A_496 = arith.muli %sub3A_460, %mul3A_495 : i32
          %add3A_497 = arith.constant 32 : i32
          %add3A_498 = arith.addi %mul3A_496, %add3A_497 : i32
          %swap3A_499 = arith.index_cast %add3A_498 : i32 to index
          %swap3A_500 = tpu.vector_load %arg11[%swap3A_499] {strides = array<i32>} : memref<128xi32, #tpu.memory_space<vmem>>, vector<16xi32>,
          tpu.vector_store %arg11[%swap3A_499], %broadcast_in_dim3A_494 {strides = array<i32>} : memref<128xi32, #tpu.memory_space<vmem>>, vector<16xi32>,
          %broadcast_in_dim3A_501 = arith.constant -1 : i32
          %broadcast_in_dim3A_502 = vector.broadcast %broadcast_in_dim3A_501 : i32 to vector<16xi32>
          %mul3A_503 = arith.constant 64 : i32
          %mul3A_504 = arith.muli %sub3A_460, %mul3A_503 : i32
          %add3A_505 = arith.constant 48 : i32
          %add3A_506 = arith.addi %mul3A_504, %add3A_505 : i32
          %swap3A_507 = arith.index_cast %add3A_506 : i32 to index
          %swap3A_508 = tpu.vector_load %arg11[%swap3A_507] {strides = array<i32>} : memref<128xi32, #tpu.memory_space<vmem>>, vector<16xi32>,
          tpu.vector_store %arg11[%swap3A_507], %broadcast_in_dim3A_502 {strides = array<i32>} : memref<128xi32, #tpu.memory_space<vmem>>, vector<16xi32>,
        } else {
        }
        %eq3A_393 = arith.constant 128 : i32
        %eq3A_394 = arith.cmpi eq, %add3A_371, %eq3A_393 : i32
        %jit3A_395 = arith.constant 0 : i32
        %select_n3A_396 = arith.select %eq3A_394, %jit3A_395, %add3A_371 : i32
        %jit3A_397 = arith.constant 64 : i32
        %eq3A_398 = arith.constant 0 : i32
        %eq3A_399 = arith.cmpi eq, %jit3A_397, %eq3A_398 : i32
        %jit3A_400 = arith.constant 1 : i32
        %select_n3A_401 = arith.select %eq3A_399, %jit3A_400, %jit3A_397 : i32
        %rem3A_402 = arith.remsi %add3A_371, %select_n3A_401 : i32
        %ne3A_403 = arith.constant 0 : i32
        %ne3A_404 = arith.cmpi ne, %rem3A_402, %ne3A_403 : i32
        %lt3A_405 = arith.constant 0 : i32
        %lt3A_406 = arith.cmpi slt, %rem3A_402, %lt3A_405 : i32
        %lt3A_407 = arith.constant 0 : i32
        %lt3A_408 = arith.cmpi slt, %select_n3A_401, %lt3A_407 : i32
        %ne3A_409 = arith.xori %lt3A_406, %lt3A_408 : i1
        %and3A_410 = arith.andi %ne3A_409, %ne3A_404 : i1
        %add3A_411 = arith.addi %rem3A_402, %select_n3A_401 : i32
        %select_n3A_412 = arith.select %and3A_410, %add3A_411, %rem3A_402 : i32
        %eq3A_413 = arith.constant 0 : i32
        %eq3A_414 = arith.cmpi eq, %select_n3A_412, %eq3A_413 : i32
        %jit3A_415 = arith.constant 1 : i32
        %select_n3A_416 = arith.select %eq3A_414, %jit3A_415, %while3A_313 : i32
        scf.yield %select_n3A_396, %select_n3A_416 : i32, i32
      }
      %while3A_302 = arith.constant 1 : i32
      %while3A_303:2 = scf.for %while3A_311 = %while3A_299 to %while3A_295 step %while3A_302 iter_args(%while3A_312 = %while3A_301#0, %while3A_313 = %while3A_301#1) -> (i32, i32)  : i32 {
        %broadcast_in_dim3A_314 = vector.broadcast %while3A_311 : i32 to vector<16xi32>
        %gather3A = tpu.vector_load_idx %arg6[%broadcast_in_dim3A_314] : memref<16384xi32, #tpu.memory_space<vmem>>[vector<16xi32>], vector<16xi32>,
        %and3A_315 = arith.constant 32767 : i32
        %and3A_316 = vector.broadcast %and3A_315 : i32 to vector<16xi32>
        %and3A_317 = arith.andi %gather3A, %and3A_316 : vector<16xi32>
        %sub3A_318 = vector.broadcast %sub3A_279 : i32 to vector<16xi32>
        %sub3A_319 = arith.subi %and3A_317, %sub3A_318 : vector<16xi32>
        %shift_right_logical3A = arith.constant 15 : i32
        %shift_right_logical3A_320 = vector.broadcast %shift_right_logical3A : i32 to vector<16xi32>
        %shift_right_logical3A_321 = arith.shrui %gather3A, %shift_right_logical3A_320 : vector<16xi32>
        %add3A_322 = arith.constant 0 : i32
        %add3A_323 = vector.broadcast %add3A_322 : i32 to vector<16xi32>
        %add3A_324 = arith.addi %iota3A, %add3A_323 : vector<16xi32>
        %gather3A_325 = arith.constant 0 : i32
        %gather3A_326 = arith.constant 0 : i32
        %gather3A_327 = tpu.memref_slice %arg8[%while3A_292, %gather3A_325, %gather3A_326] : memref<2x64x512xf32, #tpu.memory_space<vmem>> -> memref<1x64x512xf32, #tpu.memory_space<vmem>>
        %gather3A_328 = tpu.memref_squeeze %gather3A_327 : memref<1x64x512xf32, #tpu.memory_space<vmem>> -> memref<64x512xf32, #tpu.memory_space<vmem>>
        %gather3A_329 = tpu.vector_load_idx %gather3A_328[%add3A_324, %sub3A_319] : memref<64x512xf32, #tpu.memory_space<vmem>>[vector<16xi32>, vector<16xi32>], vector<16xf32>,
        %swap3A_330 = arith.index_cast %while3A_312 : i32 to index
        %swap3A_331 = arith.constant 0 : index
        %swap3A_332 = tpu.vector_load %arg10[%swap3A_330, %swap3A_331] {strides = array<i32>} : memref<128x128xf32, #tpu.memory_space<vmem>>, vector<16xf32>,
        tpu.vector_store %arg10[%swap3A_330, %swap3A_331], %gather3A_329 {strides = array<i32>} : memref<128x128xf32, #tpu.memory_space<vmem>>, vector<16xf32>,
        %add3A_333 = arith.constant 16 : i32
        %add3A_334 = vector.broadcast %add3A_333 : i32 to vector<16xi32>
        %add3A_335 = arith.addi %iota3A, %add3A_334 : vector<16xi32>
        %gather3A_336 = arith.constant 0 : i32
        %gather3A_337 = arith.constant 0 : i32
        %gather3A_338 = tpu.memref_slice %arg8[%while3A_292, %gather3A_336, %gather3A_337] : memref<2x64x512xf32, #tpu.memory_space<vmem>> -> memref<1x64x512xf32, #tpu.memory_space<vmem>>
        %gather3A_339 = tpu.memref_squeeze %gather3A_338 : memref<1x64x512xf32, #tpu.memory_space<vmem>> -> memref<64x512xf32, #tpu.memory_space<vmem>>
        %gather3A_340 = tpu.vector_load_idx %gather3A_339[%add3A_335, %sub3A_319] : memref<64x512xf32, #tpu.memory_space<vmem>>[vector<16xi32>, vector<16xi32>], vector<16xf32>,
        %swap3A_341 = arith.index_cast %while3A_312 : i32 to index
        %swap3A_342 = arith.constant 16 : index
        %swap3A_343 = tpu.vector_load %arg10[%swap3A_341, %swap3A_342] {strides = array<i32>} : memref<128x128xf32, #tpu.memory_space<vmem>>, vector<16xf32>,
        tpu.vector_store %arg10[%swap3A_341, %swap3A_342], %gather3A_340 {strides = array<i32>} : memref<128x128xf32, #tpu.memory_space<vmem>>, vector<16xf32>,
        %add3A_344 = arith.constant 32 : i32
        %add3A_345 = vector.broadcast %add3A_344 : i32 to vector<16xi32>
        %add3A_346 = arith.addi %iota3A, %add3A_345 : vector<16xi32>
        %gather3A_347 = arith.constant 0 : i32
        %gather3A_348 = arith.constant 0 : i32
        %gather3A_349 = tpu.memref_slice %arg8[%while3A_292, %gather3A_347, %gather3A_348] : memref<2x64x512xf32, #tpu.memory_space<vmem>> -> memref<1x64x512xf32, #tpu.memory_space<vmem>>
        %gather3A_350 = tpu.memref_squeeze %gather3A_349 : memref<1x64x512xf32, #tpu.memory_space<vmem>> -> memref<64x512xf32, #tpu.memory_space<vmem>>
        %gather3A_351 = tpu.vector_load_idx %gather3A_350[%add3A_346, %sub3A_319] : memref<64x512xf32, #tpu.memory_space<vmem>>[vector<16xi32>, vector<16xi32>], vector<16xf32>,
        %swap3A_352 = arith.index_cast %while3A_312 : i32 to index
        %swap3A_353 = arith.constant 32 : index
        %swap3A_354 = tpu.vector_load %arg10[%swap3A_352, %swap3A_353] {strides = array<i32>} : memref<128x128xf32, #tpu.memory_space<vmem>>, vector<16xf32>,
        tpu.vector_store %arg10[%swap3A_352, %swap3A_353], %gather3A_351 {strides = array<i32>} : memref<128x128xf32, #tpu.memory_space<vmem>>, vector<16xf32>,
        %add3A_355 = arith.constant 48 : i32
        %add3A_356 = vector.broadcast %add3A_355 : i32 to vector<16xi32>
        %add3A_357 = arith.addi %iota3A, %add3A_356 : vector<16xi32>
        %gather3A_358 = arith.constant 0 : i32
        %gather3A_359 = arith.constant 0 : i32
        %gather3A_360 = tpu.memref_slice %arg8[%while3A_292, %gather3A_358, %gather3A_359] : memref<2x64x512xf32, #tpu.memory_space<vmem>> -> memref<1x64x512xf32, #tpu.memory_space<vmem>>
        %gather3A_361 = tpu.memref_squeeze %gather3A_360 : memref<1x64x512xf32, #tpu.memory_space<vmem>> -> memref<64x512xf32, #tpu.memory_space<vmem>>
        %gather3A_362 = tpu.vector_load_idx %gather3A_361[%add3A_357, %sub3A_319] : memref<64x512xf32, #tpu.memory_space<vmem>>[vector<16xi32>, vector<16xi32>], vector<16xf32>,
        %swap3A_363 = arith.index_cast %while3A_312 : i32 to index
        %swap3A_364 = arith.constant 48 : index
        %swap3A_365 = tpu.vector_load %arg10[%swap3A_363, %swap3A_364] {strides = array<i32>} : memref<128x128xf32, #tpu.memory_space<vmem>>, vector<16xf32>,
        tpu.vector_store %arg10[%swap3A_363, %swap3A_364], %gather3A_362 {strides = array<i32>} : memref<128x128xf32, #tpu.memory_space<vmem>>, vector<16xf32>,
        %broadcast_in_dim3A_366 = vector.broadcast %while3A_312 : i32 to vector<16xi32>
        %eq3A_367 = arith.constant 0 : i32
        %eq3A_368 = vector.broadcast %eq3A_367 : i32 to vector<16xi32>
        %eq3A_369 = arith.cmpi eq, %iota3A, %eq3A_368 : vector<16xi32>
        tpu.vector_store_idx %arg11[%broadcast_in_dim3A_366], %shift_right_logical3A_321 masked %eq3A_369 : memref<128xi32, #tpu.memory_space<vmem>>[vector<16xi32>], vector<16xi32>, vector<16xi1>
        %add3A_370 = arith.constant 1 : i32
        %add3A_371 = arith.addi %while3A_312, %add3A_370 : i32
        %jit3A_372 = arith.constant 64 : i32
        %eq3A_373 = arith.constant 0 : i32
        %eq3A_374 = arith.cmpi eq, %jit3A_372, %eq3A_373 : i32
        %jit3A_375 = arith.constant 1 : i32
        %select_n3A_376 = arith.select %eq3A_374, %jit3A_375, %jit3A_372 : i32
        %rem3A_377 = arith.remsi %add3A_371, %select_n3A_376 : i32
        %ne3A_378 = arith.constant 0 : i32
        %ne3A_379 = arith.cmpi ne, %rem3A_377, %ne3A_378 : i32
        %lt3A_380 = arith.constant 0 : i32
        %lt3A_381 = arith.cmpi slt, %rem3A_377, %lt3A_380 : i32
        %lt3A_382 = arith.constant 0 : i32
        %lt3A_383 = arith.cmpi slt, %select_n3A_376, %lt3A_382 : i32
        %ne3A_384 = arith.xori %lt3A_381, %lt3A_383 : i1
        %and3A_385 = arith.andi %ne3A_384, %ne3A_379 : i1
        %add3A_386 = arith.addi %rem3A_377, %select_n3A_376 : i32
        %select_n3A_387 = arith.select %and3A_385, %add3A_386, %rem3A_377 : i32
        %eq3A_388 = arith.constant 0 : i32
        %eq3A_389 = arith.cmpi eq, %select_n3A_387, %eq3A_388 : i32
        %convert_element_type3A_390 = arith.extui %eq3A_389 : i1 to i32
        %cond3A_391 = arith.constant 0 : i32
        %cond3A_392 = arith.cmpi ne, %convert_element_type3A_390, %cond3A_391 : i32
        scf.if %cond3A_392 {
          %jit3A_417 = arith.constant 64 : i32
          %div3A_418 = arith.divsi %add3A_371, %jit3A_417 : i32
          %sign3A_419 = arith.constant 0 : i32
          %sign3A_420 = arith.cmpi sgt, %add3A_371, %sign3A_419 : i32
          %sign3A_421 = arith.extui %sign3A_420 : i1 to i32
          %sign3A_422 = arith.constant 0 : i32
          %sign3A_423 = arith.cmpi slt, %add3A_371, %sign3A_422 : i32
          %sign3A_424 = arith.extui %sign3A_423 : i1 to i32
          %sign3A_425 = arith.subi %sign3A_421, %sign3A_424 : i32
          %sign3A_426 = arith.constant 0 : i32
          %sign3A_427 = arith.cmpi sgt, %jit3A_417, %sign3A_426 : i32
          %sign3A_428 = arith.extui %sign3A_427 : i1 to i32
          %sign3A_429 = arith.constant 0 : i32
          %sign3A_430 = arith.cmpi slt, %jit3A_417, %sign3A_429 : i32
          %sign3A_431 = arith.extui %sign3A_430 : i1 to i32
          %sign3A_432 = arith.subi %sign3A_428, %sign3A_431 : i32
          %ne3A_433 = arith.cmpi ne, %sign3A_425, %sign3A_432 : i32
          %rem3A_434 = arith.remsi %add3A_371, %jit3A_417 : i32
          %ne3A_435 = arith.constant 0 : i32
          %ne3A_436 = arith.cmpi ne, %rem3A_434, %ne3A_435 : i32
          %and3A_437 = arith.andi %ne3A_433, %ne3A_436 : i1
          %sub3A_438 = arith.constant 1 : i32
          %sub3A_439 = arith.subi %div3A_418, %sub3A_438 : i32
          %select_n3A_440 = arith.select %and3A_437, %sub3A_439, %div3A_418 : i32
          %sub3A_441 = arith.constant 1 : i32
          %sub3A_442 = arith.subi %select_n3A_440, %sub3A_441 : i32
          %jit3A_443 = arith.constant 2 : i32
          %eq3A_444 = arith.constant 0 : i32
          %eq3A_445 = arith.cmpi eq, %jit3A_443, %eq3A_444 : i32
          %jit3A_446 = arith.constant 1 : i32
          %select_n3A_447 = arith.select %eq3A_445, %jit3A_446, %jit3A_443 : i32
          %rem3A_448 = arith.remsi %sub3A_442, %select_n3A_447 : i32
          %ne3A_449 = arith.constant 0 : i32
          %ne3A_450 = arith.cmpi ne, %rem3A_448, %ne3A_449 : i32
          %lt3A_451 = arith.constant 0 : i32
          %lt3A_452 = arith.cmpi slt, %rem3A_448, %lt3A_451 : i32
          %lt3A_453 = arith.constant 0 : i32
          %lt3A_454 = arith.cmpi slt, %select_n3A_447, %lt3A_453 : i32
          %ne3A_455 = arith.xori %lt3A_452, %lt3A_454 : i1
          %and3A_456 = arith.andi %ne3A_455, %ne3A_450 : i1
          %add3A_457 = arith.addi %rem3A_448, %select_n3A_447 : i32
          %select_n3A_458 = arith.select %and3A_456, %add3A_457, %rem3A_448 : i32
          %sub3A_459 = arith.constant 1 : i32
          %sub3A_460 = arith.subi %sub3A_459, %select_n3A_458 : i32
          %mul3A_461 = arith.constant 64 : i32
          %mul3A_462 = arith.muli %select_n3A_458, %mul3A_461 : i32
          %mul3A_463 = arith.constant 64 : i32
          %mul3A_464 = arith.muli %select_n3A_458, %mul3A_463 : i32
          %dma_start3A_465 = arith.constant 0 : i32
          %dma_start3A_466 = tpu.memref_slice %arg10[%mul3A_462, %dma_start3A_465] : memref<128x128xf32, #tpu.memory_space<vmem>> -> memref<64x128xf32, #tpu.memory_space<vmem>>
          %dma_start3A_467 = tpu.memref_slice %arg11[%mul3A_464] : memref<128xi32, #tpu.memory_space<vmem>> -> memref<64xi32, #tpu.memory_space<vmem>>
          %dma_start3A_468 = arith.constant 0 : i32
          %dma_start3A_469 = arith.constant 0 : i32
          %dma_start3A_470 = tpu.memref_slice %arg5[%dma_start3A_468, %dma_start3A_469] : memref<16384x128xf32, #tpu.memory_space<hbm>> -> memref<16384x128xf32, #tpu.memory_space<hbm>>
          %dma_start3A_471 = arith.constant -1 : i32
          tpu.enqueue_indirect_dma source(%dma_start3A_466 : memref<64x128xf32, #tpu.memory_space<vmem>>) target(%dma_start3A_470 : memref<16384x128xf32, #tpu.memory_space<hbm>>) offsets(%dma_start3A_467 : memref<64xi32, #tpu.memory_space<vmem>>) offset_filter(%dma_start3A_471) semaphore(%arg15 : memref<!tpu.dma_semaphore, #tpu.memory_space<semaphore_mem>>)
          %ne3A_472 = arith.constant 0 : i32
          %ne3A_473 = arith.cmpi ne, %while3A_313, %ne3A_472 : i32
          %convert_element_type3A_474 = arith.extui %ne3A_473 : i1 to i32
          %cond3A_475 = arith.constant 0 : i32
          %cond3A_476 = arith.cmpi ne, %convert_element_type3A_474, %cond3A_475 : i32
          scf.if %cond3A_476 {
            %mul3A_509 = arith.constant 64 : i32
            %mul3A_510 = arith.muli %sub3A_460, %mul3A_509 : i32
            %mul3A_511 = arith.constant 64 : i32
            %mul3A_512 = arith.muli %sub3A_460, %mul3A_511 : i32
            %dma_wait3A_513 = arith.constant 0 : i32
            %dma_wait3A_514 = tpu.memref_slice %arg10[%mul3A_510, %dma_wait3A_513] : memref<128x128xf32, #tpu.memory_space<vmem>> -> memref<64x128xf32, #tpu.memory_space<vmem>>
            %dma_wait3A_515 = tpu.memref_slice %arg11[%mul3A_512] : memref<128xi32, #tpu.memory_space<vmem>> -> memref<64xi32, #tpu.memory_space<vmem>>
            %dma_wait3A_516 = arith.constant 0 : i32
            %dma_wait3A_517 = arith.constant 0 : i32
            %dma_wait3A_518 = tpu.memref_slice %arg5[%dma_wait3A_516, %dma_wait3A_517] : memref<16384x128xf32, #tpu.memory_space<hbm>> -> memref<16384x128xf32, #tpu.memory_space<hbm>>
            tpu.wait_indirect_dma semaphore(%arg15 : memref<!tpu.dma_semaphore, #tpu.memory_space<semaphore_mem>>) src(%dma_wait3A_514 : memref<64x128xf32, #tpu.memory_space<vmem>>) dst(%dma_wait3A_518 : memref<16384x128xf32, #tpu.memory_space<hbm>>)
          } else {
          }
          %broadcast_in_dim3A_477 = arith.constant -1 : i32
          %broadcast_in_dim3A_478 = vector.broadcast %broadcast_in_dim3A_477 : i32 to vector<16xi32>
          %mul3A_479 = arith.constant 64 : i32
          %mul3A_480 = arith.muli %sub3A_460, %mul3A_479 : i32
          %add3A_481 = arith.constant 0 : i32
          %add3A_482 = arith.addi %mul3A_480, %add3A_481 : i32
          %swap3A_483 = arith.index_cast %add3A_482 : i32 to index
          %swap3A_484 = tpu.vector_load %arg11[%swap3A_483] {strides = array<i32>} : memref<128xi32, #tpu.memory_space<vmem>>, vector<16xi32>,
          tpu.vector_store %arg11[%swap3A_483], %broadcast_in_dim3A_478 {strides = array<i32>} : memref<128xi32, #tpu.memory_space<vmem>>, vector<16xi32>,
          %broadcast_in_dim3A_485 = arith.constant -1 : i32
          %broadcast_in_dim3A_486 = vector.broadcast %broadcast_in_dim3A_485 : i32 to vector<16xi32>
          %mul3A_487 = arith.constant 64 : i32
          %mul3A_488 = arith.muli %sub3A_460, %mul3A_487 : i32
          %add3A_489 = arith.constant 16 : i32
          %add3A_490 = arith.addi %mul3A_488, %add3A_489 : i32
          %swap3A_491 = arith.index_cast %add3A_490 : i32 to index
          %swap3A_492 = tpu.vector_load %arg11[%swap3A_491] {strides = array<i32>} : memref<128xi32, #tpu.memory_space<vmem>>, vector<16xi32>,
          tpu.vector_store %arg11[%swap3A_491], %broadcast_in_dim3A_486 {strides = array<i32>} : memref<128xi32, #tpu.memory_space<vmem>>, vector<16xi32>,
          %broadcast_in_dim3A_493 = arith.constant -1 : i32
          %broadcast_in_dim3A_494 = vector.broadcast %broadcast_in_dim3A_493 : i32 to vector<16xi32>
          %mul3A_495 = arith.constant 64 : i32
          %mul3A_496 = arith.muli %sub3A_460, %mul3A_495 : i32
          %add3A_497 = arith.constant 32 : i32
          %add3A_498 = arith.addi %mul3A_496, %add3A_497 : i32
          %swap3A_499 = arith.index_cast %add3A_498 : i32 to index
          %swap3A_500 = tpu.vector_load %arg11[%swap3A_499] {strides = array<i32>} : memref<128xi32, #tpu.memory_space<vmem>>, vector<16xi32>,
          tpu.vector_store %arg11[%swap3A_499], %broadcast_in_dim3A_494 {strides = array<i32>} : memref<128xi32, #tpu.memory_space<vmem>>, vector<16xi32>,
          %broadcast_in_dim3A_501 = arith.constant -1 : i32
          %broadcast_in_dim3A_502 = vector.broadcast %broadcast_in_dim3A_501 : i32 to vector<16xi32>
          %mul3A_503 = arith.constant 64 : i32
          %mul3A_504 = arith.muli %sub3A_460, %mul3A_503 : i32
          %add3A_505 = arith.constant 48 : i32
          %add3A_506 = arith.addi %mul3A_504, %add3A_505 : i32
          %swap3A_507 = arith.index_cast %add3A_506 : i32 to index
          %swap3A_508 = tpu.vector_load %arg11[%swap3A_507] {strides = array<i32>} : memref<128xi32, #tpu.memory_space<vmem>>, vector<16xi32>,
          tpu.vector_store %arg11[%swap3A_507], %broadcast_in_dim3A_502 {strides = array<i32>} : memref<128xi32, #tpu.memory_space<vmem>>, vector<16xi32>,
        } else {
        }
        %eq3A_393 = arith.constant 128 : i32
        %eq3A_394 = arith.cmpi eq, %add3A_371, %eq3A_393 : i32
        %jit3A_395 = arith.constant 0 : i32
        %select_n3A_396 = arith.select %eq3A_394, %jit3A_395, %add3A_371 : i32
        %jit3A_397 = arith.constant 64 : i32
        %eq3A_398 = arith.constant 0 : i32
        %eq3A_399 = arith.cmpi eq, %jit3A_397, %eq3A_398 : i32
        %jit3A_400 = arith.constant 1 : i32
        %select_n3A_401 = arith.select %eq3A_399, %jit3A_400, %jit3A_397 : i32
        %rem3A_402 = arith.remsi %add3A_371, %select_n3A_401 : i32
        %ne3A_403 = arith.constant 0 : i32
        %ne3A_404 = arith.cmpi ne, %rem3A_402, %ne3A_403 : i32
        %lt3A_405 = arith.constant 0 : i32
        %lt3A_406 = arith.cmpi slt, %rem3A_402, %lt3A_405 : i32
        %lt3A_407 = arith.constant 0 : i32
        %lt3A_408 = arith.cmpi slt, %select_n3A_401, %lt3A_407 : i32
        %ne3A_409 = arith.xori %lt3A_406, %lt3A_408 : i1
        %and3A_410 = arith.andi %ne3A_409, %ne3A_404 : i1
        %add3A_411 = arith.addi %rem3A_402, %select_n3A_401 : i32
        %select_n3A_412 = arith.select %and3A_410, %add3A_411, %rem3A_402 : i32
        %eq3A_413 = arith.constant 0 : i32
        %eq3A_414 = arith.cmpi eq, %select_n3A_412, %eq3A_413 : i32
        %jit3A_415 = arith.constant 1 : i32
        %select_n3A_416 = arith.select %eq3A_414, %jit3A_415, %while3A_313 : i32
        scf.yield %select_n3A_396, %select_n3A_416 : i32, i32
      }
      %add3A_304 = arith.constant 2 : i32
      %add3A_305 = arith.addi %add3A_249, %add3A_304 : i32
      %lt3A_306 = arith.constant 62 : i32
      %lt3A_307 = arith.cmpi slt, %add3A_305, %lt3A_306 : i32
      %convert_element_type3A_308 = arith.extui %lt3A_307 : i1 to i32
      %cond3A_309 = arith.constant 0 : i32
      %cond3A_310 = arith.cmpi ne, %convert_element_type3A_308, %cond3A_309 : i32
      scf.if %cond3A_310 {
        %add3A_311 = arith.constant 2 : i32
        %add3A_312 = arith.addi %add3A_249, %add3A_311 : i32
        %mul3A_313 = arith.constant 4 : i32
        %mul3A_314 = arith.muli %add3A_312, %mul3A_313 : i32
        %add3A_315 = arith.addi %mul3A_2, %mul3A_314 : i32
        %min3A_316 = arith.constant 7808 : i32
        %min3A_317 = arith.minsi %add3A_315, %min3A_316 : i32
        %mul3A_318 = arith.constant 128 : i32
        %mul3A_319 = arith.muli %min3A_317, %mul3A_318 : i32
        %dma_start3A_320 = arith.constant 1 : i32
        %dma_start3A_321 = arith.constant 0 : i32
        %dma_start3A_322 = arith.constant 0 : i32
        %dma_start3A_323 = tpu.memref_slice %arg8[%dma_start3A_320, %dma_start3A_321, %dma_start3A_322] : memref<2x64x512xf32, #tpu.memory_space<vmem>> -> memref<1x64x512xf32, #tpu.memory_space<vmem>>
        %dma_start3A_324 = tpu.memref_squeeze %dma_start3A_323 : memref<1x64x512xf32, #tpu.memory_space<vmem>> -> memref<64x512xf32, #tpu.memory_space<vmem>>
        %dma_start3A_325 = arith.constant 0 : i32
        %dma_start3A_326 = tpu.memref_slice %arg3[%dma_start3A_325, %mul3A_319] : memref<64x1000000xf32, #tpu.memory_space<hbm>> -> memref<64x512xf32, #tpu.memory_space<hbm>>
        %dma_start3A_327 = arith.constant 0 : i32
        %dma_start3A_328 = arith.constant 0 : i32
        %dma_start3A_329 = tpu.memref_slice %arg8[%dma_start3A_320, %dma_start3A_327, %dma_start3A_328] : memref<2x64x512xf32, #tpu.memory_space<vmem>> -> memref<1x64x512xf32, #tpu.memory_space<vmem>>
        %dma_start3A_330 = tpu.memref_squeeze %dma_start3A_329 : memref<1x64x512xf32, #tpu.memory_space<vmem>> -> memref<64x512xf32, #tpu.memory_space<vmem>>
        %dma_start3A_331 = arith.constant 0 : i32
        %dma_start3A_332 = tpu.memref_slice %arg3[%dma_start3A_331, %mul3A_319] : memref<64x1000000xf32, #tpu.memory_space<hbm>> -> memref<64x512xf32, #tpu.memory_space<hbm>>
        tpu.enqueue_dma source(%dma_start3A_332 : memref<64x512xf32, #tpu.memory_space<hbm>>) target(%dma_start3A_330 : memref<64x512xf32, #tpu.memory_space<vmem>>) target_semaphore(%arg13 : memref<!tpu.dma_semaphore, #tpu.memory_space<semaphore_mem>>)
      } else {
      }
      scf.yield %while3A_303#0, %while3A_303#1 : i32, i32
    }
    %scan3A_106 = arith.constant 31 : i32
    tpu.wait_dma2 semaphore(%arg14 : memref<!tpu.dma_semaphore, #tpu.memory_space<semaphore_mem>>) src(%arg4 : memref<64x64xf32, #tpu.memory_space<hbm>>) dst(%arg9 : memref<64x64xf32, #tpu.memory_space<vmem>>)
    %mul3A_107 = arith.constant 128 : i32
    %mul3A_108 = arith.muli %mul3A_2, %mul3A_107 : i32
    %sub3A_109 = arith.constant 999936 : i32
    %sub3A_110 = arith.subi %sub3A_109, %mul3A_108 : i32
    %while3A = arith.constant 0 : i32
    %while3A_111 = arith.constant 0 : i32
    %while3A_112 = arith.subi %select_n3A, %while3A : i32
    %while3A_113 = arith.addi %while3A, %while3A_112 : i32
    %while3A_114 = arith.constant 1 : i32
    %while3A_115 = arith.divsi %while3A_112, %while3A_114 : i32
    %while3A_116 = arith.muli %while3A_115, %while3A_114 : i32
    %while3A_117 = arith.addi %while3A, %while3A_116 : i32
    %while3A_118 = arith.constant 1 : i32
    %while3A_119 = scf.for %while3A_179 = %while3A to %while3A_117 step %while3A_118 iter_args(%while3A_180 = %while3A_111) -> (i32)  : i32 {
      %mul3A_181 = arith.constant 16 : i32
      %mul3A_182 = arith.muli %while3A_179, %mul3A_181 : i32
      %get3A = arith.index_cast %mul3A_182 : i32 to index
      %get3A_183 = tpu.vector_load %arg7[%get3A] {strides = array<i32>} : memref<16384xi32, #tpu.memory_space<vmem>>, vector<16xi32>,
      %mul3A_184 = arith.constant 16 : i32
      %mul3A_185 = arith.muli %while3A_179, %mul3A_184 : i32
      %add3A_186 = vector.broadcast %mul3A_185 : i32 to vector<16xi32>
      %add3A_187 = arith.addi %add3A_186, %iota3A : vector<16xi32>
      %lt3A_188 = vector.broadcast %scan3A_78 : i32 to vector<16xi32>
      %lt3A_189 = arith.cmpi slt, %add3A_187, %lt3A_188 : vector<16xi32>
      %and3A_190 = arith.constant 32767 : i32
      %and3A_191 = vector.broadcast %and3A_190 : i32 to vector<16xi32>
      %and3A_192 = arith.andi %get3A_183, %and3A_191 : vector<16xi32>
      %ge3A = vector.broadcast %sub3A_110 : i32 to vector<16xi32>
      %ge3A_193 = arith.cmpi sge, %and3A_192, %ge3A : vector<16xi32>
      %and3A_194 = arith.andi %lt3A_189, %ge3A_193 : vector<16xi1>
      %add3A_195 = arith.constant 64 : i32
      %add3A_196 = arith.addi %sub3A_110, %add3A_195 : i32
      %lt3A_197 = vector.broadcast %add3A_196 : i32 to vector<16xi32>
      %lt3A_198 = arith.cmpi slt, %and3A_192, %lt3A_197 : vector<16xi32>
      %and3A_199 = arith.andi %and3A_194, %lt3A_198 : vector<16xi1>
      %convert_element_type3A_200 = arith.extui %and3A_199 : vector<16xi1> to vector<16xi32>
      %broadcast_in_dim3A_201 = arith.constant true
      %broadcast_in_dim3A_202 = vector.broadcast %broadcast_in_dim3A_201 : i1 to vector<16xi1>
      %masked_cumsum3A = tpu.scan <sum>, %convert_element_type3A_200 masked %broadcast_in_dim3A_202 : vector<16xi32>, vector<16xi1> -> vector<16xi32>
      %add3A_203 = vector.broadcast %while3A_180 : i32 to vector<16xi32>
      %add3A_204 = arith.addi %add3A_203, %masked_cumsum3A : vector<16xi32>
      %sub3A_205 = arith.constant 1 : i32
      %sub3A_206 = vector.broadcast %sub3A_205 : i32 to vector<16xi32>
      %sub3A_207 = arith.subi %add3A_204, %sub3A_206 : vector<16xi32>
      tpu.vector_store_idx %arg6[%sub3A_207], %get3A_183 masked %and3A_199 : memref<16384xi32, #tpu.memory_space<vmem>>[vector<16xi32>], vector<16xi32>, vector<16xi1>
      %slice3A = vector.extract_strided_slice %masked_cumsum3A {offsets = [15], sizes = [1], strides = [1]} : vector<16xi32> to vector<1xi32>
      %squeeze3A = vector.extract %slice3A[0] : i32 from vector<1xi32>
      %add3A_208 = arith.addi %while3A_180, %squeeze3A : i32
      scf.yield %add3A_208 : i32
    }
    %while3A_120 = arith.constant 1 : i32
    %while3A_121 = scf.for %while3A_179 = %while3A_117 to %while3A_113 step %while3A_120 iter_args(%while3A_180 = %while3A_119) -> (i32)  : i32 {
      %mul3A_181 = arith.constant 16 : i32
      %mul3A_182 = arith.muli %while3A_179, %mul3A_181 : i32
      %get3A = arith.index_cast %mul3A_182 : i32 to index
      %get3A_183 = tpu.vector_load %arg7[%get3A] {strides = array<i32>} : memref<16384xi32, #tpu.memory_space<vmem>>, vector<16xi32>,
      %mul3A_184 = arith.constant 16 : i32
      %mul3A_185 = arith.muli %while3A_179, %mul3A_184 : i32
      %add3A_186 = vector.broadcast %mul3A_185 : i32 to vector<16xi32>
      %add3A_187 = arith.addi %add3A_186, %iota3A : vector<16xi32>
      %lt3A_188 = vector.broadcast %scan3A_78 : i32 to vector<16xi32>
      %lt3A_189 = arith.cmpi slt, %add3A_187, %lt3A_188 : vector<16xi32>
      %and3A_190 = arith.constant 32767 : i32
      %and3A_191 = vector.broadcast %and3A_190 : i32 to vector<16xi32>
      %and3A_192 = arith.andi %get3A_183, %and3A_191 : vector<16xi32>
      %ge3A = vector.broadcast %sub3A_110 : i32 to vector<16xi32>
      %ge3A_193 = arith.cmpi sge, %and3A_192, %ge3A : vector<16xi32>
      %and3A_194 = arith.andi %lt3A_189, %ge3A_193 : vector<16xi1>
      %add3A_195 = arith.constant 64 : i32
      %add3A_196 = arith.addi %sub3A_110, %add3A_195 : i32
      %lt3A_197 = vector.broadcast %add3A_196 : i32 to vector<16xi32>
      %lt3A_198 = arith.cmpi slt, %and3A_192, %lt3A_197 : vector<16xi32>
      %and3A_199 = arith.andi %and3A_194, %lt3A_198 : vector<16xi1>
      %convert_element_type3A_200 = arith.extui %and3A_199 : vector<16xi1> to vector<16xi32>
      %broadcast_in_dim3A_201 = arith.constant true
      %broadcast_in_dim3A_202 = vector.broadcast %broadcast_in_dim3A_201 : i1 to vector<16xi1>
      %masked_cumsum3A = tpu.scan <sum>, %convert_element_type3A_200 masked %broadcast_in_dim3A_202 : vector<16xi32>, vector<16xi1> -> vector<16xi32>
      %add3A_203 = vector.broadcast %while3A_180 : i32 to vector<16xi32>
      %add3A_204 = arith.addi %add3A_203, %masked_cumsum3A : vector<16xi32>
      %sub3A_205 = arith.constant 1 : i32
      %sub3A_206 = vector.broadcast %sub3A_205 : i32 to vector<16xi32>
      %sub3A_207 = arith.subi %add3A_204, %sub3A_206 : vector<16xi32>
      tpu.vector_store_idx %arg6[%sub3A_207], %get3A_183 masked %and3A_199 : memref<16384xi32, #tpu.memory_space<vmem>>[vector<16xi32>], vector<16xi32>, vector<16xi1>
      %slice3A = vector.extract_strided_slice %masked_cumsum3A {offsets = [15], sizes = [1], strides = [1]} : vector<16xi32> to vector<1xi32>
      %squeeze3A = vector.extract %slice3A[0] : i32 from vector<1xi32>
      %add3A_208 = arith.addi %while3A_180, %squeeze3A : i32
      scf.yield %add3A_208 : i32
    }
    %while3A_122 = arith.constant 0 : i32
    %while3A_123 = arith.subi %while3A_121, %while3A_122 : i32
    %while3A_124 = arith.addi %while3A_122, %while3A_123 : i32
    %while3A_125 = arith.constant 1 : i32
    %while3A_126 = arith.divsi %while3A_123, %while3A_125 : i32
    %while3A_127 = arith.muli %while3A_126, %while3A_125 : i32
    %while3A_128 = arith.addi %while3A_122, %while3A_127 : i32
    %while3A_129 = arith.constant 1 : i32
    %while3A_130:2 = scf.for %while3A_179 = %while3A_122 to %while3A_128 step %while3A_129 iter_args(%while3A_180 = %scan3A_105#0, %while3A_181 = %scan3A_105#1) -> (i32, i32)  : i32 {
      %broadcast_in_dim3A_182 = vector.broadcast %while3A_179 : i32 to vector<16xi32>
      %gather3A = tpu.vector_load_idx %arg6[%broadcast_in_dim3A_182] : memref<16384xi32, #tpu.memory_space<vmem>>[vector<16xi32>], vector<16xi32>,
      %and3A_183 = arith.constant 32767 : i32
      %and3A_184 = vector.broadcast %and3A_183 : i32 to vector<16xi32>
      %and3A_185 = arith.andi %gather3A, %and3A_184 : vector<16xi32>
      %sub3A_186 = vector.broadcast %sub3A_110 : i32 to vector<16xi32>
      %sub3A_187 = arith.subi %and3A_185, %sub3A_186 : vector<16xi32>
      %shift_right_logical3A = arith.constant 15 : i32
      %shift_right_logical3A_188 = vector.broadcast %shift_right_logical3A : i32 to vector<16xi32>
      %shift_right_logical3A_189 = arith.shrui %gather3A, %shift_right_logical3A_188 : vector<16xi32>
      %add3A_190 = arith.constant 0 : i32
      %add3A_191 = vector.broadcast %add3A_190 : i32 to vector<16xi32>
      %add3A_192 = arith.addi %iota3A, %add3A_191 : vector<16xi32>
      %gather3A_193 = tpu.vector_load_idx %arg9[%add3A_192, %sub3A_187] : memref<64x64xf32, #tpu.memory_space<vmem>>[vector<16xi32>, vector<16xi32>], vector<16xf32>,
      %swap3A_194 = arith.index_cast %while3A_180 : i32 to index
      %swap3A_195 = arith.constant 0 : index
      %swap3A_196 = tpu.vector_load %arg10[%swap3A_194, %swap3A_195] {strides = array<i32>} : memref<128x128xf32, #tpu.memory_space<vmem>>, vector<16xf32>,
      tpu.vector_store %arg10[%swap3A_194, %swap3A_195], %gather3A_193 {strides = array<i32>} : memref<128x128xf32, #tpu.memory_space<vmem>>, vector<16xf32>,
      %add3A_197 = arith.constant 16 : i32
      %add3A_198 = vector.broadcast %add3A_197 : i32 to vector<16xi32>
      %add3A_199 = arith.addi %iota3A, %add3A_198 : vector<16xi32>
      %gather3A_200 = tpu.vector_load_idx %arg9[%add3A_199, %sub3A_187] : memref<64x64xf32, #tpu.memory_space<vmem>>[vector<16xi32>, vector<16xi32>], vector<16xf32>,
      %swap3A_201 = arith.index_cast %while3A_180 : i32 to index
      %swap3A_202 = arith.constant 16 : index
      %swap3A_203 = tpu.vector_load %arg10[%swap3A_201, %swap3A_202] {strides = array<i32>} : memref<128x128xf32, #tpu.memory_space<vmem>>, vector<16xf32>,
      tpu.vector_store %arg10[%swap3A_201, %swap3A_202], %gather3A_200 {strides = array<i32>} : memref<128x128xf32, #tpu.memory_space<vmem>>, vector<16xf32>,
      %add3A_204 = arith.constant 32 : i32
      %add3A_205 = vector.broadcast %add3A_204 : i32 to vector<16xi32>
      %add3A_206 = arith.addi %iota3A, %add3A_205 : vector<16xi32>
      %gather3A_207 = tpu.vector_load_idx %arg9[%add3A_206, %sub3A_187] : memref<64x64xf32, #tpu.memory_space<vmem>>[vector<16xi32>, vector<16xi32>], vector<16xf32>,
      %swap3A_208 = arith.index_cast %while3A_180 : i32 to index
      %swap3A_209 = arith.constant 32 : index
      %swap3A_210 = tpu.vector_load %arg10[%swap3A_208, %swap3A_209] {strides = array<i32>} : memref<128x128xf32, #tpu.memory_space<vmem>>, vector<16xf32>,
      tpu.vector_store %arg10[%swap3A_208, %swap3A_209], %gather3A_207 {strides = array<i32>} : memref<128x128xf32, #tpu.memory_space<vmem>>, vector<16xf32>,
      %add3A_211 = arith.constant 48 : i32
      %add3A_212 = vector.broadcast %add3A_211 : i32 to vector<16xi32>
      %add3A_213 = arith.addi %iota3A, %add3A_212 : vector<16xi32>
      %gather3A_214 = tpu.vector_load_idx %arg9[%add3A_213, %sub3A_187] : memref<64x64xf32, #tpu.memory_space<vmem>>[vector<16xi32>, vector<16xi32>], vector<16xf32>,
      %swap3A_215 = arith.index_cast %while3A_180 : i32 to index
      %swap3A_216 = arith.constant 48 : index
      %swap3A_217 = tpu.vector_load %arg10[%swap3A_215, %swap3A_216] {strides = array<i32>} : memref<128x128xf32, #tpu.memory_space<vmem>>, vector<16xf32>,
      tpu.vector_store %arg10[%swap3A_215, %swap3A_216], %gather3A_214 {strides = array<i32>} : memref<128x128xf32, #tpu.memory_space<vmem>>, vector<16xf32>,
      %broadcast_in_dim3A_218 = vector.broadcast %while3A_180 : i32 to vector<16xi32>
      %eq3A_219 = arith.constant 0 : i32
      %eq3A_220 = vector.broadcast %eq3A_219 : i32 to vector<16xi32>
      %eq3A_221 = arith.cmpi eq, %iota3A, %eq3A_220 : vector<16xi32>
      tpu.vector_store_idx %arg11[%broadcast_in_dim3A_218], %shift_right_logical3A_189 masked %eq3A_221 : memref<128xi32, #tpu.memory_space<vmem>>[vector<16xi32>], vector<16xi32>, vector<16xi1>
      %add3A_222 = arith.constant 1 : i32
      %add3A_223 = arith.addi %while3A_180, %add3A_222 : i32
      %jit3A_224 = arith.constant 64 : i32
      %eq3A_225 = arith.constant 0 : i32
      %eq3A_226 = arith.cmpi eq, %jit3A_224, %eq3A_225 : i32
      %jit3A_227 = arith.constant 1 : i32
      %select_n3A_228 = arith.select %eq3A_226, %jit3A_227, %jit3A_224 : i32
      %rem3A_229 = arith.remsi %add3A_223, %select_n3A_228 : i32
      %ne3A_230 = arith.constant 0 : i32
      %ne3A_231 = arith.cmpi ne, %rem3A_229, %ne3A_230 : i32
      %lt3A_232 = arith.constant 0 : i32
      %lt3A_233 = arith.cmpi slt, %rem3A_229, %lt3A_232 : i32
      %lt3A_234 = arith.constant 0 : i32
      %lt3A_235 = arith.cmpi slt, %select_n3A_228, %lt3A_234 : i32
      %ne3A_236 = arith.xori %lt3A_233, %lt3A_235 : i1
      %and3A_237 = arith.andi %ne3A_236, %ne3A_231 : i1
      %add3A_238 = arith.addi %rem3A_229, %select_n3A_228 : i32
      %select_n3A_239 = arith.select %and3A_237, %add3A_238, %rem3A_229 : i32
      %eq3A_240 = arith.constant 0 : i32
      %eq3A_241 = arith.cmpi eq, %select_n3A_239, %eq3A_240 : i32
      %convert_element_type3A_242 = arith.extui %eq3A_241 : i1 to i32
      %cond3A_243 = arith.constant 0 : i32
      %cond3A_244 = arith.cmpi ne, %convert_element_type3A_242, %cond3A_243 : i32
      scf.if %cond3A_244 {
        %jit3A_269 = arith.constant 64 : i32
        %div3A_270 = arith.divsi %add3A_223, %jit3A_269 : i32
        %sign3A_271 = arith.constant 0 : i32
        %sign3A_272 = arith.cmpi sgt, %add3A_223, %sign3A_271 : i32
        %sign3A_273 = arith.extui %sign3A_272 : i1 to i32
        %sign3A_274 = arith.constant 0 : i32
        %sign3A_275 = arith.cmpi slt, %add3A_223, %sign3A_274 : i32
        %sign3A_276 = arith.extui %sign3A_275 : i1 to i32
        %sign3A_277 = arith.subi %sign3A_273, %sign3A_276 : i32
        %sign3A_278 = arith.constant 0 : i32
        %sign3A_279 = arith.cmpi sgt, %jit3A_269, %sign3A_278 : i32
        %sign3A_280 = arith.extui %sign3A_279 : i1 to i32
        %sign3A_281 = arith.constant 0 : i32
        %sign3A_282 = arith.cmpi slt, %jit3A_269, %sign3A_281 : i32
        %sign3A_283 = arith.extui %sign3A_282 : i1 to i32
        %sign3A_284 = arith.subi %sign3A_280, %sign3A_283 : i32
        %ne3A_285 = arith.cmpi ne, %sign3A_277, %sign3A_284 : i32
        %rem3A_286 = arith.remsi %add3A_223, %jit3A_269 : i32
        %ne3A_287 = arith.constant 0 : i32
        %ne3A_288 = arith.cmpi ne, %rem3A_286, %ne3A_287 : i32
        %and3A_289 = arith.andi %ne3A_285, %ne3A_288 : i1
        %sub3A_290 = arith.constant 1 : i32
        %sub3A_291 = arith.subi %div3A_270, %sub3A_290 : i32
        %select_n3A_292 = arith.select %and3A_289, %sub3A_291, %div3A_270 : i32
        %sub3A_293 = arith.constant 1 : i32
        %sub3A_294 = arith.subi %select_n3A_292, %sub3A_293 : i32
        %jit3A_295 = arith.constant 2 : i32
        %eq3A_296 = arith.constant 0 : i32
        %eq3A_297 = arith.cmpi eq, %jit3A_295, %eq3A_296 : i32
        %jit3A_298 = arith.constant 1 : i32
        %select_n3A_299 = arith.select %eq3A_297, %jit3A_298, %jit3A_295 : i32
        %rem3A_300 = arith.remsi %sub3A_294, %select_n3A_299 : i32
        %ne3A_301 = arith.constant 0 : i32
        %ne3A_302 = arith.cmpi ne, %rem3A_300, %ne3A_301 : i32
        %lt3A_303 = arith.constant 0 : i32
        %lt3A_304 = arith.cmpi slt, %rem3A_300, %lt3A_303 : i32
        %lt3A_305 = arith.constant 0 : i32
        %lt3A_306 = arith.cmpi slt, %select_n3A_299, %lt3A_305 : i32
        %ne3A_307 = arith.xori %lt3A_304, %lt3A_306 : i1
        %and3A_308 = arith.andi %ne3A_307, %ne3A_302 : i1
        %add3A_309 = arith.addi %rem3A_300, %select_n3A_299 : i32
        %select_n3A_310 = arith.select %and3A_308, %add3A_309, %rem3A_300 : i32
        %sub3A_311 = arith.constant 1 : i32
        %sub3A_312 = arith.subi %sub3A_311, %select_n3A_310 : i32
        %mul3A_313 = arith.constant 64 : i32
        %mul3A_314 = arith.muli %select_n3A_310, %mul3A_313 : i32
        %mul3A_315 = arith.constant 64 : i32
        %mul3A_316 = arith.muli %select_n3A_310, %mul3A_315 : i32
        %dma_start3A_317 = arith.constant 0 : i32
        %dma_start3A_318 = tpu.memref_slice %arg10[%mul3A_314, %dma_start3A_317] : memref<128x128xf32, #tpu.memory_space<vmem>> -> memref<64x128xf32, #tpu.memory_space<vmem>>
        %dma_start3A_319 = tpu.memref_slice %arg11[%mul3A_316] : memref<128xi32, #tpu.memory_space<vmem>> -> memref<64xi32, #tpu.memory_space<vmem>>
        %dma_start3A_320 = arith.constant 0 : i32
        %dma_start3A_321 = arith.constant 0 : i32
        %dma_start3A_322 = tpu.memref_slice %arg5[%dma_start3A_320, %dma_start3A_321] : memref<16384x128xf32, #tpu.memory_space<hbm>> -> memref<16384x128xf32, #tpu.memory_space<hbm>>
        %dma_start3A_323 = arith.constant -1 : i32
        tpu.enqueue_indirect_dma source(%dma_start3A_318 : memref<64x128xf32, #tpu.memory_space<vmem>>) target(%dma_start3A_322 : memref<16384x128xf32, #tpu.memory_space<hbm>>) offsets(%dma_start3A_319 : memref<64xi32, #tpu.memory_space<vmem>>) offset_filter(%dma_start3A_323) semaphore(%arg15 : memref<!tpu.dma_semaphore, #tpu.memory_space<semaphore_mem>>)
        %ne3A_324 = arith.constant 0 : i32
        %ne3A_325 = arith.cmpi ne, %while3A_181, %ne3A_324 : i32
        %convert_element_type3A_326 = arith.extui %ne3A_325 : i1 to i32
        %cond3A_327 = arith.constant 0 : i32
        %cond3A_328 = arith.cmpi ne, %convert_element_type3A_326, %cond3A_327 : i32
        scf.if %cond3A_328 {
          %mul3A_361 = arith.constant 64 : i32
          %mul3A_362 = arith.muli %sub3A_312, %mul3A_361 : i32
          %mul3A_363 = arith.constant 64 : i32
          %mul3A_364 = arith.muli %sub3A_312, %mul3A_363 : i32
          %dma_wait3A = arith.constant 0 : i32
          %dma_wait3A_365 = tpu.memref_slice %arg10[%mul3A_362, %dma_wait3A] : memref<128x128xf32, #tpu.memory_space<vmem>> -> memref<64x128xf32, #tpu.memory_space<vmem>>
          %dma_wait3A_366 = tpu.memref_slice %arg11[%mul3A_364] : memref<128xi32, #tpu.memory_space<vmem>> -> memref<64xi32, #tpu.memory_space<vmem>>
          %dma_wait3A_367 = arith.constant 0 : i32
          %dma_wait3A_368 = arith.constant 0 : i32
          %dma_wait3A_369 = tpu.memref_slice %arg5[%dma_wait3A_367, %dma_wait3A_368] : memref<16384x128xf32, #tpu.memory_space<hbm>> -> memref<16384x128xf32, #tpu.memory_space<hbm>>
          tpu.wait_indirect_dma semaphore(%arg15 : memref<!tpu.dma_semaphore, #tpu.memory_space<semaphore_mem>>) src(%dma_wait3A_365 : memref<64x128xf32, #tpu.memory_space<vmem>>) dst(%dma_wait3A_369 : memref<16384x128xf32, #tpu.memory_space<hbm>>)
        } else {
        }
        %broadcast_in_dim3A_329 = arith.constant -1 : i32
        %broadcast_in_dim3A_330 = vector.broadcast %broadcast_in_dim3A_329 : i32 to vector<16xi32>
        %mul3A_331 = arith.constant 64 : i32
        %mul3A_332 = arith.muli %sub3A_312, %mul3A_331 : i32
        %add3A_333 = arith.constant 0 : i32
        %add3A_334 = arith.addi %mul3A_332, %add3A_333 : i32
        %swap3A_335 = arith.index_cast %add3A_334 : i32 to index
        %swap3A_336 = tpu.vector_load %arg11[%swap3A_335] {strides = array<i32>} : memref<128xi32, #tpu.memory_space<vmem>>, vector<16xi32>,
        tpu.vector_store %arg11[%swap3A_335], %broadcast_in_dim3A_330 {strides = array<i32>} : memref<128xi32, #tpu.memory_space<vmem>>, vector<16xi32>,
        %broadcast_in_dim3A_337 = arith.constant -1 : i32
        %broadcast_in_dim3A_338 = vector.broadcast %broadcast_in_dim3A_337 : i32 to vector<16xi32>
        %mul3A_339 = arith.constant 64 : i32
        %mul3A_340 = arith.muli %sub3A_312, %mul3A_339 : i32
        %add3A_341 = arith.constant 16 : i32
        %add3A_342 = arith.addi %mul3A_340, %add3A_341 : i32
        %swap3A_343 = arith.index_cast %add3A_342 : i32 to index
        %swap3A_344 = tpu.vector_load %arg11[%swap3A_343] {strides = array<i32>} : memref<128xi32, #tpu.memory_space<vmem>>, vector<16xi32>,
        tpu.vector_store %arg11[%swap3A_343], %broadcast_in_dim3A_338 {strides = array<i32>} : memref<128xi32, #tpu.memory_space<vmem>>, vector<16xi32>,
        %broadcast_in_dim3A_345 = arith.constant -1 : i32
        %broadcast_in_dim3A_346 = vector.broadcast %broadcast_in_dim3A_345 : i32 to vector<16xi32>
        %mul3A_347 = arith.constant 64 : i32
        %mul3A_348 = arith.muli %sub3A_312, %mul3A_347 : i32
        %add3A_349 = arith.constant 32 : i32
        %add3A_350 = arith.addi %mul3A_348, %add3A_349 : i32
        %swap3A_351 = arith.index_cast %add3A_350 : i32 to index
        %swap3A_352 = tpu.vector_load %arg11[%swap3A_351] {strides = array<i32>} : memref<128xi32, #tpu.memory_space<vmem>>, vector<16xi32>,
        tpu.vector_store %arg11[%swap3A_351], %broadcast_in_dim3A_346 {strides = array<i32>} : memref<128xi32, #tpu.memory_space<vmem>>, vector<16xi32>,
        %broadcast_in_dim3A_353 = arith.constant -1 : i32
        %broadcast_in_dim3A_354 = vector.broadcast %broadcast_in_dim3A_353 : i32 to vector<16xi32>
        %mul3A_355 = arith.constant 64 : i32
        %mul3A_356 = arith.muli %sub3A_312, %mul3A_355 : i32
        %add3A_357 = arith.constant 48 : i32
        %add3A_358 = arith.addi %mul3A_356, %add3A_357 : i32
        %swap3A_359 = arith.index_cast %add3A_358 : i32 to index
        %swap3A_360 = tpu.vector_load %arg11[%swap3A_359] {strides = array<i32>} : memref<128xi32, #tpu.memory_space<vmem>>, vector<16xi32>,
        tpu.vector_store %arg11[%swap3A_359], %broadcast_in_dim3A_354 {strides = array<i32>} : memref<128xi32, #tpu.memory_space<vmem>>, vector<16xi32>,
      } else {
      }
      %eq3A_245 = arith.constant 128 : i32
      %eq3A_246 = arith.cmpi eq, %add3A_223, %eq3A_245 : i32
      %jit3A_247 = arith.constant 0 : i32
      %select_n3A_248 = arith.select %eq3A_246, %jit3A_247, %add3A_223 : i32
      %jit3A_249 = arith.constant 64 : i32
      %eq3A_250 = arith.constant 0 : i32
      %eq3A_251 = arith.cmpi eq, %jit3A_249, %eq3A_250 : i32
      %jit3A_252 = arith.constant 1 : i32
      %select_n3A_253 = arith.select %eq3A_251, %jit3A_252, %jit3A_249 : i32
      %rem3A_254 = arith.remsi %add3A_223, %select_n3A_253 : i32
      %ne3A_255 = arith.constant 0 : i32
      %ne3A_256 = arith.cmpi ne, %rem3A_254, %ne3A_255 : i32
      %lt3A_257 = arith.constant 0 : i32
      %lt3A_258 = arith.cmpi slt, %rem3A_254, %lt3A_257 : i32
      %lt3A_259 = arith.constant 0 : i32
      %lt3A_260 = arith.cmpi slt, %select_n3A_253, %lt3A_259 : i32
      %ne3A_261 = arith.xori %lt3A_258, %lt3A_260 : i1
      %and3A_262 = arith.andi %ne3A_261, %ne3A_256 : i1
      %add3A_263 = arith.addi %rem3A_254, %select_n3A_253 : i32
      %select_n3A_264 = arith.select %and3A_262, %add3A_263, %rem3A_254 : i32
      %eq3A_265 = arith.constant 0 : i32
      %eq3A_266 = arith.cmpi eq, %select_n3A_264, %eq3A_265 : i32
      %jit3A_267 = arith.constant 1 : i32
      %select_n3A_268 = arith.select %eq3A_266, %jit3A_267, %while3A_181 : i32
      scf.yield %select_n3A_248, %select_n3A_268 : i32, i32
    }
    %while3A_131 = arith.constant 1 : i32
    %while3A_132:2 = scf.for %while3A_179 = %while3A_128 to %while3A_124 step %while3A_131 iter_args(%while3A_180 = %while3A_130#0, %while3A_181 = %while3A_130#1) -> (i32, i32)  : i32 {
      %broadcast_in_dim3A_182 = vector.broadcast %while3A_179 : i32 to vector<16xi32>
      %gather3A = tpu.vector_load_idx %arg6[%broadcast_in_dim3A_182] : memref<16384xi32, #tpu.memory_space<vmem>>[vector<16xi32>], vector<16xi32>,
      %and3A_183 = arith.constant 32767 : i32
      %and3A_184 = vector.broadcast %and3A_183 : i32 to vector<16xi32>
      %and3A_185 = arith.andi %gather3A, %and3A_184 : vector<16xi32>
      %sub3A_186 = vector.broadcast %sub3A_110 : i32 to vector<16xi32>
      %sub3A_187 = arith.subi %and3A_185, %sub3A_186 : vector<16xi32>
      %shift_right_logical3A = arith.constant 15 : i32
      %shift_right_logical3A_188 = vector.broadcast %shift_right_logical3A : i32 to vector<16xi32>
      %shift_right_logical3A_189 = arith.shrui %gather3A, %shift_right_logical3A_188 : vector<16xi32>
      %add3A_190 = arith.constant 0 : i32
      %add3A_191 = vector.broadcast %add3A_190 : i32 to vector<16xi32>
      %add3A_192 = arith.addi %iota3A, %add3A_191 : vector<16xi32>
      %gather3A_193 = tpu.vector_load_idx %arg9[%add3A_192, %sub3A_187] : memref<64x64xf32, #tpu.memory_space<vmem>>[vector<16xi32>, vector<16xi32>], vector<16xf32>,
      %swap3A_194 = arith.index_cast %while3A_180 : i32 to index
      %swap3A_195 = arith.constant 0 : index
      %swap3A_196 = tpu.vector_load %arg10[%swap3A_194, %swap3A_195] {strides = array<i32>} : memref<128x128xf32, #tpu.memory_space<vmem>>, vector<16xf32>,
      tpu.vector_store %arg10[%swap3A_194, %swap3A_195], %gather3A_193 {strides = array<i32>} : memref<128x128xf32, #tpu.memory_space<vmem>>, vector<16xf32>,
      %add3A_197 = arith.constant 16 : i32
      %add3A_198 = vector.broadcast %add3A_197 : i32 to vector<16xi32>
      %add3A_199 = arith.addi %iota3A, %add3A_198 : vector<16xi32>
      %gather3A_200 = tpu.vector_load_idx %arg9[%add3A_199, %sub3A_187] : memref<64x64xf32, #tpu.memory_space<vmem>>[vector<16xi32>, vector<16xi32>], vector<16xf32>,
      %swap3A_201 = arith.index_cast %while3A_180 : i32 to index
      %swap3A_202 = arith.constant 16 : index
      %swap3A_203 = tpu.vector_load %arg10[%swap3A_201, %swap3A_202] {strides = array<i32>} : memref<128x128xf32, #tpu.memory_space<vmem>>, vector<16xf32>,
      tpu.vector_store %arg10[%swap3A_201, %swap3A_202], %gather3A_200 {strides = array<i32>} : memref<128x128xf32, #tpu.memory_space<vmem>>, vector<16xf32>,
      %add3A_204 = arith.constant 32 : i32
      %add3A_205 = vector.broadcast %add3A_204 : i32 to vector<16xi32>
      %add3A_206 = arith.addi %iota3A, %add3A_205 : vector<16xi32>
      %gather3A_207 = tpu.vector_load_idx %arg9[%add3A_206, %sub3A_187] : memref<64x64xf32, #tpu.memory_space<vmem>>[vector<16xi32>, vector<16xi32>], vector<16xf32>,
      %swap3A_208 = arith.index_cast %while3A_180 : i32 to index
      %swap3A_209 = arith.constant 32 : index
      %swap3A_210 = tpu.vector_load %arg10[%swap3A_208, %swap3A_209] {strides = array<i32>} : memref<128x128xf32, #tpu.memory_space<vmem>>, vector<16xf32>,
      tpu.vector_store %arg10[%swap3A_208, %swap3A_209], %gather3A_207 {strides = array<i32>} : memref<128x128xf32, #tpu.memory_space<vmem>>, vector<16xf32>,
      %add3A_211 = arith.constant 48 : i32
      %add3A_212 = vector.broadcast %add3A_211 : i32 to vector<16xi32>
      %add3A_213 = arith.addi %iota3A, %add3A_212 : vector<16xi32>
      %gather3A_214 = tpu.vector_load_idx %arg9[%add3A_213, %sub3A_187] : memref<64x64xf32, #tpu.memory_space<vmem>>[vector<16xi32>, vector<16xi32>], vector<16xf32>,
      %swap3A_215 = arith.index_cast %while3A_180 : i32 to index
      %swap3A_216 = arith.constant 48 : index
      %swap3A_217 = tpu.vector_load %arg10[%swap3A_215, %swap3A_216] {strides = array<i32>} : memref<128x128xf32, #tpu.memory_space<vmem>>, vector<16xf32>,
      tpu.vector_store %arg10[%swap3A_215, %swap3A_216], %gather3A_214 {strides = array<i32>} : memref<128x128xf32, #tpu.memory_space<vmem>>, vector<16xf32>,
      %broadcast_in_dim3A_218 = vector.broadcast %while3A_180 : i32 to vector<16xi32>
      %eq3A_219 = arith.constant 0 : i32
      %eq3A_220 = vector.broadcast %eq3A_219 : i32 to vector<16xi32>
      %eq3A_221 = arith.cmpi eq, %iota3A, %eq3A_220 : vector<16xi32>
      tpu.vector_store_idx %arg11[%broadcast_in_dim3A_218], %shift_right_logical3A_189 masked %eq3A_221 : memref<128xi32, #tpu.memory_space<vmem>>[vector<16xi32>], vector<16xi32>, vector<16xi1>
      %add3A_222 = arith.constant 1 : i32
      %add3A_223 = arith.addi %while3A_180, %add3A_222 : i32
      %jit3A_224 = arith.constant 64 : i32
      %eq3A_225 = arith.constant 0 : i32
      %eq3A_226 = arith.cmpi eq, %jit3A_224, %eq3A_225 : i32
      %jit3A_227 = arith.constant 1 : i32
      %select_n3A_228 = arith.select %eq3A_226, %jit3A_227, %jit3A_224 : i32
      %rem3A_229 = arith.remsi %add3A_223, %select_n3A_228 : i32
      %ne3A_230 = arith.constant 0 : i32
      %ne3A_231 = arith.cmpi ne, %rem3A_229, %ne3A_230 : i32
      %lt3A_232 = arith.constant 0 : i32
      %lt3A_233 = arith.cmpi slt, %rem3A_229, %lt3A_232 : i32
      %lt3A_234 = arith.constant 0 : i32
      %lt3A_235 = arith.cmpi slt, %select_n3A_228, %lt3A_234 : i32
      %ne3A_236 = arith.xori %lt3A_233, %lt3A_235 : i1
      %and3A_237 = arith.andi %ne3A_236, %ne3A_231 : i1
      %add3A_238 = arith.addi %rem3A_229, %select_n3A_228 : i32
      %select_n3A_239 = arith.select %and3A_237, %add3A_238, %rem3A_229 : i32
      %eq3A_240 = arith.constant 0 : i32
      %eq3A_241 = arith.cmpi eq, %select_n3A_239, %eq3A_240 : i32
      %convert_element_type3A_242 = arith.extui %eq3A_241 : i1 to i32
      %cond3A_243 = arith.constant 0 : i32
      %cond3A_244 = arith.cmpi ne, %convert_element_type3A_242, %cond3A_243 : i32
      scf.if %cond3A_244 {
        %jit3A_269 = arith.constant 64 : i32
        %div3A_270 = arith.divsi %add3A_223, %jit3A_269 : i32
        %sign3A_271 = arith.constant 0 : i32
        %sign3A_272 = arith.cmpi sgt, %add3A_223, %sign3A_271 : i32
        %sign3A_273 = arith.extui %sign3A_272 : i1 to i32
        %sign3A_274 = arith.constant 0 : i32
        %sign3A_275 = arith.cmpi slt, %add3A_223, %sign3A_274 : i32
        %sign3A_276 = arith.extui %sign3A_275 : i1 to i32
        %sign3A_277 = arith.subi %sign3A_273, %sign3A_276 : i32
        %sign3A_278 = arith.constant 0 : i32
        %sign3A_279 = arith.cmpi sgt, %jit3A_269, %sign3A_278 : i32
        %sign3A_280 = arith.extui %sign3A_279 : i1 to i32
        %sign3A_281 = arith.constant 0 : i32
        %sign3A_282 = arith.cmpi slt, %jit3A_269, %sign3A_281 : i32
        %sign3A_283 = arith.extui %sign3A_282 : i1 to i32
        %sign3A_284 = arith.subi %sign3A_280, %sign3A_283 : i32
        %ne3A_285 = arith.cmpi ne, %sign3A_277, %sign3A_284 : i32
        %rem3A_286 = arith.remsi %add3A_223, %jit3A_269 : i32
        %ne3A_287 = arith.constant 0 : i32
        %ne3A_288 = arith.cmpi ne, %rem3A_286, %ne3A_287 : i32
        %and3A_289 = arith.andi %ne3A_285, %ne3A_288 : i1
        %sub3A_290 = arith.constant 1 : i32
        %sub3A_291 = arith.subi %div3A_270, %sub3A_290 : i32
        %select_n3A_292 = arith.select %and3A_289, %sub3A_291, %div3A_270 : i32
        %sub3A_293 = arith.constant 1 : i32
        %sub3A_294 = arith.subi %select_n3A_292, %sub3A_293 : i32
        %jit3A_295 = arith.constant 2 : i32
        %eq3A_296 = arith.constant 0 : i32
        %eq3A_297 = arith.cmpi eq, %jit3A_295, %eq3A_296 : i32
        %jit3A_298 = arith.constant 1 : i32
        %select_n3A_299 = arith.select %eq3A_297, %jit3A_298, %jit3A_295 : i32
        %rem3A_300 = arith.remsi %sub3A_294, %select_n3A_299 : i32
        %ne3A_301 = arith.constant 0 : i32
        %ne3A_302 = arith.cmpi ne, %rem3A_300, %ne3A_301 : i32
        %lt3A_303 = arith.constant 0 : i32
        %lt3A_304 = arith.cmpi slt, %rem3A_300, %lt3A_303 : i32
        %lt3A_305 = arith.constant 0 : i32
        %lt3A_306 = arith.cmpi slt, %select_n3A_299, %lt3A_305 : i32
        %ne3A_307 = arith.xori %lt3A_304, %lt3A_306 : i1
        %and3A_308 = arith.andi %ne3A_307, %ne3A_302 : i1
        %add3A_309 = arith.addi %rem3A_300, %select_n3A_299 : i32
        %select_n3A_310 = arith.select %and3A_308, %add3A_309, %rem3A_300 : i32
        %sub3A_311 = arith.constant 1 : i32
        %sub3A_312 = arith.subi %sub3A_311, %select_n3A_310 : i32
        %mul3A_313 = arith.constant 64 : i32
        %mul3A_314 = arith.muli %select_n3A_310, %mul3A_313 : i32
        %mul3A_315 = arith.constant 64 : i32
        %mul3A_316 = arith.muli %select_n3A_310, %mul3A_315 : i32
        %dma_start3A_317 = arith.constant 0 : i32
        %dma_start3A_318 = tpu.memref_slice %arg10[%mul3A_314, %dma_start3A_317] : memref<128x128xf32, #tpu.memory_space<vmem>> -> memref<64x128xf32, #tpu.memory_space<vmem>>
        %dma_start3A_319 = tpu.memref_slice %arg11[%mul3A_316] : memref<128xi32, #tpu.memory_space<vmem>> -> memref<64xi32, #tpu.memory_space<vmem>>
        %dma_start3A_320 = arith.constant 0 : i32
        %dma_start3A_321 = arith.constant 0 : i32
        %dma_start3A_322 = tpu.memref_slice %arg5[%dma_start3A_320, %dma_start3A_321] : memref<16384x128xf32, #tpu.memory_space<hbm>> -> memref<16384x128xf32, #tpu.memory_space<hbm>>
        %dma_start3A_323 = arith.constant -1 : i32
        tpu.enqueue_indirect_dma source(%dma_start3A_318 : memref<64x128xf32, #tpu.memory_space<vmem>>) target(%dma_start3A_322 : memref<16384x128xf32, #tpu.memory_space<hbm>>) offsets(%dma_start3A_319 : memref<64xi32, #tpu.memory_space<vmem>>) offset_filter(%dma_start3A_323) semaphore(%arg15 : memref<!tpu.dma_semaphore, #tpu.memory_space<semaphore_mem>>)
        %ne3A_324 = arith.constant 0 : i32
        %ne3A_325 = arith.cmpi ne, %while3A_181, %ne3A_324 : i32
        %convert_element_type3A_326 = arith.extui %ne3A_325 : i1 to i32
        %cond3A_327 = arith.constant 0 : i32
        %cond3A_328 = arith.cmpi ne, %convert_element_type3A_326, %cond3A_327 : i32
        scf.if %cond3A_328 {
          %mul3A_361 = arith.constant 64 : i32
          %mul3A_362 = arith.muli %sub3A_312, %mul3A_361 : i32
          %mul3A_363 = arith.constant 64 : i32
          %mul3A_364 = arith.muli %sub3A_312, %mul3A_363 : i32
          %dma_wait3A = arith.constant 0 : i32
          %dma_wait3A_365 = tpu.memref_slice %arg10[%mul3A_362, %dma_wait3A] : memref<128x128xf32, #tpu.memory_space<vmem>> -> memref<64x128xf32, #tpu.memory_space<vmem>>
          %dma_wait3A_366 = tpu.memref_slice %arg11[%mul3A_364] : memref<128xi32, #tpu.memory_space<vmem>> -> memref<64xi32, #tpu.memory_space<vmem>>
          %dma_wait3A_367 = arith.constant 0 : i32
          %dma_wait3A_368 = arith.constant 0 : i32
          %dma_wait3A_369 = tpu.memref_slice %arg5[%dma_wait3A_367, %dma_wait3A_368] : memref<16384x128xf32, #tpu.memory_space<hbm>> -> memref<16384x128xf32, #tpu.memory_space<hbm>>
          tpu.wait_indirect_dma semaphore(%arg15 : memref<!tpu.dma_semaphore, #tpu.memory_space<semaphore_mem>>) src(%dma_wait3A_365 : memref<64x128xf32, #tpu.memory_space<vmem>>) dst(%dma_wait3A_369 : memref<16384x128xf32, #tpu.memory_space<hbm>>)
        } else {
        }
        %broadcast_in_dim3A_329 = arith.constant -1 : i32
        %broadcast_in_dim3A_330 = vector.broadcast %broadcast_in_dim3A_329 : i32 to vector<16xi32>
        %mul3A_331 = arith.constant 64 : i32
        %mul3A_332 = arith.muli %sub3A_312, %mul3A_331 : i32
        %add3A_333 = arith.constant 0 : i32
        %add3A_334 = arith.addi %mul3A_332, %add3A_333 : i32
        %swap3A_335 = arith.index_cast %add3A_334 : i32 to index
        %swap3A_336 = tpu.vector_load %arg11[%swap3A_335] {strides = array<i32>} : memref<128xi32, #tpu.memory_space<vmem>>, vector<16xi32>,
        tpu.vector_store %arg11[%swap3A_335], %broadcast_in_dim3A_330 {strides = array<i32>} : memref<128xi32, #tpu.memory_space<vmem>>, vector<16xi32>,
        %broadcast_in_dim3A_337 = arith.constant -1 : i32
        %broadcast_in_dim3A_338 = vector.broadcast %broadcast_in_dim3A_337 : i32 to vector<16xi32>
        %mul3A_339 = arith.constant 64 : i32
        %mul3A_340 = arith.muli %sub3A_312, %mul3A_339 : i32
        %add3A_341 = arith.constant 16 : i32
        %add3A_342 = arith.addi %mul3A_340, %add3A_341 : i32
        %swap3A_343 = arith.index_cast %add3A_342 : i32 to index
        %swap3A_344 = tpu.vector_load %arg11[%swap3A_343] {strides = array<i32>} : memref<128xi32, #tpu.memory_space<vmem>>, vector<16xi32>,
        tpu.vector_store %arg11[%swap3A_343], %broadcast_in_dim3A_338 {strides = array<i32>} : memref<128xi32, #tpu.memory_space<vmem>>, vector<16xi32>,
        %broadcast_in_dim3A_345 = arith.constant -1 : i32
        %broadcast_in_dim3A_346 = vector.broadcast %broadcast_in_dim3A_345 : i32 to vector<16xi32>
        %mul3A_347 = arith.constant 64 : i32
        %mul3A_348 = arith.muli %sub3A_312, %mul3A_347 : i32
        %add3A_349 = arith.constant 32 : i32
        %add3A_350 = arith.addi %mul3A_348, %add3A_349 : i32
        %swap3A_351 = arith.index_cast %add3A_350 : i32 to index
        %swap3A_352 = tpu.vector_load %arg11[%swap3A_351] {strides = array<i32>} : memref<128xi32, #tpu.memory_space<vmem>>, vector<16xi32>,
        tpu.vector_store %arg11[%swap3A_351], %broadcast_in_dim3A_346 {strides = array<i32>} : memref<128xi32, #tpu.memory_space<vmem>>, vector<16xi32>,
        %broadcast_in_dim3A_353 = arith.constant -1 : i32
        %broadcast_in_dim3A_354 = vector.broadcast %broadcast_in_dim3A_353 : i32 to vector<16xi32>
        %mul3A_355 = arith.constant 64 : i32
        %mul3A_356 = arith.muli %sub3A_312, %mul3A_355 : i32
        %add3A_357 = arith.constant 48 : i32
        %add3A_358 = arith.addi %mul3A_356, %add3A_357 : i32
        %swap3A_359 = arith.index_cast %add3A_358 : i32 to index
        %swap3A_360 = tpu.vector_load %arg11[%swap3A_359] {strides = array<i32>} : memref<128xi32, #tpu.memory_space<vmem>>, vector<16xi32>,
        tpu.vector_store %arg11[%swap3A_359], %broadcast_in_dim3A_354 {strides = array<i32>} : memref<128xi32, #tpu.memory_space<vmem>>, vector<16xi32>,
      } else {
      }
      %eq3A_245 = arith.constant 128 : i32
      %eq3A_246 = arith.cmpi eq, %add3A_223, %eq3A_245 : i32
      %jit3A_247 = arith.constant 0 : i32
      %select_n3A_248 = arith.select %eq3A_246, %jit3A_247, %add3A_223 : i32
      %jit3A_249 = arith.constant 64 : i32
      %eq3A_250 = arith.constant 0 : i32
      %eq3A_251 = arith.cmpi eq, %jit3A_249, %eq3A_250 : i32
      %jit3A_252 = arith.constant 1 : i32
      %select_n3A_253 = arith.select %eq3A_251, %jit3A_252, %jit3A_249 : i32
      %rem3A_254 = arith.remsi %add3A_223, %select_n3A_253 : i32
      %ne3A_255 = arith.constant 0 : i32
      %ne3A_256 = arith.cmpi ne, %rem3A_254, %ne3A_255 : i32
      %lt3A_257 = arith.constant 0 : i32
      %lt3A_258 = arith.cmpi slt, %rem3A_254, %lt3A_257 : i32
      %lt3A_259 = arith.constant 0 : i32
      %lt3A_260 = arith.cmpi slt, %select_n3A_253, %lt3A_259 : i32
      %ne3A_261 = arith.xori %lt3A_258, %lt3A_260 : i1
      %and3A_262 = arith.andi %ne3A_261, %ne3A_256 : i1
      %add3A_263 = arith.addi %rem3A_254, %select_n3A_253 : i32
      %select_n3A_264 = arith.select %and3A_262, %add3A_263, %rem3A_254 : i32
      %eq3A_265 = arith.constant 0 : i32
      %eq3A_266 = arith.cmpi eq, %select_n3A_264, %eq3A_265 : i32
      %jit3A_267 = arith.constant 1 : i32
      %select_n3A_268 = arith.select %eq3A_266, %jit3A_267, %while3A_181 : i32
      scf.yield %select_n3A_248, %select_n3A_268 : i32, i32
    }
    %jit3A_133 = arith.constant 64 : i32
    %div3A_134 = arith.divsi %while3A_132#0, %jit3A_133 : i32
    %sign3A_135 = arith.constant 0 : i32
    %sign3A_136 = arith.cmpi sgt, %while3A_132#0, %sign3A_135 : i32
    %sign3A_137 = arith.extui %sign3A_136 : i1 to i32
    %sign3A_138 = arith.constant 0 : i32
    %sign3A_139 = arith.cmpi slt, %while3A_132#0, %sign3A_138 : i32
    %sign3A_140 = arith.extui %sign3A_139 : i1 to i32
    %sign3A_141 = arith.subi %sign3A_137, %sign3A_140 : i32
    %sign3A_142 = arith.constant 0 : i32
    %sign3A_143 = arith.cmpi sgt, %jit3A_133, %sign3A_142 : i32
    %sign3A_144 = arith.extui %sign3A_143 : i1 to i32
    %sign3A_145 = arith.constant 0 : i32
    %sign3A_146 = arith.cmpi slt, %jit3A_133, %sign3A_145 : i32
    %sign3A_147 = arith.extui %sign3A_146 : i1 to i32
    %sign3A_148 = arith.subi %sign3A_144, %sign3A_147 : i32
    %ne3A_149 = arith.cmpi ne, %sign3A_141, %sign3A_148 : i32
    %rem3A_150 = arith.remsi %while3A_132#0, %jit3A_133 : i32
    %ne3A_151 = arith.constant 0 : i32
    %ne3A_152 = arith.cmpi ne, %rem3A_150, %ne3A_151 : i32
    %and3A_153 = arith.andi %ne3A_149, %ne3A_152 : i1
    %sub3A_154 = arith.constant 1 : i32
    %sub3A_155 = arith.subi %div3A_134, %sub3A_154 : i32
    %select_n3A_156 = arith.select %and3A_153, %sub3A_155, %div3A_134 : i32
    %ne3A_157 = arith.constant 0 : i32
    %ne3A_158 = arith.cmpi ne, %while3A_132#1, %ne3A_157 : i32
    %convert_element_type3A = arith.extui %ne3A_158 : i1 to i32
    %cond3A = arith.constant 0 : i32
    %cond3A_159 = arith.cmpi ne, %convert_element_type3A, %cond3A : i32
    scf.if %cond3A_159 {
      %sub3A_179 = arith.constant 1 : i32
      %sub3A_180 = arith.subi %sub3A_179, %select_n3A_156 : i32
      %mul3A_181 = arith.constant 64 : i32
      %mul3A_182 = arith.muli %sub3A_180, %mul3A_181 : i32
      %mul3A_183 = arith.constant 64 : i32
      %mul3A_184 = arith.muli %sub3A_180, %mul3A_183 : i32
      %dma_wait3A = arith.constant 0 : i32
      %dma_wait3A_185 = tpu.memref_slice %arg10[%mul3A_182, %dma_wait3A] : memref<128x128xf32, #tpu.memory_space<vmem>> -> memref<64x128xf32, #tpu.memory_space<vmem>>
      %dma_wait3A_186 = tpu.memref_slice %arg11[%mul3A_184] : memref<128xi32, #tpu.memory_space<vmem>> -> memref<64xi32, #tpu.memory_space<vmem>>
      %dma_wait3A_187 = arith.constant 0 : i32
      %dma_wait3A_188 = arith.constant 0 : i32
      %dma_wait3A_189 = tpu.memref_slice %arg5[%dma_wait3A_187, %dma_wait3A_188] : memref<16384x128xf32, #tpu.memory_space<hbm>> -> memref<16384x128xf32, #tpu.memory_space<hbm>>
      tpu.wait_indirect_dma semaphore(%arg15 : memref<!tpu.dma_semaphore, #tpu.memory_space<semaphore_mem>>) src(%dma_wait3A_185 : memref<64x128xf32, #tpu.memory_space<vmem>>) dst(%dma_wait3A_189 : memref<16384x128xf32, #tpu.memory_space<hbm>>)
    } else {
    }
    %jit3A_160 = arith.constant 64 : i32
    %eq3A = arith.constant 0 : i32
    %eq3A_161 = arith.cmpi eq, %jit3A_160, %eq3A : i32
    %jit3A_162 = arith.constant 1 : i32
    %select_n3A_163 = arith.select %eq3A_161, %jit3A_162, %jit3A_160 : i32
    %rem3A_164 = arith.remsi %while3A_132#0, %select_n3A_163 : i32
    %ne3A_165 = arith.constant 0 : i32
    %ne3A_166 = arith.cmpi ne, %rem3A_164, %ne3A_165 : i32
    %lt3A = arith.constant 0 : i32
    %lt3A_167 = arith.cmpi slt, %rem3A_164, %lt3A : i32
    %lt3A_168 = arith.constant 0 : i32
    %lt3A_169 = arith.cmpi slt, %select_n3A_163, %lt3A_168 : i32
    %ne3A_170 = arith.xori %lt3A_167, %lt3A_169 : i1
    %and3A_171 = arith.andi %ne3A_170, %ne3A_166 : i1
    %add3A_172 = arith.addi %rem3A_164, %select_n3A_163 : i32
    %select_n3A_173 = arith.select %and3A_171, %add3A_172, %rem3A_164 : i32
    %ne3A_174 = arith.constant 0 : i32
    %ne3A_175 = arith.cmpi ne, %select_n3A_173, %ne3A_174 : i32
    %convert_element_type3A_176 = arith.extui %ne3A_175 : i1 to i32
    %cond3A_177 = arith.constant 0 : i32
    %cond3A_178 = arith.cmpi ne, %convert_element_type3A_176, %cond3A_177 : i32
    scf.if %cond3A_178 {
      %mul3A_179 = arith.constant 64 : i32
      %mul3A_180 = arith.muli %select_n3A_156, %mul3A_179 : i32
      %mul3A_181 = arith.constant 64 : i32
      %mul3A_182 = arith.muli %select_n3A_156, %mul3A_181 : i32
      %dma_start3A_183 = arith.constant 0 : i32
      %dma_start3A_184 = tpu.memref_slice %arg10[%mul3A_180, %dma_start3A_183] : memref<128x128xf32, #tpu.memory_space<vmem>> -> memref<64x128xf32, #tpu.memory_space<vmem>>
      %dma_start3A_185 = tpu.memref_slice %arg11[%mul3A_182] : memref<128xi32, #tpu.memory_space<vmem>> -> memref<64xi32, #tpu.memory_space<vmem>>
      %dma_start3A_186 = arith.constant 0 : i32
      %dma_start3A_187 = arith.constant 0 : i32
      %dma_start3A_188 = tpu.memref_slice %arg5[%dma_start3A_186, %dma_start3A_187] : memref<16384x128xf32, #tpu.memory_space<hbm>> -> memref<16384x128xf32, #tpu.memory_space<hbm>>
      %dma_start3A_189 = arith.constant -1 : i32
      tpu.enqueue_indirect_dma source(%dma_start3A_184 : memref<64x128xf32, #tpu.memory_space<vmem>>) target(%dma_start3A_188 : memref<16384x128xf32, #tpu.memory_space<hbm>>) offsets(%dma_start3A_185 : memref<64xi32, #tpu.memory_space<vmem>>) offset_filter(%dma_start3A_189) semaphore(%arg15 : memref<!tpu.dma_semaphore, #tpu.memory_space<semaphore_mem>>)
      %mul3A_190 = arith.constant 64 : i32
      %mul3A_191 = arith.muli %select_n3A_156, %mul3A_190 : i32
      %mul3A_192 = arith.constant 64 : i32
      %mul3A_193 = arith.muli %select_n3A_156, %mul3A_192 : i32
      %dma_wait3A = arith.constant 0 : i32
      %dma_wait3A_194 = tpu.memref_slice %arg10[%mul3A_191, %dma_wait3A] : memref<128x128xf32, #tpu.memory_space<vmem>> -> memref<64x128xf32, #tpu.memory_space<vmem>>
      %dma_wait3A_195 = tpu.memref_slice %arg11[%mul3A_193] : memref<128xi32, #tpu.memory_space<vmem>> -> memref<64xi32, #tpu.memory_space<vmem>>
      %dma_wait3A_196 = arith.constant 0 : i32
      %dma_wait3A_197 = arith.constant 0 : i32
      %dma_wait3A_198 = tpu.memref_slice %arg5[%dma_wait3A_196, %dma_wait3A_197] : memref<16384x128xf32, #tpu.memory_space<hbm>> -> memref<16384x128xf32, #tpu.memory_space<hbm>>
      tpu.wait_indirect_dma semaphore(%arg15 : memref<!tpu.dma_semaphore, #tpu.memory_space<semaphore_mem>>) src(%dma_wait3A_194 : memref<64x128xf32, #tpu.memory_space<vmem>>) dst(%dma_wait3A_198 : memref<16384x128xf32, #tpu.memory_space<hbm>>)
    } else {
    }
    return
  }
}

</mosaic_0001>

<sc_bundles>
// kernel: kernel.3.cloned.1.call-start
scs
__scs_entry_jumppad:
0x0: {  	(pc) =	sbr.rel $0x88, $3  }
0x1: {  	(tag) =	ssettag $0x0;
	lr =	simm.s32 $0x1  }
0x2: {  	[smem:$0x3F9F] =	sst lr;
	_ =	strace $0xD0000000  }
0x3: {  	_ = 	snop  }
0x4: {  	_ = 	snop  }
0x5: {  	_ = 	snop  }
0x6: {  	_ = 	snop  }
0x7: {  	_ = 	snop  }
__scs_overlays_trampoline_lowered:
0x8: {  	[smem:$0x3FAE] =	sst s0  }
0x9: {  	[smem:$0x3FAF] =	sst s1  }
0xa: {  	[smem:$0x3FB0] =	sst s2  }
0xb: {  	[smem:$0x3FB1] =	sst s3  }
0xc: {  	[smem:$0x3FB2] =	sst s4  }
0xd: {  	[smem:$0x3FB3] =	sst s5  }
0xe: {  	[smem:$0x3FB4] =	sst s6  }
0xf: {  	[smem:$0x3FB5] =	sst s7  }
0x10: {  	[smem:$0x3FB6] =	sst s8  }
0x11: {  	[smem:$0x3FB7] =	sst s9;
	s0 =	simm.s32 @!p0 $0x0  }
0x12: {  	s1 =	sld [smem:$0x3F9D];
	s0 =	simm.s32 @p0 $0x1  }
0x13: {  	[smem:$0x3FB8] =	sst s0;
	s0 =	simm.s32 @!p1 $0x0  }
0x14: {  	s2 =	sld [smem:$0x3F9C];
	s0 =	simm.s32 @p1 $0x1  }
0x15: {  	[smem:$0x3FB9] =	sst s0;
	s0 =	simm.s32 @!p2 $0x0  }
0x16: {  	s3 =	sld [smem:$0x3FDB];
	s0 =	simm.s32 @p2 $0x1  }
0x17: {  	s4 =	simm.s32 $0x1BF5;
	[smem:$0x3FBB] =	sst s0  }
0x18: {  	s0 =	sld [smem:$0x3F9E];
	_ =	swait.ge [sflag:s4], $0x0  }
0x19: {  	s7 =	sld [smem:$0x3F9F]  }
0x1a: {  	s8 =	sadd.s32 $0xFFFFE003, lr  }
0x1b: {  	s9 =	sadd.s32 $0xFFFFFEF7, lr;
	s5 =	simm.s32 $0xFFFFFFFF;
	p2 =	slt.u32 s8, $0xFFFFF086  }
0x1c: {  	p1 =	slt.u32 s9, $0xF7A;
	s5 =	simm.s32 @!p2 $0x0  }
0x1d: {  	s5 =	simm.s32 @p1 $0x1;
	p0 =	seq.s32 s7, s2  }
0x1e: {  	s7 =	smul.u32 @!p0 $0xF7A, s2;
	p2 =	seq.s32 @!p0 s5, $0x0  }
0x1f: {  	s9 =	smul.u32 $0xF7A, s1;
	s8 =	simm.s32 @!p0 $0x1BF5;
	p2 =	por !p2, p0  }
0x20: {  	[sflag:s8] =	ssyncset.s32 @!p0 $0xFFFFF086;
	s6 =	sadd.s32 @!p0 s3, s7;
	s7 =	simm.s32 @!p0 $0x108  }
0x21: {  	s3 =	sadd.s32 s3, s9;
	s6 =	sadd.s32 @!p0 $0x88, s6;
	s7 =	simm.s32 @p2 $0x1082  }
0x22: {  	[simem:s7], [sflag:s8] =	dma.local @!p0 [hbm:s6], $0xF7A  }
0x23: {  	s9 =	sor.u32 $0xD0000000, s2;
	s6 =	simm.s32 $0x108;
	_ =	swait.ge @!p0 [sflag:s8], $0x0  }
0x24: {  	s3 =	sadd.s32 $0x88, s3;
	s6 =	simm.s32 @!p1 $0x1082;
	[sflag:s4] =	ssyncset.s32 $0xFFFFF086  }
0x25: {  	[simem:s6], [sflag:s4] =	dma.local [hbm:s3], $0xF7A  }
0x26: {  	[smem:$0x3F9F] =	sst s1;
	(tag) =	ssettag s2;
	_ =	strace s9  }
0x27: {  	s1 =	sld [smem:$0x3FAF]  }
0x28: {  	s2 =	sld [smem:$0x3FB0]  }
0x29: {  	s4 =	sld [smem:$0x3FB2]  }
0x2a: {  	p0 =	seq.s32 s5, $0x0;
	s5 =	sld [smem:$0x3FB3]  }
0x2b: {  	s6 =	sld [smem:$0x3FB4]  }
0x2c: {  	s7 =	sld [smem:$0x3FB5]  }
0x2d: {  	s3 =	simm.s32 $0x108;
	s8 =	sld [smem:$0x3FB6]  }
0x2e: {  	s3 =	simm.s32 @!p0 $0x1082;
	s9 =	sld [smem:$0x3FB7]  }
0x2f: {  	lr =	sadd.s32 s0, s3;
	s0 =	sld [smem:$0x3FAE]  }
0x30: {  	s3 =	sld [smem:$0x3FB1]  }
0x31: {  	[smem:$0x3FBA] =	sst s10  }
0x32: {  	s10 =	sld [smem:$0x3FB8];
	_ =	sdelay $0x3  }
0x33: {  	p0 =	seq.s32 s10, $0x1;
	s10 =	sld [smem:$0x3FBA];
	_ =	sdelay $0x3  }
0x34: {  	[smem:$0x3FBA] =	sst s10  }
0x35: {  	s10 =	sld [smem:$0x3FB9];
	_ =	sdelay $0x3  }
0x36: {  	p1 =	seq.s32 s10, $0x1;
	s10 =	sld [smem:$0x3FBA];
	_ =	sdelay $0x3  }
0x37: {  	[smem:$0x3FBA] =	sst s10  }
0x38: {  	s10 =	sld [smem:$0x3FBB]  }
0x39: {  	_ = 	snop;
	(pc) =	sbr.ind lr, $3  }
0x3a: {  	_ = 	snop  }
0x3b: {  	_ = 	snop  }
0x3c: {  	p2 =	seq.s32 s10, $0x1;
	s10 =	sld [smem:$0x3FBA]  }
0x3d: {  	_ =	shalt  }
0x3e: {  	_ =	shalt  }
0x3f: {  	_ =	shalt  }
0x40: {  	_ =	shalt  }
0x41: {  	_ =	shalt  }
0x42: {  	_ =	shalt  }
0x43: {  	_ =	shalt  }
0x44: {  	_ =	shalt  }
0x45: {  	_ =	shalt  }
0x46: {  	_ =	shalt  }
0x47: {  	_ =	shalt  }
0x48: {  	_ =	shalt  }
0x49: {  	_ =	shalt  }
0x4a: {  	_ =	shalt  }
0x4b: {  	_ =	shalt  }
0x4c: {  	_ =	shalt  }
0x4d: {  	_ =	shalt  }
0x4e: {  	_ =	shalt  }
0x4f: {  	_ =	shalt  }
0x50: {  	_ =	shalt  }
0x51: {  	_ =	shalt  }
0x52: {  	_ =	shalt  }
0x53: {  	_ =	shalt  }
0x54: {  	_ =	shalt  }
0x55: {  	_ =	shalt  }
0x56: {  	_ =	shalt  }
0x57: {  	_ =	shalt  }
0x58: {  	_ =	shalt  }
0x59: {  	_ =	shalt  }
0x5a: {  	_ =	shalt  }
0x5b: {  	_ =	shalt  }
0x5c: {  	_ =	shalt  }
0x5d: {  	_ =	shalt  }
0x5e: {  	_ =	shalt  }
0x5f: {  	_ =	shalt  }
0x60: {  	_ =	shalt  }
0x61: {  	_ =	shalt  }
0x62: {  	_ =	shalt  }
0x63: {  	_ =	shalt  }
0x64: {  	_ =	shalt  }
0x65: {  	_ =	shalt  }
0x66: {  	_ =	shalt  }
0x67: {  	_ =	shalt  }
0x68: {  	_ =	shalt  }
0x69: {  	_ =	shalt  }
0x6a: {  	_ =	shalt  }
0x6b: {  	_ =	shalt  }
0x6c: {  	_ =	shalt  }
0x6d: {  	_ =	shalt  }
0x6e: {  	_ =	shalt  }
0x6f: {  	_ =	shalt  }
0x70: {  	_ =	shalt  }
0x71: {  	_ =	shalt  }
0x72: {  	_ =	shalt  }
0x73: {  	_ =	shalt  }
0x74: {  	_ =	shalt  }
0x75: {  	_ =	shalt  }
0x76: {  	_ =	shalt  }
0x77: {  	_ =	shalt  }
0x78: {  	_ =	shalt  }
0x79: {  	_ =	shalt  }
0x7a: {  	_ =	shalt  }
0x7b: {  	_ =	shalt  }
0x7c: {  	_ =	shalt  }
0x7d: {  	_ =	shalt  }
0x7e: {  	_ =	shalt  }
0x7f: {  	_ =	shalt  }
0x80: {  	_ =	shalt  }
0x81: {  	_ =	shalt  }
0x82: {  	_ =	shalt  }
0x83: {  	_ =	shalt  }
0x84: {  	_ =	shalt  }
0x85: {  	_ =	shalt  }
0x86: {  	_ =	shalt  }
0x87: {  	_ =	shalt  }
.Lfunc_end0:
.L_simem_size_0:
called_computation_lowered:
.L_overlay_start_0:
0x88: {  	s2 =	sld [smem:$0x3FD9]  }
0x89: {  	s3 =	sld [smem:$0x3FFE];
	_ =	sdelay $0x1  }
0x8a: {  	s1 =	srdreg.scid  }
0x8b: {  	s0 =	sand.u32 $0x1, s1  }
0x8c: {  	s17 =	sshll.u32 s0, $0xA;
	s2 =	sadd.s32 s3, s2  }
0x8d: {  	s2 =	sadd.s32 s2, s17  }
0x8e: {  	[smem:$0x3FC6] =	sst s2  }
0x8f: {  	_ = 	snop  }
0x90: {  	s2 =	sld [smem:$0x3FC9]  }
0x91: {  	s18 =	sld [smem:$0x3FC8]  }
0x92: {  	s4 =	sld [smem:$0x3FD0];
	(tm) =	ssettm $0x1  }
0x93: {  	s5 =	sld [smem:$0x3FFB];
	_ =	sdelay $0x3  }
0x94: {  	_ =	strace s5  }
0x95: {  	s5 =	sld [smem:$0x3FFC];
	_ =	sdelay $0x3  }
0x96: {  	_ =	strace s5  }
0x97: {  	s5 =	sld [smem:$0x3FFD];
	_ =	sdelay $0x3  }
0x98: {  	_ =	strace s5  }
0x99: {  	_ =	strace $0x8FFFFFFF  }
0x9a: {  	s19 =	sld [smem:$0x3FDB];
	_ =	sdelay $0x1  }
0x9b: {  	s6 =	simm.s32 $_scs_section_size  }
0x9c: {  	s7 =	simm.s32 $_size__tile_overlayer_lowered;
	s8 =	simm.s32 $_tile_overlayer_lowered  }
0x9d: {  	s22 =	simm.s32 $0x1BFF;
	s21 =	sshll.u32 s8, $0x1;
	s5 =	sadd.s32 s6, s19  }
0x9e: {  	s9 =	simm.s32 $0x0;
	s20 =	sshll.u32 s7, $0x1;
	s7 =	sadd.s32 s21, s5  }
0x9f: {  	[timem:s9], [sflag:s22] =	dma.local [hbm:s7], s20  }
0xa0: {  	_ =	swait.ge [sflag:s22], s20  }
0xa1: {  	s6 =	ssub.s32 $0x0, s20;
	[sflag:s22] =	ssyncset.done $0x0  }
0xa2: {  	[sflag:s22] =	ssyncadd.s32 s6;
	_ =	sdelay $0x1  }
0xa3: {  	s23 =	simm.s32 $0x1B8B  }
0xa4: {  	_ =	swait.ge [sflag:s23], $0x1  }
0xa5: {  	[sflag:s23] =	ssyncset.done $0x0  }
0xa6: {  	s25 =	simm.s32 $0x1B8E;
	s24 =	sld [smem:$0x3FFE];
	[sflag:s23] =	ssyncadd.s32 $0xFFFFFFFF  }
0xa7: {  	s26 =	simm.s32 $execute0_lowered;
	[smem:$0x3FD2] =	sst s25  }
0xa8: {  	s7 =	sshll.u32 s26, $0x1;
	_ =	strace $0x80000046;
	[dreg:$0x1] =	wrdreg $0xFFFFFFFF  }
0xa9: {  	s28 =	simm.s32 $_size_execute0_lowered;
	s5 =	sadd.s32 s5, s7;
	[dreg:$0x0] =	wrdreg $0x0  }
0xaa: {  	s7 =	sshll.u32 s28, $0x1;
	[dreg:$0x2] =	wrdreg s5  }
0xab: {  	[dreg:$0x3] =	wrdreg s7  }
0xac: {  	[dreg:$0x4] =	wrdreg $0xC0  }
0xad: {  	_ =	task [dreg:s9], $0x5FFFF  }
0xae: {  	[dreg:$0x1] =	wrdreg $0xFFFFFFFF  }
0xaf: {  	[dreg:$0x0] =	wrdreg $0x60  }
0xb0: {  	[dreg:$0x2] =	wrdreg s2  }
0xb1: {  	[dreg:$0x3] =	wrdreg s18  }
0xb2: {  	[dreg:$0x4] =	wrdreg s4  }
0xb3: {  	[dreg:$0x5] =	wrdreg s24  }
0xb4: {  	[dreg:$0x6] =	wrdreg $0x9  }
0xb5: {  	_ =	task.clear_ibuf [dreg:s9], $0x7FFFF;
	_ =	strace $0x90000046  }
0xb6: {  	s29 =	simm.s32 $0x9;
	_ =	strace $0x80000048  }
0xb7: {  	_ =	swait.ge [sflag:s29], $0x1  }
0xb8: {  	[sflag:s29] =	ssyncadd.s32 $0xFFFFFFFF  }
0xb9: {  	_ =	strace $0x90000048  }
0xba: {  	_ =	sfence  }
0xbb: {  	s30 =	sld [smem:$0x0];
	_ =	sdelay $0x2  }
0xbc: {  	s31 =	sshll.u32 s1, $0xD;
	s1 =	sshrl.u32 s1, $0x2  }
0xbd: {  	s3 =	sand.u32 $0x4000, s31;
	s1 =	sadd.s32 s1, s30  }
0xbe: {  	s0 =	sor.u32 s3, s0;
	s1 =	sshll.u32 s1, $0x11  }
0xbf: {  	s0 =	sor.u32 s1, s0  }
0xc0: {  	s0 =	sadd.s32 $0x8F2B, s0  }
0xc1: {  	[sflag:s0] =	ssyncadd.remote.s32 $0x1  }
0xc2: {  	_ =	sfence.sel $0xFFFF  }
0xc3: {  	[dreg:$0x0] =	wrdreg $0xFFFFFFFF;
	(pc) =	sbr.abs _section_cstart, $3  }
0xc4: {  	[dreg:$0x1] =	wrdreg $0xFFFFFFFF  }
0xc5: {  	_ =	task.clear_ibuf [dreg:s9], $0x2FFFF;
	_ =	strace $0x9FFFFFFF  }
0xc6: {  	(tm) =	ssettm $0x7FFFFFFF  }
0xc7: {  	_ =	shalt  }
tec
execute0_lowered:
.L_overlay_start_1:
0x0: {  	(tag) =	ssettag $0x1  }
0x1: {  	v0 =	vimm.s32 $0x1380  }
0x2: {  	vm11 =	vcmask $0x300;
	vm13 =	vcmask $0x704;
	vm14 =	vcmask $0xB08  }
0x3: {  	vm12 =	vcmask $0xF0C;
	vm10 =	vcmask $0x1310;
	vm9 =	vcmask $0x1714  }
0x4: {  	vm8 =	vcmask $0x1B18;
	vm7 =	vcmask $0x1F1C;
	vm6 =	vcmask $0x2320  }
0x5: {  	vm5 =	vcmask $0x2724;
	vm4 =	vcmask $0x2B28;
	vm3 =	vcmask $0x2F2C  }
0x6: {  	vm2 =	vcmask $0x3330;
	vm1 =	vcmask $0x3734;
	vm0 =	vcmask $0x3B38  }
0x7: {  	v9 =	vimm.s32 $0x3380;
	v10 =	vimm.s32 $0x5380;
	v11 =	vimm.s32 $0x7380  }
0x8: {  	v0 =	vsel vm11, $0x0, v0;
	v9 =	vsel vm11, $0x2000, v9;
	v10 =	vsel vm11, $0x4000, v10  }
0x9: {  	v11 =	vsel vm11, $0x6000, v11;
	v0 =	vsel vm13, $0x80, v0;
	v9 =	vsel vm13, $0x2080, v9  }
0xa: {  	s0 =	srdreg.scid;
	s1 =	stileid.u32;
	v10 =	vsel vm13, $0x4080, v10;
	v11 =	vsel vm13, $0x6080, v11;
	v0 =	vsel vm14, $0x100, v0  }
0xb: {  	s0 =	sand.u32 $0x1, s0;
	s1 =	sshll.u32 s1, $0x1;
	v9 =	vsel vm14, $0x2100, v9;
	v10 =	vsel vm14, $0x4100, v10;
	v11 =	vsel vm14, $0x6100, v11  }
0xc: {  	s2 =	sor.u32 s0, s1;
	v0 =	vsel vm12, $0x180, v0;
	v9 =	vsel vm12, $0x2180, v9;
	v10 =	vsel vm12, $0x4180, v10  }
0xd: {  	s1 =	smul.u32 $0xF5, s2;
	v11 =	vsel vm12, $0x6180, v11;
	v0 =	vsel vm10, $0x200, v0;
	v9 =	vsel vm10, $0x2200, v9  }
0xe: {  	s2 =	smul.u32 $0x7A80, s2;
	v10 =	vsel vm10, $0x4200, v10;
	v11 =	vsel vm10, $0x6200, v11;
	v0 =	vsel vm9, $0x280, v0  }
0xf: {  	s3 =	ssub.s32 $0x1E85, s1;
	v9 =	vsel vm9, $0x2280, v9;
	v10 =	vsel vm9, $0x4280, v10;
	v11 =	vsel vm9, $0x6280, v11  }
0x10: {  	s3 =	smin.u32 s3, $0xF5;
	v1 =	vsel vm8, $0x300, v0;
	v0 =	vmov s2;
	v9 =	vsel vm8, $0x2300, v9  }
0x11: {  	s3 =	sshll.u32 s3, $0x7;
	v10 =	vsel vm8, $0x4300, v10;
	v11 =	vsel vm8, $0x6300, v11;
	v2 =	vsel vm7, $0x380, v1  }
0x12: {  	s25 =	ssub.s32 $0xF4200, s2;
	v1 =	vmov s3;
	v9 =	vsel vm7, $0x2380, v9;
	v10 =	vsel vm7, $0x4380, v10  }
0x13: {  	v11 =	vsel vm7, $0x6380, v11;
	v3 =	vsel vm6, $0x1000, v2;
	v2 =	vmov s25  }
0x14: {  	s26 =	ssub.s32 $0xF4240, s2;
	v9 =	vsel vm6, $0x3000, v9;
	v10 =	vsel vm6, $0x5000, v10;
	v11 =	vsel vm6, $0x7000, v11  }
0x15: {  	s4 =	rddreg [dreg:$0x1];
	v4 =	vsel vm5, $0x1080, v3;
	v3 =	vmov s26;
	v9 =	vsel vm5, $0x3080, v9  }
0x16: {  	s28 =	rddreg [dreg:$0x3];
	s7 =	simm.s32 $0x0;
	v10 =	vsel vm5, $0x5080, v10;
	v11 =	vsel vm5, $0x7080, v11;
	v5 =	vsel vm4, $0x1100, v4  }
0x17: {  	s17 =	simm.s32 $0x1000;
	s18 =	simm.s32 $0x8000;
	s19 =	simm.s32 $0x10000;
	v4 =	vimm.s32 $0xFFFFFFFF;
	v9 =	vsel vm4, $0x3100, v9;
	v10 =	vsel vm4, $0x5100, v10  }
0x18: {  	s20 =	simm.s32 $0x18000;
	s21 =	simm.s32 $0x4000;
	s22 =	simm.s32 $0x1;
	v11 =	vsel vm4, $0x7100, v11;
	v6 =	vsel vm3, $0x1180, v5;
	v5 =	vimm.s32 $0x0  }
0x19: {  	s23 =	simm.s32 $0x1E000;
	s24 =	simm.s32 $0x2;
	[smem:$0x7FF] =	sst s7;
	v9 =	vsel vm3, $0x3180, v9;
	v10 =	vsel vm3, $0x5180, v10;
	v11 =	vsel vm3, $0x7180, v11  }
0x1a: {  	s8 =	sadd.s32 $0x400, s28;
	_ =	strace $0x80000047;
	s0 =	ssub.s32 $0x2, s0;
	v7 =	vsel vm2, $0x1200, v6;
	v6 =	vlaneseq.u32;
	v9 =	vsel vm2, $0x3200, v9  }
.Ltmp0:
0x1b: {  	s29 =	sshrl.u32 s0, $0x1;
	s5 =	sadd.s32 s4, s2;
	v8 =	vsel vm1, $0x1280, v7;
	v7 =	vmul.u32 $0x8000, v6;
	v12 =	vsel vm1, $0x3280, v9;
	(pc) =	sbr.rel .LBB2_1-.Ltmp0, $4  }
0x1c: {  	s0 =	ssub.s32 s0, s29;
	s31 =	sadd.s32 $0x4, s1;
	[dreg:$0x5] =	wrdreg s5;
	v9 =	vsel vm2, $0x5200, v10;
	v10 =	vsel vm2, $0x7200, v11;
	v8 =	vsel vm0, $0x1300, v8  }
0x1d: {  	s11 =	sadd.s32 $0x8, s1;
	s0 =	smax.u32 s0, $0x1;
	[dreg:$0x8] =	wrdreg s31;
	v11 =	vsel vm1, $0x5280, v9;
	v13 =	vsel vm1, $0x7280, v10;
	v9 =	vmul.u32 $0x80, v6  }
0x1e: {  	s12 =	smov.u32 s1;
	s30 =	sadd.s32 $0x200, s5;
	[dreg:$0x7] =	wrdreg s0;
	v10 =	vsel vm0, $0x3300, v12;
	v11 =	vsel vm0, $0x5300, v11;
	v12 =	vsel vm0, $0x7300, v13  }
0x1f: {  	s13 =	sadd.s32 $0xC, s1;
	s1 =	simm.s32 $0x0;
	[dreg:$0x6] =	wrdreg s30;
	v13 =	vor.u32 $0x800, v9;
	v14 =	vor.u32 $0x1000, v9;
	v15 =	vor.u32 $0x1800, v9  }
.LBB2_37:
0x20: {  	s0 =	simm.s32 $0x3  }
0x21: {  	_ =	swait.ge [sflag:s0], $0x2000  }
0x22: {  	[sflag:s0] =	ssyncset.done $0x0  }
0x23: {  	s1 =	rddreg [dreg:$0x9];
	[sflag:s0] =	ssyncadd.s32 $0xFFFFE000  }
.LBB2_52:
0x24: {  	s0 =	sshra.s32 s5, $0x1F  }
0x25: {  	s0 =	sshrl.u32 s0, $0x1A  }
0x26: {  	s0 =	sadd.s32 s0, s5  }
0x27: {  	s3 =	sand.u32 $0xFFFFFFC0, s0  }
0x28: {  	p0 =	slt.s32 s5, $0x1;
	s30 =	sand.u32 $0x3F, s5;
	p1 =	sne.s32 s5, s3  }
0x29: {  	s0 =	sshra.s32 s0, $0x6;
	p0 =	por !p0, !p1;
	p1 =	seq.s32 s28, $0x0  }
0x2a: {  	s3 =	simm.s32 $0x1;
	p0 =	por !p0, !p0;
	s6 =	simm.s32 @!p1 $0x4  }
0x2b: {  	s3 =	simm.s32 @!p0 $0x0;
	_ =	swait.ge @!p1 [sflag:s6], $0x2000;
	p0 =	seq.s32 s30, $0x0  }
0x2c: {  	s0 =	ssub.s32 s0, s3;
	[sflag:s6] =	ssyncset.done @!p1 $0x0;
	s5 =	simm.s32 @!p0 $0x40  }
0x2d: {  	s3 =	sshll.u32 @!p0 s0, $0xF;
	[sflag:s6] =	ssyncadd.s32 @!p1 $0xFFFFE000;
	s0 =	sshll.u32 @!p0 s0, $0x8  }
0x2e: {  	(ifvalue) =	ssetifvalue @!p0 $0xFFFFFFFF;
	s3 =	sshra.s32 @!p0 s3, $0x2;
	s0 =	sshra.s32 @!p0 s0, $0x2  }
0x2f: {  	(ifvalue) =	ssetifvalue @!p0 $0xFFFFFFFF;
	s3 =	sadd.s32 @!p0 $0x1A000, s3;
	s0 =	sadd.s32 @!p0 $0x1E000, s0  }
0x30: {  	[hbm4b:s8+s5] =	stream.indirect.scatter @!p0 [tilespmem:s3], [sflag:$0x4], $0x80, s0, s5, $0x40b8;
	[tilespmem:$0x1E080] =	vst v63  }
0x31: {  	s0 =	simm.s32 @!p0 $0x4  }
0x32: {  	_ =	swait.ge @!p0 [sflag:s0], $0x2000  }
0x33: {  	s1 =	sadd.s32 $0x1, s1;
	s31 =	rddreg [dreg:$0x7]  }
0x34: {  	p1 =	sne.s32 s1, s31  }
.Ltmp1:
0x35: {  	_ = 	snop;
	(pc) =	sbr.rel @!p1 .LBB2_53-.Ltmp1, $3  }
0x36: {  	_ =	sdelay $0x1  }
0x37: {  	[sflag:s0] =	ssyncset.done @!p0 $0x0  }
0x38: {  	[sflag:s0] =	ssyncadd.s32 @!p0 $0xFFFFE000  }
.LBB2_1:
0x39: {  	[dreg:$0x9] =	wrdreg s1  }
0x3a: {  	s0 =	rddreg [dreg:$0x0];
	s28 =	simm.s32 $0x5  }
0x3b: {  	[tilespmem:s7], [sflag:$0x5] =	stream.linear.gather [hbm4b:s0+s7], $0x4000, $0x38;
	[tilespmem:$0x1E080] =	vst v63  }
0x3c: {  	_ =	swait.ge [sflag:s28], $0x4000  }
0x3d: {  	[sflag:s28] =	ssyncset.done $0x0  }
0x3e: {  	s3 =	simm.s32 $0x7A1400;
	s29 =	rddreg [dreg:$0x5];
	[sflag:s28] =	ssyncadd.s32 $0xFFFFC000  }
0x3f: {  	[tilespmem:s18], [sflag:$0x1] =	stream.strided.gather [hbm4b:s29+s17], $0x8000, s3, s17, $0x38;
	[tilespmem:$0x1E080] =	vst v63  }
0x40: {  	s30 =	rddreg [dreg:$0x6]  }
0x41: {  	[tilespmem:s19], [sflag:$0x2] =	stream.strided.gather [hbm4b:s30+s17], $0x8000, s3, s17, $0x38;
	[tilespmem:$0x1E080] =	vst v63  }
0x42: {  	s31 =	rddreg [dreg:$0x2]  }
0x43: {  	[tilespmem:s20], [sflag:$0x3] =	stream.linear.gather [hbm4b:s31+s7], $0x2000, $0x38;
	[tilespmem:$0x1E080] =	vst v63  }
0x44: {  	[tilespmem:$0x1E000] =	vst v4  }
0x45: {  	[tilespmem:$0x1E010] =	vst v4  }
0x46: {  	[tilespmem:$0x1E020] =	vst v4  }
0x47: {  	[tilespmem:$0x1E030] =	vst v4  }
0x48: {  	[tilespmem:$0x1E040] =	vst v4  }
0x49: {  	[tilespmem:$0x1E050] =	vst v4  }
0x4a: {  	[tilespmem:$0x1E060] =	vst v4  }
0x4b: {  	s1 =	simm.s32 $0x7A1400;
	s5 =	simm.s32 $0x10;
	[tilespmem:$0x1E070] =	vst v4  }
0x4c: {  	s6 =	simm.s32 $0x20;
	s0 =	simm.s32 $0x0;
	s3 =	simm.s32 $0x0;
	v16 =	vld [tilespmem:s5+$0xFFFFFFF0]  }
.LBB2_2:
0x4d: {  	p0 =	sne.s32 s6, $0x3FE0;
	v17 =	vld [tilespmem:s5+$0x0]  }
0x4e: {  	s9 =	sadd.s32 $0x10, s0  }
0x4f: {  	v18 =	vmov s9  }
0x50: {  	v18 =	vshll.u32 v18, $0xF  }
0x51: {  	v18 =	vor.u32 v7, v18;
	v16 =	vsub.s32 v16, v0  }
0x52: {  	v17 =	vsub.s32 v17, v0;
	vm0 =	vgt.s32 v16, $0xFFFFFFFF;
	vm1 =	vlt.s32 v16, v1  }
0x53: {  	vm0 =	vmand vm0, vm1;
	vm1 =	vgt.s32 v17, $0xFFFFFFFF;
	vm2 =	vlt.s32 v17, v1  }
0x54: {  	v17 =	vor.u32 v18, v17;
	vm1 =	vmand vm1, vm2;
	v19 =	vsel vm0, $0x1, v5  }
0x55: {  	v18 =	vsel vm1, $0x1, v5;
	(xrf0) =	vadd.scan.msk.s32 $0xffff, v19  }
0x56: {  	(xrf0) =	vadd.scan.msk.s32 $0xffff, v18;
	_ =	sdelay $0x4  }
0x57: {  	v18, _, _ =	vpop (xrf0)  }
0x58: {  	v19, _, _ =	vpop (xrf0);
	(v2sf) =	vpush v18, $0xF  }
0x59: {  	(v2sf) =	vpush v19, $0xF;
	_ =	sdelay $0xd  }
0x5a: {  	s9 =	spop (v2sf)  }
0x5b: {  	v20 =	vmov s3;
	s3 =	sadd.s32 s3, s9;
	s9 =	spop (v2sf)  }
0x5c: {  	v20 =	vadd.s32 $0xFFFFFFFF, v20;
	v21 =	vmov s3;
	s3 =	sadd.s32 s9, s3  }
0x5d: {  	v20 =	vbroadcast v20, $0x0;
	v21 =	vadd.s32 $0xFFFFFFFF, v21  }
0x5e: {  	v21 =	vbroadcast v21, $0x0  }
0x5f: {  	v18 =	vadd.s32 v18, v20  }
0x60: {  	v20 =	vmov s0;
	s0 =	smov.u32 s6;
	v19 =	vadd.s32 v19, v21  }
0x61: {  	v20 =	vshll.u32 v20, $0xF  }
.Ltmp2:
0x62: {  	v20 =	vor.u32 v7, v20;
	(pc) =	sbr.rel @p0 .LBB2_2-.Ltmp2, $4  }
0x63: {  	v16 =	vor.u32 v20, v16  }
0x64: {  	[tilespmem:v18+s21+$0x0] =	vst.idx.msk vm0, v16  }
0x65: {  	s5 =	sadd.s32 $0x20, s5;
	[tilespmem:v19+s21+$0x0] =	vst.idx.msk vm1, v17  }
0x66: {  	s6 =	sadd.s32 $0x20, s6;
	v16 =	vld [tilespmem:s5+$0xFFFFFFF0]  }
0x67: {  	v17 =	vld [tilespmem:s5+$0x0];
	_ =	sdelay $0x3  }
0x68: {  	v16 =	vsub.s32 v16, v0  }
0x69: {  	vm0 =	vgt.s32 v16, $0xFFFFFFFF;
	vm1 =	vlt.s32 v16, v1;
	v17 =	vsub.s32 v17, v0  }
0x6a: {  	vm0 =	vmand vm0, vm1;
	vm15 =	vgt.s32 v17, $0xFFFFFFFF;
	vm2 =	vlt.s32 v17, v1  }
0x6b: {  	v18 =	vsel vm0, $0x1, v5;
	vm1 =	vmand vm15, vm2  }
0x6c: {  	(xrf0) =	vadd.scan.msk.s32 $0xffff, v18;
	v18 =	vsel vm1, $0x1, v5  }
0x6d: {  	(xrf0) =	vadd.scan.msk.s32 $0xffff, v18;
	_ =	sdelay $0x4  }
0x6e: {  	v18, _, _ =	vpop (xrf0)  }
0x6f: {  	(v2sf) =	vpush v18, $0xF;
	v19, _, _ =	vpop (xrf0)  }
0x70: {  	(v2sf) =	vpush v19, $0xF;
	_ =	sdelay $0xd  }
0x71: {  	s16 =	spop (v2sf)  }
0x72: {  	s25 =	sadd.s32 s3, s16;
	s26 =	spop (v2sf)  }
0x73: {  	v20 =	vmov s3;
	s3 =	sadd.s32 s26, s25  }
0x74: {  	s5 =	sadd.s32 $0xF, s3  }
0x75: {  	v20 =	vadd.s32 $0xFFFFFFFF, v20;
	v21 =	vmov s25;
	s9 =	sand.u32 $0xF, s5  }
0x76: {  	v20 =	vbroadcast v20, $0x0;
	v21 =	vadd.s32 $0xFFFFFFFF, v21;
	s31 =	sshra.s32 s5, $0x1F;
	p1 =	slt.s32 s5, $0x1;
	p0 =	sne.s32 s9, $0x0  }
0x77: {  	s6 =	sadd.s32 $0x10, s0;
	v62 =	vmov s0;
	v21 =	vbroadcast v21, $0x0;
	s0 =	sshrl.u32 s31, $0x1C;
	p0 =	por !p1, !p0  }
0x78: {  	v18 =	vadd.s32 v18, v20;
	s0 =	sadd.s32 s0, s5;
	s5 =	simm.s32 $0x1;
	p0 =	por !p0, !p0  }
0x79: {  	v19 =	vadd.s32 v19, v21;
	s0 =	sshra.s32 s0, $0x4;
	s5 =	simm.s32 @!p0 $0x0  }
.Ltmp3:
0x7a: {  	v63 =	vmov s6;
	v20 =	vshll.u32 v62, $0xF;
	s29 =	ssub.s32 s0, s5;
	(pc) =	sbr.rel .LBB2_4-.Ltmp3, $4  }
0x7b: {  	v20 =	vor.u32 v7, v20;
	v21 =	vshll.u32 v63, $0xF;
	p5 =	slt.s32 s29, $0x1  }
0x7c: {  	v16 =	vor.u32 v20, v16;
	v21 =	vor.u32 v7, v21;
	s0 =	simm.s32 @!p5 $0x0  }
0x7d: {  	s28 =	simm.s32 $0x0;
	[tilespmem:v18+s21+$0x0] =	vst.idx.msk vm0, v16;
	v17 =	vor.u32 v21, v17;
	s0 =	simm.s32 @p5 $0x1  }
0x7e: {  	s30 =	simm.s32 $0x0;
	v16 =	vmov s3;
	s5 =	simm.s32 $0x0;
	[tilespmem:v19+s21+$0x0] =	vst.idx.msk vm1, v17;
	[smem:$0x7FD] =	sst s0  }
.LBB2_36:
0x7f: {  	p0 =	sne.s32 s30, $0x1E  }
.Ltmp4:
0x80: {  	_ = 	snop;
	(pc) =	sbr.rel @!p0 .LBB2_37-.Ltmp4, $1  }
0x81: {  	_ =	sdelay $0x3  }
.LBB2_39:
0x82: {  	s0 =	sadd.s32 s31, s13  }
0x83: {  	s0 =	smin.u32 s0, $0x1E80  }
0x84: {  	s0 =	sshll.u32 s0, $0x7  }
0x85: {  	s30 =	sadd.s32 $0x1, s30;
	s0 =	sadd.s32 s4, s0  }
0x86: {  	[tilespmem:s19], [sflag:$0x2] =	stream.strided.gather [hbm4b:s0+s17], $0x8000, s1, s17, $0x38;
	[tilespmem:$0x1E080] =	vst v63  }
.LBB2_4:
.Ltmp5:
0x87: {  	(pc) =	sbr.rel @p5 .LBB2_19-.Ltmp5, $4  }
0x88: {  	_ = 	snop  }
0x89: {  	_ =	swait.ge [sflag:s22], $0x8000  }
0x8a: {  	[sflag:s22] =	ssyncset.done $0x0  }
0x8b: {  	s31 =	sshll.u32 s30, $0x3;
	[sflag:s22] =	ssyncadd.s32 $0xFFFF8000  }
0x8c: {  	s0 =	sadd.s32 s12, s31;
	p0 =	seq.s32 s29, $0x1  }
.Ltmp6:
0x8d: {  	s0 =	smin.u32 s0, $0x1E80;
	(pc) =	sbr.rel @p0 .LBB2_6-.Ltmp6, $4  }
0x8e: {  	s0 =	sshll.u32 s0, $0x7  }
0x8f: {  	s0 =	ssub.s32 s0, s2  }
0x90: {  	s26 =	simm.s32 $0x4000;
	s3 =	sadd.s32 $0x200, s0  }
0x91: {  	p1 =	por $0x0, $0x0;
	v18 =	vld [tilespmem:s26+$0x0];
	v17 =	vmov s0;
	s0 =	simm.s32 $0x0;
	v19 =	vmov s3;
	s3 =	sadd.s32 $0xFFFFFFFF, s29  }
0x92: {  	_ =	sdelay $0x3  }
0x93: {  	v20 =	vor.u32 s0, v6;
	v21 =	vand.u32 $0x7FFF, v18  }
0x94: {  	vm0 =	vlt.s32 v20, v16;
	vm1 =	vlt.s32 v21, v19  }
0x95: {  	vm2 =	vge.s32 v21, v17;
	vm0 =	vmand vm0, vm1  }
0x96: {  	vm0 =	vmand vm0, vm2  }
0x97: {  	v20 =	vsel vm0, $0x1, v5  }
0x98: {  	(xrf0) =	vadd.scan.msk.s32 $0xffff, v20;
	_ =	sdelay $0x2  }
0x99: {  	v20 =	vmov s0  }
0x9a: {  	v20 =	vadd.s32 $0xFFFFFFFF, v20  }
0x9b: {  	v20 =	vbroadcast v20, $0x0  }
0x9c: {  	v63, _, _ =	vpop (xrf0)  }
0x9d: {  	v20 =	vadd.s32 v63, v20;
	(v2sf) =	vpush v63, $0xF  }
0x9e: {  	p0 =	seq.s32 s3, $0x1  }
.Ltmp7:
0x9f: {  	_ = 	snop;
	(pc) =	sbr.rel @p0 .LBB2_11-.Ltmp7, $3  }
0xa0: {  	_ =	sdelay $0x1  }
0xa1: {  	s9 =	simm.s32 $0x4010;
	s10 =	sadd.s32 $0xFFFFFFFF, s3;
	[tilespmem:v20+s7+$0x0] =	vst.idx.msk vm0, v18  }
0xa2: {  	p1 =	por $0x1, $0x1;
	s6 =	simm.s32 $0x0;
	s3 =	simm.s32 $0x0;
	v18 =	vld [tilespmem:s9+$0x0]  }
.LBB2_12:
0xa3: {  	p2 =	seq.s32 s10, $0x1;
	_ =	sdelay $0x2  }
0xa4: {  	s6 =	sadd.s32 $0x10, s6  }
0xa5: {  	v20 =	vor.u32 s6, v6;
	v21 =	vand.u32 $0x7FFF, v18  }
0xa6: {  	vm0 =	vlt.s32 v20, v16;
	vm1 =	vlt.s32 v21, v19  }
0xa7: {  	vm2 =	vge.s32 v21, v17;
	vm0 =	vmand vm0, vm1  }
0xa8: {  	vm0 =	vmand vm0, vm2  }
0xa9: {  	v20 =	vsel vm0, $0x1, v5;
	s14 =	spop (v2sf)  }
0xaa: {  	(xrf0) =	vadd.scan.msk.s32 $0xffff, v20;
	s3 =	sadd.s32 s3, s14  }
0xab: {  	v20 =	vmov s3  }
0xac: {  	v20 =	vadd.s32 $0xFFFFFFFF, v20  }
0xad: {  	v20 =	vbroadcast v20, $0x0;
	_ =	sdelay $0x2  }
0xae: {  	v21, _, _ =	vpop (xrf0)  }
0xaf: {  	v20 =	vadd.s32 v21, v20;
	(v2sf) =	vpush v21, $0xF;
	_ =	sdelay $0x1  }
.Ltmp8:
0xb0: {  	(pc) =	sbr.rel @!p2 .LBB2_12-.Ltmp8, $3  }
0xb1: {  	_ =	sdelay $0x1  }
0xb2: {  	s9 =	sadd.s32 $0x10, s9;
	[tilespmem:v20+s7+$0x0] =	vst.idx.msk vm0, v18  }
0xb3: {  	s10 =	sadd.s32 $0xFFFFFFFF, s10;
	v18 =	vld [tilespmem:s9+$0x0]  }
.LBB2_13:
0xb4: {  	_ =	sdelay $0x1  }
0xb5: {  	s6 =	sadd.s32 @p1 $0x10, s6;
	s9 =	simm.s32 $0x0  }
0xb6: {  	s9 =	smov.u32 @p1 s6  }
0xb7: {  	v20 =	vor.u32 s9, v6;
	v21 =	vand.u32 $0x7FFF, v18  }
0xb8: {  	vm0 =	vlt.s32 v20, v16;
	vm1 =	vlt.s32 v21, v19  }
0xb9: {  	vm2 =	vge.s32 v21, v17;
	vm0 =	vmand vm0, vm1  }
0xba: {  	vm0 =	vmand vm0, vm2  }
0xbb: {  	v19 =	vsel vm0, $0x1, v5  }
0xbc: {  	(xrf0) =	vadd.scan.msk.s32 $0xffff, v19;
	_ =	sdelay $0x5  }
0xbd: {  	v19, _, _ =	vpop (xrf0)  }
0xbe: {  	(v2sf) =	vpush v19, $0xF;
	_ =	sdelay $0x3  }
0xbf: {  	s6 =	spop @p1 (v2sf)  }
0xc0: {  	s3 =	sadd.s32 @p1 s3, s6  }
0xc1: {  	s0 =	smov.u32 @p1 s3  }
0xc2: {  	v63 =	vmov s0  }
0xc3: {  	v20 =	vadd.s32 $0xFFFFFFFF, v63  }
0xc4: {  	v20 =	vbroadcast v20, $0x0;
	_ =	sdelay $0x1  }
0xc5: {  	v19 =	vadd.s32 v19, v20;
	_ =	sdelay $0x3  }
0xc6: {  	s26 =	spop (v2sf)  }
0xc7: {  	[tilespmem:v19+s7+$0x0] =	vst.idx.msk vm0, v18;
	s0 =	sadd.s32 s0, s26  }
0xc8: {  	p0 =	slt.s32 s0, $0x1  }
.Ltmp9:
0xc9: {  	_ = 	snop;
	(pc) =	sbr.rel @p0 .LBB2_19-.Ltmp9, $1  }
0xca: {  	_ =	sdelay $0x3  }
0xcb: {  	p0 =	sne.s32 s0, $0x1  }
.Ltmp10:
0xcc: {  	_ = 	snop;
	(pc) =	sbr.rel @!p0 .LBB2_9-.Ltmp10, $3  }
0xcd: {  	_ =	sdelay $0x1  }
0xce: {  	s6 =	simm.s32 $0x0  }
0xcf: {  	s3 =	simm.s32 $0x1;
	p1 =	por $0x0, $0x0;
	v18 =	vmov s6  }
0xd0: {  	_ =	sdelay $0x3  }
0xd1: {  	v18 =	vld.idx.msk [tilespmem:v18+s7+$0x0], $0xffff;
	_ =	sdelay $0x4  }
0xd2: {  	v19 =	vand.u32 $0x7F80, v18  }
0xd3: {  	v19 =	vsub.s32 v19, v17  }
0xd4: {  	v20 =	vand.u32 $0x7F, v18;
	v19 =	vshll.u32 v19, $0x3  }
0xd5: {  	v19 =	vadd.s32 v20, v19  }
0xd6: {  	v20 =	vadd.s32 v8, v19;
	_ =	sdelay $0x4  }
0xd7: {  	v20 =	vld.idx.msk [tilespmem:v20+s18+$0x0], $0xffff  }
0xd8: {  	v21 =	vadd.s32 v10, v19;
	_ =	sdelay $0x1  }
0xd9: {  	s6 =	sshll.u32 s5, $0x9  }
0xda: {  	s6 =	sshra.s32 s6, $0x2  }
0xdb: {  	[tilespmem:s6+$0x1A000] =	vst v20  }
0xdc: {  	v20 =	vld.idx.msk [tilespmem:v21+s18+$0x0], $0xffff  }
0xdd: {  	v63 =	vadd.s32 v11, v19;
	_ =	sdelay $0x2  }
0xde: {  	s9 =	sadd.s32 $0x1, s5  }
0xdf: {  	s10 =	sand.u32 $0x3F, s9;
	[tilespmem:s6+$0x1A010] =	vst v20  }
0xe0: {  	p2 =	sne.s32 s10, $0x0;
	v20 =	vld.idx.msk [tilespmem:v63+s18+$0x0], $0xffff  }
0xe1: {  	s10 =	sshra.s32 @!p2 s9, $0x1F;
	p0 =	slt.u32 @!p2 s5, $0x7FFFFFFF;
	v19 =	vadd.s32 v12, v19  }
0xe2: {  	s15 =	simm.s32 @!p2 $0x1;
	s14 =	sshrl.u32 @!p2 s10, $0x1A;
	p0 =	por !p0, p2  }
0xe3: {  	s14 =	sadd.s32 @!p2 s14, s9;
	s15 =	simm.s32 @p0 $0x0  }
0xe4: {  	s25 =	sshrl.u32 @!p2 s14, $0x6;
	s14 =	sand.u32 @!p2 $0xFFFFFFC0, s14;
	s10 =	sadd.s32 @!p2 s15, s10  }
0xe5: {  	s15 =	sand.u32 @!p2 $0x1, s25;
	p0 =	seq.s32 @!p2 s10, $0x1;
	p1 =	seq.s32 @!p2 s9, s14;
	[tilespmem:s6+$0x1A020] =	vst v20  }
0xe6: {  	p3 =	seq.s32 @!p2 s15, $0x1;
	p0 =	por @!p2 p1, p0;
	v19 =	vld.idx.msk [tilespmem:v19+s18+$0x0], $0xffff  }
0xe7: {  	p1 =	por @!p2 !p3, !p3;
	p0 =	por !p0, p2;
	v20 =	vmov s5  }
0xe8: {  	p3 =	por @!p0 p1, p1  }
0xe9: {  	s10 =	simm.s32 @!p2 $0x40;
	s14 =	simm.s32 @!p2 $0x40;
	p4 =	por !p3, p2  }
0xea: {  	p0 =	seq.s32 s9, $0x80;
	p1 =	seq.s32 @!p2 s28, $0x0;
	s10 =	simm.s32 @p4 $0x0  }
0xeb: {  	v18 =	vshrl.u32 v18, $0xF;
	s28 =	simm.s32 @!p2 $0x1;
	p3 =	sne.s32 s0, $0x2;
	[tilespmem:s6+$0x1A030] =	vst v19;
	s6 =	sshll.u32 @!p2 s10, $0x7  }
.Ltmp11:
0xec: {  	s10 =	sor.u32 @!p2 $0x1E000, s10;
	[tilespmem:v20+s23+$0x0] =	vst.idx.msk $0x1, v18;
	(ifvalue) =	ssetifvalue @!p2 $0xFFFFFFFF;
	(pc) =	sbr.rel @!p3 .LBB2_15-.Ltmp11, $4  }
0xed: {  	s15 =	sadd.s32 @!p2 $0x1A000, s6;
	s6 =	smov.u32 s9;
	(ifvalue) =	ssetifvalue @!p2 $0xFFFFFFFF  }
0xee: {  	[hbm4b:s8+s14] =	stream.indirect.scatter @!p2 [tilespmem:s15], [sflag:$0x4], $0x80, s10, s14, $0x40b8;
	[tilespmem:$0x1E080] =	vst v63  }
0xef: {  	s5 =	simm.s32 $0x2;
	s6 =	simm.s32 @p0 $0x0;
	p0 =	por p1, p2  }
0xf0: {  	v18 =	vmov s3;
	p1 =	por $0x1, $0x1;
	s9 =	simm.s32 @!p0 $0x4;
	s3 =	smov.u32 s6  }
.LBB2_16:
0xf1: {  	_ =	swait.ge @!p0 [sflag:s9], $0x2000;
	s10 =	smov.u32 s5;
	s5 =	sadd.s32 $0x1, s5  }
0xf2: {  	s14 =	simm.s32 @!p2 $0x0;
	p3 =	sne.s32 s0, s5;
	[sflag:s9] =	ssyncset.done @!p0 $0x0  }
0xf3: {  	v19 =	vimm.s32 @!p2 $0xFFFFFFFF;
	s14 =	simm.s32 @p4 $0x40;
	[sflag:s9] =	ssyncadd.s32 @!p0 $0xFFFFE000  }
0xf4: {  	[tilespmem:s14+$0x1E000] =	vst @!p2 v19  }
0xf5: {  	[tilespmem:s14+$0x1E030] =	vst @!p2 v19  }
0xf6: {  	[tilespmem:s14+$0x1E020] =	vst @!p2 v19  }
0xf7: {  	[tilespmem:s14+$0x1E010] =	vst @!p2 v19  }
0xf8: {  	v18 =	vld.idx.msk [tilespmem:v18+s7+$0x0], $0xffff;
	_ =	sdelay $0x5  }
0xf9: {  	v19 =	vand.u32 $0x7F80, v18  }
0xfa: {  	v19 =	vsub.s32 v19, v17  }
0xfb: {  	v20 =	vand.u32 $0x7F, v18;
	v19 =	vshll.u32 v19, $0x3  }
0xfc: {  	v19 =	vadd.s32 v20, v19  }
0xfd: {  	v20 =	vadd.s32 v8, v19;
	_ =	sdelay $0x3  }
0xfe: {  	v21 =	vadd.s32 v10, v19  }
0xff: {  	v20 =	vld.idx.msk [tilespmem:v20+s18+$0x0], $0xffff  }
0x100: {  	s9 =	sshll.u32 s6, $0x9  }
0x101: {  	s14 =	sshra.s32 s9, $0x2;
	_ =	sdelay $0x3  }
0x102: {  	[tilespmem:s14+$0x1A000] =	vst v20;
	v20 =	vadd.s32 v11, v19  }
0x103: {  	v21 =	vld.idx.msk [tilespmem:v21+s18+$0x0], $0xffff;
	_ =	sdelay $0x4  }
0x104: {  	s9 =	sadd.s32 $0x1, s6  }
0x105: {  	s6 =	sand.u32 $0x3F, s9;
	v19 =	vadd.s32 v12, v19;
	[tilespmem:s14+$0x1A010] =	vst v21  }
0x106: {  	p0 =	seq.s32 s9, $0x80;
	p2 =	sne.s32 s6, $0x0;
	s6 =	smov.u32 s9;
	v20 =	vld.idx.msk [tilespmem:v20+s18+$0x0], $0xffff  }
0x107: {  	s6 =	simm.s32 @p0 $0x0  }
0x108: {  	s15 =	sshra.s32 @!p2 s9, $0x1F;
	p0 =	slt.u32 @!p2 s3, $0x7FFFFFFF;
	p5 =	seq.s32 @!p2 s28, $0x0  }
0x109: {  	s26 =	simm.s32 @!p2 $0x1;
	s25 =	sshrl.u32 @!p2 s15, $0x1A;
	p0 =	por !p0, p2  }
0x10a: {  	s28 =	simm.s32 @!p2 $0x1;
	s25 =	sadd.s32 @!p2 s25, s9;
	s26 =	simm.s32 @p0 $0x0  }
0x10b: {  	s16 =	sshrl.u32 @!p2 s25, $0x6;
	s25 =	sand.u32 @!p2 $0xFFFFFFC0, s25;
	s15 =	sadd.s32 @!p2 s26, s15  }
0x10c: {  	s16 =	sand.u32 @!p2 $0x1, s16;
	p0 =	seq.s32 @!p2 s15, $0x1;
	p4 =	seq.s32 @!p2 s9, s25;
	[tilespmem:s14+$0x1A020] =	vst v20  }
0x10d: {  	p6 =	seq.s32 @!p2 s16, $0x1;
	p0 =	por @!p2 p4, p0;
	v19 =	vld.idx.msk [tilespmem:v19+s18+$0x0], $0xffff  }
0x10e: {  	p4 =	por @!p2 !p6, !p6;
	p0 =	por !p0, p2  }
0x10f: {  	p6 =	por @!p0 p4, p4;
	v20 =	vmov s3;
	s3 =	smov.u32 s6  }
0x110: {  	v18 =	vshrl.u32 v18, $0xF;
	s15 =	simm.s32 @!p2 $0x40;
	s9 =	simm.s32 @!p2 $0x40;
	p4 =	por !p6, p2  }
0x111: {  	s9 =	simm.s32 @p4 $0x0  }
0x112: {  	s16 =	sshll.u32 @!p2 s9, $0x7;
	s25 =	sor.u32 @!p2 $0x1E000, s9  }
.Ltmp12:
0x113: {  	p0 =	por p5, p2;
	[tilespmem:s14+$0x1A030] =	vst v19;
	s14 =	sadd.s32 @!p2 $0x1A000, s16;
	(pc) =	sbr.rel @p3 .LBB2_16-.Ltmp12, $4  }
0x114: {  	s9 =	simm.s32 @!p0 $0x4;
	[tilespmem:v20+s23+$0x0] =	vst.idx.msk $0x1, v18  }
0x115: {  	(ifvalue) =	ssetifvalue @!p2 $0xFFFFFFFF  }
0x116: {  	(ifvalue) =	ssetifvalue @!p2 $0xFFFFFFFF  }
0x117: {  	v18 =	vmov s10;
	[hbm4b:s8+s15] =	stream.indirect.scatter @!p2 [tilespmem:s14], [sflag:$0x4], $0x80, s25, s15, $0x40b8;
	[tilespmem:$0x1E080] =	vst v63  }
0x118: {  	s0 =	sld [smem:$0x7FD];
	_ =	sdelay $0x2  }
0x119: {  	s5 =	smov.u32 s6;
	p5 =	seq.s32 s0, $0x1  }
.LBB2_18:
0x11a: {  	p0 =	por p0, !p1  }
0x11b: {  	p2 =	por p2, !p1;
	_ =	swait.ge @!p0 [sflag:s9], $0x2000  }
0x11c: {  	p1 =	por !p4, !p1;
	s0 =	simm.s32 @!p2 $0x0;
	[sflag:s9] =	ssyncset.done @!p0 $0x0  }
0x11d: {  	v19 =	vimm.s32 @!p2 $0xFFFFFFFF;
	s0 =	simm.s32 @!p1 $0x40;
	[sflag:s9] =	ssyncadd.s32 @!p0 $0xFFFFE000  }
0x11e: {  	[tilespmem:s0+$0x1E000] =	vst @!p2 v19  }
0x11f: {  	[tilespmem:s0+$0x1E030] =	vst @!p2 v19  }
0x120: {  	[tilespmem:s0+$0x1E020] =	vst @!p2 v19  }
0x121: {  	[tilespmem:s0+$0x1E010] =	vst @!p2 v19  }
0x122: {  	v18 =	vld.idx.msk [tilespmem:v18+s7+$0x0], $0xffff;
	_ =	sdelay $0x4  }
0x123: {  	v19 =	vand.u32 $0x7F80, v18  }
0x124: {  	v17 =	vsub.s32 v19, v17  }
0x125: {  	v19 =	vand.u32 $0x7F, v18;
	v17 =	vshll.u32 v17, $0x3  }
0x126: {  	v17 =	vadd.s32 v19, v17  }
0x127: {  	v19 =	vadd.s32 v8, v17;
	_ =	sdelay $0x4  }
0x128: {  	v19 =	vld.idx.msk [tilespmem:v19+s18+$0x0], $0xffff  }
0x129: {  	v20 =	vadd.s32 v10, v17;
	_ =	sdelay $0x1  }
0x12a: {  	s26 =	sshll.u32 s5, $0x9  }
0x12b: {  	s0 =	sshra.s32 s26, $0x2  }
0x12c: {  	[tilespmem:s0+$0x1A000] =	vst v19  }
0x12d: {  	v19 =	vld.idx.msk [tilespmem:v20+s18+$0x0], $0xffff  }
0x12e: {  	v63 =	vadd.s32 v11, v17;
	_ =	sdelay $0x3  }
0x12f: {  	s5 =	sadd.s32 $0x1, s5;
	[tilespmem:s0+$0x1A010] =	vst v19  }
0x130: {  	s6 =	sand.u32 $0x3F, s5;
	v19 =	vld.idx.msk [tilespmem:v63+s18+$0x0], $0xffff  }
0x131: {  	p1 =	sne.s32 s6, $0x0;
	v17 =	vadd.s32 v12, v17  }
0x132: {  	s6 =	sshra.s32 @!p1 s5, $0x1F;
	p0 =	slt.u32 @!p1 s3, $0x7FFFFFFF  }
0x133: {  	s10 =	simm.s32 @!p1 $0x1;
	s9 =	sshrl.u32 @!p1 s6, $0x1A;
	p0 =	por !p0, p1  }
0x134: {  	s9 =	sadd.s32 @!p1 s9, s5;
	s10 =	simm.s32 @p0 $0x0  }
0x135: {  	s14 =	sshrl.u32 @!p1 s9, $0x6;
	s9 =	sand.u32 @!p1 $0xFFFFFFC0, s9;
	s6 =	sadd.s32 @!p1 s10, s6;
	[tilespmem:s0+$0x1A020] =	vst v19  }
0x136: {  	s10 =	sand.u32 @!p1 $0x1, s14;
	p0 =	seq.s32 @!p1 s6, $0x1;
	p2 =	seq.s32 @!p1 s5, s9;
	v17 =	vld.idx.msk [tilespmem:v17+s18+$0x0], $0xffff  }
0x137: {  	p3 =	seq.s32 @!p1 s10, $0x1;
	p0 =	por @!p1 p2, p0;
	v19 =	vmov s3  }
0x138: {  	p2 =	por @!p1 !p3, !p3;
	p0 =	por !p0, p1  }
0x139: {  	p3 =	por @!p0 p2, p2;
	p2 =	seq.s32 @!p1 s28, $0x0  }
0x13a: {  	p0 =	por !p3, p1;
	p2 =	por p2, p1;
	s3 =	simm.s32 @!p1 $0x40  }
0x13b: {  	v18 =	vshrl.u32 v18, $0xF;
	s9 =	simm.s32 @!p2 $0x4;
	s3 =	simm.s32 @p0 $0x0;
	[tilespmem:s0+$0x1A030] =	vst v17  }
0x13c: {  	s6 =	sshll.u32 @!p1 s3, $0x7;
	s3 =	sor.u32 @!p1 $0x1E000, s3;
	[tilespmem:v19+s23+$0x0] =	vst.idx.msk $0x1, v18;
	(ifvalue) =	ssetifvalue @!p1 $0xFFFFFFFF  }
0x13d: {  	s6 =	sadd.s32 @!p1 $0x1A000, s6;
	s0 =	simm.s32 @!p1 $0x40;
	(ifvalue) =	ssetifvalue @!p1 $0xFFFFFFFF  }
0x13e: {  	[hbm4b:s8+s0] =	stream.indirect.scatter @!p1 [tilespmem:s6], [sflag:$0x4], $0x80, s3, s0, $0x40b8;
	[tilespmem:$0x1E080] =	vst v63  }
0x13f: {  	_ =	swait.ge @!p2 [sflag:s9], $0x2000  }
0x140: {  	s0 =	simm.s32 @!p1 $0x0;
	[sflag:s9] =	ssyncset.done @!p2 $0x0  }
0x141: {  	v17 =	vimm.s32 @!p1 $0xFFFFFFFF;
	s0 =	simm.s32 @p0 $0x40;
	[sflag:s9] =	ssyncadd.s32 @!p2 $0xFFFFE000  }
0x142: {  	[tilespmem:s0+$0x1E000] =	vst @!p1 v17  }
0x143: {  	[tilespmem:s0+$0x1E030] =	vst @!p1 v17  }
0x144: {  	p0 =	seq.s32 s5, $0x80;
	[tilespmem:s0+$0x1E020] =	vst @!p1 v17  }
0x145: {  	s28 =	simm.s32 @!p1 $0x1;
	s5 =	simm.s32 @p0 $0x0;
	[tilespmem:s0+$0x1E010] =	vst @!p1 v17  }
.LBB2_19:
0x146: {  	p1 =	seq.s32 s30, $0x1E  }
0x147: {  	s0 =	sadd.s32 @!p1 s31, s11  }
0x148: {  	s0 =	smin.u32 @!p1 s0, $0x1E80  }
0x149: {  	s3 =	simm.s32 @!p1 $0x1000;
	s6 =	simm.s32 @!p1 $0x7A1400;
	s0 =	sshll.u32 @!p1 s0, $0x7  }
.Ltmp13:
0x14a: {  	s9 =	simm.s32 @!p1 $0x8000;
	s0 =	sadd.s32 @!p1 s4, s0;
	(pc) =	sbr.rel @p5 .LBB2_36-.Ltmp13, $4  }
0x14b: {  	[tilespmem:s9], [sflag:$0x1] =	stream.strided.gather @!p1 [hbm4b:s0+s3], $0x8000, s6, s3, $0x38;
	[tilespmem:$0x1E080] =	vst v63  }
0x14c: {  	_ =	swait.ge [sflag:s24], $0x8000  }
0x14d: {  	[sflag:s24] =	ssyncset.done $0x0  }
0x14e: {  	[sflag:s24] =	ssyncadd.s32 $0xFFFF8000  }
0x14f: {  	s0 =	rddreg [dreg:$0x8]  }
0x150: {  	p0 =	seq.s32 s29, $0x1;
	s0 =	sadd.s32 s31, s0  }
.Ltmp14:
0x151: {  	s0 =	smin.u32 s0, $0x1E80;
	(pc) =	sbr.rel @p0 .LBB2_21-.Ltmp14, $4  }
0x152: {  	s0 =	sshll.u32 s0, $0x7  }
0x153: {  	s26 =	simm.s32 $0x4000;
	s6 =	simm.s32 @!p0 $0x0;
	s0 =	ssub.s32 s0, s2  }
0x154: {  	p3 =	por $0x0, $0x0;
	s6 =	simm.s32 @p0 $0x1;
	s3 =	sadd.s32 $0x200, s0  }
0x155: {  	v18 =	vld [tilespmem:s26+$0x0];
	[smem:$0x7FC] =	sst s6;
	v17 =	vmov s0;
	s0 =	sadd.s32 $0xFFFFFFFF, s29;
	v19 =	vmov s3;
	s3 =	simm.s32 $0x0  }
0x156: {  	_ =	sdelay $0x3  }
0x157: {  	v20 =	vor.u32 s3, v6;
	v21 =	vand.u32 $0x7FFF, v18  }
0x158: {  	vm0 =	vlt.s32 v20, v16;
	vm1 =	vlt.s32 v21, v19  }
0x159: {  	vm2 =	vge.s32 v21, v17;
	vm0 =	vmand vm0, vm1  }
0x15a: {  	vm0 =	vmand vm0, vm2  }
0x15b: {  	v20 =	vsel vm0, $0x1, v5  }
0x15c: {  	(xrf0) =	vadd.scan.msk.s32 $0xffff, v20;
	_ =	sdelay $0x2  }
0x15d: {  	v20 =	vmov s3  }
0x15e: {  	v20 =	vadd.s32 $0xFFFFFFFF, v20  }
0x15f: {  	v20 =	vbroadcast v20, $0x0  }
0x160: {  	v63, _, _ =	vpop (xrf0)  }
0x161: {  	v20 =	vadd.s32 v63, v20;
	(v2sf) =	vpush v63, $0xF  }
0x162: {  	p0 =	seq.s32 s0, $0x1  }
.Ltmp15:
0x163: {  	_ = 	snop;
	(pc) =	sbr.rel @p0 .LBB2_26-.Ltmp15, $3  }
0x164: {  	_ =	sdelay $0x1  }
0x165: {  	s10 =	simm.s32 $0x4010;
	s14 =	sadd.s32 $0xFFFFFFFF, s0;
	[tilespmem:v20+s7+$0x0] =	vst.idx.msk vm0, v18  }
0x166: {  	p3 =	por $0x1, $0x1;
	s9 =	simm.s32 $0x0;
	s6 =	simm.s32 $0x0;
	v18 =	vld [tilespmem:s10+$0x0]  }
.LBB2_27:
0x167: {  	p4 =	seq.s32 s14, $0x1;
	_ =	sdelay $0x2  }
0x168: {  	s9 =	sadd.s32 $0x10, s9  }
0x169: {  	v20 =	vor.u32 s9, v6;
	v21 =	vand.u32 $0x7FFF, v18  }
0x16a: {  	vm0 =	vlt.s32 v20, v16;
	vm1 =	vlt.s32 v21, v19  }
0x16b: {  	vm2 =	vge.s32 v21, v17;
	vm0 =	vmand vm0, vm1  }
0x16c: {  	vm0 =	vmand vm0, vm2  }
0x16d: {  	v20 =	vsel vm0, $0x1, v5;
	s15 =	spop (v2sf)  }
0x16e: {  	(xrf0) =	vadd.scan.msk.s32 $0xffff, v20;
	s6 =	sadd.s32 s6, s15  }
0x16f: {  	v20 =	vmov s6  }
0x170: {  	v20 =	vadd.s32 $0xFFFFFFFF, v20  }
0x171: {  	v20 =	vbroadcast v20, $0x0;
	_ =	sdelay $0x2  }
0x172: {  	v21, _, _ =	vpop (xrf0)  }
0x173: {  	v20 =	vadd.s32 v21, v20;
	(v2sf) =	vpush v21, $0xF;
	_ =	sdelay $0x1  }
.Ltmp16:
0x174: {  	(pc) =	sbr.rel @!p4 .LBB2_27-.Ltmp16, $3  }
0x175: {  	_ =	sdelay $0x1  }
0x176: {  	s10 =	sadd.s32 $0x10, s10;
	[tilespmem:v20+s7+$0x0] =	vst.idx.msk vm0, v18  }
0x177: {  	s14 =	sadd.s32 $0xFFFFFFFF, s14;
	v18 =	vld [tilespmem:s10+$0x0]  }
.LBB2_28:
0x178: {  	_ =	sdelay $0x1  }
0x179: {  	s9 =	sadd.s32 @p3 $0x10, s9;
	s10 =	simm.s32 $0x0  }
0x17a: {  	s10 =	smov.u32 @p3 s9  }
0x17b: {  	v20 =	vor.u32 s10, v6;
	v21 =	vand.u32 $0x7FFF, v18  }
0x17c: {  	vm0 =	vlt.s32 v20, v16;
	vm1 =	vlt.s32 v21, v19  }
0x17d: {  	vm2 =	vge.s32 v21, v17;
	vm0 =	vmand vm0, vm1  }
0x17e: {  	vm0 =	vmand vm0, vm2  }
0x17f: {  	v19 =	vsel vm0, $0x1, v5  }
0x180: {  	(xrf0) =	vadd.scan.msk.s32 $0xffff, v19;
	_ =	sdelay $0x5  }
0x181: {  	v19, _, _ =	vpop (xrf0)  }
0x182: {  	(v2sf) =	vpush v19, $0xF;
	_ =	sdelay $0x3  }
0x183: {  	s9 =	spop @p3 (v2sf)  }
0x184: {  	s6 =	sadd.s32 @p3 s6, s9  }
0x185: {  	s3 =	smov.u32 @p3 s6  }
0x186: {  	v63 =	vmov s3  }
0x187: {  	v20 =	vadd.s32 $0xFFFFFFFF, v63  }
0x188: {  	v20 =	vbroadcast v20, $0x0;
	_ =	sdelay $0x1  }
0x189: {  	v19 =	vadd.s32 v19, v20;
	_ =	sdelay $0x3  }
0x18a: {  	s26 =	spop (v2sf)  }
0x18b: {  	[tilespmem:v19+s7+$0x0] =	vst.idx.msk vm0, v18;
	s3 =	sadd.s32 s3, s26  }
0x18c: {  	p0 =	slt.s32 s3, $0x1  }
.Ltmp17:
0x18d: {  	_ = 	snop;
	(pc) =	sbr.rel @p0 .LBB2_38-.Ltmp17, $1  }
0x18e: {  	_ =	sdelay $0x3  }
0x18f: {  	p0 =	sne.s32 s3, $0x1  }
.Ltmp18:
0x190: {  	_ = 	snop;
	(pc) =	sbr.rel @!p0 .LBB2_24-.Ltmp18, $3  }
0x191: {  	_ =	sdelay $0x1  }
0x192: {  	s6 =	simm.s32 $0x0  }
0x193: {  	s9 =	simm.s32 $0x1;
	p3 =	por $0x0, $0x0;
	v18 =	vmov s6  }
0x194: {  	_ =	sdelay $0x3  }
0x195: {  	v18 =	vld.idx.msk [tilespmem:v18+s7+$0x0], $0xffff;
	_ =	sdelay $0x4  }
0x196: {  	v19 =	vand.u32 $0x7F80, v18  }
0x197: {  	v19 =	vsub.s32 v19, v17  }
0x198: {  	v20 =	vand.u32 $0x7F, v18;
	v19 =	vshll.u32 v19, $0x3  }
0x199: {  	v19 =	vadd.s32 v20, v19  }
0x19a: {  	v20 =	vadd.s32 v8, v19;
	_ =	sdelay $0x4  }
0x19b: {  	v20 =	vld.idx.msk [tilespmem:v20+s19+$0x0], $0xffff  }
0x19c: {  	v21 =	vadd.s32 v10, v19;
	_ =	sdelay $0x1  }
0x19d: {  	s6 =	sshll.u32 s5, $0x9  }
0x19e: {  	s6 =	sshra.s32 s6, $0x2  }
0x19f: {  	[tilespmem:s6+$0x1A000] =	vst v20  }
0x1a0: {  	v20 =	vld.idx.msk [tilespmem:v21+s19+$0x0], $0xffff  }
0x1a1: {  	v63 =	vadd.s32 v11, v19;
	_ =	sdelay $0x2  }
0x1a2: {  	s10 =	sadd.s32 $0x1, s5  }
0x1a3: {  	s14 =	sand.u32 $0x3F, s10;
	[tilespmem:s6+$0x1A010] =	vst v20  }
0x1a4: {  	p4 =	sne.s32 s14, $0x0;
	v20 =	vld.idx.msk [tilespmem:v63+s19+$0x0], $0xffff  }
0x1a5: {  	s14 =	sshra.s32 @!p4 s10, $0x1F;
	p0 =	slt.u32 @!p4 s5, $0x7FFFFFFF;
	v19 =	vadd.s32 v12, v19  }
0x1a6: {  	s16 =	simm.s32 @!p4 $0x1;
	s15 =	sshrl.u32 @!p4 s14, $0x1A;
	p0 =	por !p0, p4  }
0x1a7: {  	s15 =	sadd.s32 @!p4 s15, s10;
	s16 =	simm.s32 @p0 $0x0  }
0x1a8: {  	s25 =	sshrl.u32 @!p4 s15, $0x6;
	s15 =	sand.u32 @!p4 $0xFFFFFFC0, s15;
	s14 =	sadd.s32 @!p4 s16, s14  }
0x1a9: {  	s16 =	sand.u32 @!p4 $0x1, s25;
	p0 =	seq.s32 @!p4 s14, $0x1;
	p3 =	seq.s32 @!p4 s10, s15;
	[tilespmem:s6+$0x1A020] =	vst v20  }
0x1aa: {  	p5 =	seq.s32 @!p4 s16, $0x1;
	p0 =	por @!p4 p3, p0;
	v19 =	vld.idx.msk [tilespmem:v19+s19+$0x0], $0xffff  }
0x1ab: {  	p3 =	por @!p4 !p5, !p5;
	p0 =	por !p0, p4;
	v20 =	vmov s5  }
0x1ac: {  	p5 =	por @!p0 p3, p3  }
0x1ad: {  	s14 =	simm.s32 @!p4 $0x40;
	p6 =	por !p5, p4  }
0x1ae: {  	s15 =	simm.s32 @!p4 $0x40;
	p0 =	seq.s32 s10, $0x80;
	s14 =	simm.s32 @p6 $0x0  }
0x1af: {  	v18 =	vshrl.u32 v18, $0xF;
	p3 =	seq.s32 @!p4 s28, $0x0;
	p5 =	sne.s32 s3, $0x2;
	[tilespmem:s6+$0x1A030] =	vst v19;
	s6 =	sshll.u32 @!p4 s14, $0x7  }
.Ltmp19:
0x1b0: {  	s14 =	sor.u32 @!p4 $0x1E000, s14;
	[tilespmem:v20+s23+$0x0] =	vst.idx.msk $0x1, v18;
	(ifvalue) =	ssetifvalue @!p4 $0xFFFFFFFF;
	(pc) =	sbr.rel @!p5 .LBB2_30-.Ltmp19, $4  }
0x1b1: {  	s16 =	sadd.s32 @!p4 $0x1A000, s6;
	s6 =	smov.u32 s10;
	(ifvalue) =	ssetifvalue @!p4 $0xFFFFFFFF  }
0x1b2: {  	[hbm4b:s8+s15] =	stream.indirect.scatter @!p4 [tilespmem:s16], [sflag:$0x4], $0x80, s14, s15, $0x40b8;
	[tilespmem:$0x1E080] =	vst v63  }
0x1b3: {  	s28 =	simm.s32 @!p4 $0x1;
	s6 =	simm.s32 @p0 $0x0;
	p0 =	por p3, p4  }
0x1b4: {  	s5 =	simm.s32 $0x2;
	v18 =	vmov s9;
	s15 =	simm.s32 @!p0 $0x4;
	s10 =	smov.u32 s6  }
.LBB2_31:
0x1b5: {  	_ =	swait.ge @!p0 [sflag:s15], $0x2000;
	s14 =	smov.u32 s5;
	s5 =	sadd.s32 $0x1, s5  }
0x1b6: {  	s9 =	simm.s32 @!p4 $0x0;
	p5 =	sne.s32 s3, s5;
	[sflag:s15] =	ssyncset.done @!p0 $0x0  }
0x1b7: {  	v19 =	vimm.s32 @!p4 $0xFFFFFFFF;
	s9 =	simm.s32 @p6 $0x40;
	[sflag:s15] =	ssyncadd.s32 @!p0 $0xFFFFE000  }
0x1b8: {  	[tilespmem:s9+$0x1E000] =	vst @!p4 v19  }
0x1b9: {  	[tilespmem:s9+$0x1E030] =	vst @!p4 v19  }
0x1ba: {  	[tilespmem:s9+$0x1E020] =	vst @!p4 v19  }
0x1bb: {  	[tilespmem:s9+$0x1E010] =	vst @!p4 v19  }
0x1bc: {  	v18 =	vld.idx.msk [tilespmem:v18+s7+$0x0], $0xffff;
	_ =	sdelay $0x5  }
0x1bd: {  	v19 =	vand.u32 $0x7F80, v18  }
0x1be: {  	v19 =	vsub.s32 v19, v17  }
0x1bf: {  	v20 =	vand.u32 $0x7F, v18;
	v19 =	vshll.u32 v19, $0x3  }
0x1c0: {  	v19 =	vadd.s32 v20, v19  }
0x1c1: {  	v20 =	vadd.s32 v8, v19;
	_ =	sdelay $0x3  }
0x1c2: {  	v21 =	vadd.s32 v10, v19  }
0x1c3: {  	v20 =	vld.idx.msk [tilespmem:v20+s19+$0x0], $0xffff  }
0x1c4: {  	s9 =	sshll.u32 s6, $0x9  }
0x1c5: {  	s9 =	sshra.s32 s9, $0x2;
	_ =	sdelay $0x3  }
0x1c6: {  	[tilespmem:s9+$0x1A000] =	vst v20;
	v20 =	vadd.s32 v11, v19  }
0x1c7: {  	v21 =	vld.idx.msk [tilespmem:v21+s19+$0x0], $0xffff;
	_ =	sdelay $0x4  }
0x1c8: {  	s15 =	sadd.s32 $0x1, s6  }
0x1c9: {  	s6 =	sand.u32 $0x3F, s15;
	v19 =	vadd.s32 v12, v19;
	[tilespmem:s9+$0x1A010] =	vst v21  }
0x1ca: {  	p0 =	seq.s32 s15, $0x80;
	p4 =	sne.s32 s6, $0x0;
	s6 =	smov.u32 s15;
	v20 =	vld.idx.msk [tilespmem:v20+s19+$0x0], $0xffff  }
0x1cb: {  	s6 =	simm.s32 @p0 $0x0  }
0x1cc: {  	s16 =	sshra.s32 @!p4 s15, $0x1F;
	p6 =	slt.u32 @!p4 s10, $0x7FFFFFFF;
	p0 =	seq.s32 @!p4 s28, $0x0  }
0x1cd: {  	s26 =	simm.s32 @!p4 $0x1;
	s25 =	sshrl.u32 @!p4 s16, $0x1A;
	p6 =	por !p6, p4  }
0x1ce: {  	s28 =	simm.s32 @!p4 $0x1;
	s25 =	sadd.s32 @!p4 s25, s15;
	s26 =	simm.s32 @p6 $0x0  }
0x1cf: {  	s17 =	sshrl.u32 @!p4 s25, $0x6;
	s25 =	sand.u32 @!p4 $0xFFFFFFC0, s25;
	s16 =	sadd.s32 @!p4 s26, s16  }
0x1d0: {  	s17 =	sand.u32 @!p4 $0x1, s17;
	p6 =	seq.s32 @!p4 s16, $0x1;
	p2 =	seq.s32 @!p4 s15, s25;
	[tilespmem:s9+$0x1A020] =	vst v20  }
0x1d1: {  	p3 =	seq.s32 @!p4 s17, $0x1;
	p2 =	por @!p4 p2, p6;
	v19 =	vld.idx.msk [tilespmem:v19+s19+$0x0], $0xffff  }
0x1d2: {  	p6 =	por @!p4 !p3, !p3;
	p2 =	por !p2, p4  }
0x1d3: {  	p3 =	por @!p2 p6, p6;
	v20 =	vmov s10;
	s10 =	smov.u32 s6  }
0x1d4: {  	v18 =	vshrl.u32 v18, $0xF;
	s16 =	simm.s32 @!p4 $0x40;
	s15 =	simm.s32 @!p4 $0x40;
	p6 =	por !p3, p4  }
0x1d5: {  	s15 =	simm.s32 @p6 $0x0  }
0x1d6: {  	s17 =	sshll.u32 @!p4 s15, $0x7;
	s25 =	sor.u32 @!p4 $0x1E000, s15  }
.Ltmp20:
0x1d7: {  	p0 =	por p0, p4;
	[tilespmem:s9+$0x1A030] =	vst v19;
	s9 =	sadd.s32 @!p4 $0x1A000, s17;
	(pc) =	sbr.rel @p5 .LBB2_31-.Ltmp20, $4  }
0x1d8: {  	s15 =	simm.s32 @!p0 $0x4;
	[tilespmem:v20+s23+$0x0] =	vst.idx.msk $0x1, v18  }
0x1d9: {  	(ifvalue) =	ssetifvalue @!p4 $0xFFFFFFFF  }
0x1da: {  	(ifvalue) =	ssetifvalue @!p4 $0xFFFFFFFF  }
0x1db: {  	v18 =	vmov s14;
	[hbm4b:s8+s16] =	stream.indirect.scatter @!p4 [tilespmem:s9], [sflag:$0x4], $0x80, s25, s16, $0x40b8;
	[tilespmem:$0x1E080] =	vst v63  }
0x1dc: {  	s3 =	sld [smem:$0x7FD];
	_ =	sdelay $0x1  }
0x1dd: {  	s5 =	smov.u32 s6  }
0x1de: {  	s17 =	simm.s32 $0x1000;
	p3 =	por $0x1, $0x1;
	p5 =	seq.s32 s3, $0x1  }
.LBB2_33:
0x1df: {  	p0 =	por p0, !p3  }
0x1e0: {  	p2 =	por p4, !p3;
	_ =	swait.ge @!p0 [sflag:s15], $0x2000  }
0x1e1: {  	p3 =	por !p6, !p3;
	s3 =	simm.s32 @!p2 $0x0;
	[sflag:s15] =	ssyncset.done @!p0 $0x0  }
0x1e2: {  	v19 =	vimm.s32 @!p2 $0xFFFFFFFF;
	s3 =	simm.s32 @!p3 $0x40;
	[sflag:s15] =	ssyncadd.s32 @!p0 $0xFFFFE000  }
0x1e3: {  	[tilespmem:s3+$0x1E000] =	vst @!p2 v19  }
0x1e4: {  	[tilespmem:s3+$0x1E030] =	vst @!p2 v19  }
0x1e5: {  	[tilespmem:s3+$0x1E020] =	vst @!p2 v19  }
0x1e6: {  	[tilespmem:s3+$0x1E010] =	vst @!p2 v19  }
0x1e7: {  	v18 =	vld.idx.msk [tilespmem:v18+s7+$0x0], $0xffff;
	_ =	sdelay $0x4  }
0x1e8: {  	v19 =	vand.u32 $0x7F80, v18  }
0x1e9: {  	v17 =	vsub.s32 v19, v17  }
0x1ea: {  	v19 =	vand.u32 $0x7F, v18;
	v17 =	vshll.u32 v17, $0x3  }
0x1eb: {  	v17 =	vadd.s32 v19, v17  }
0x1ec: {  	v19 =	vadd.s32 v8, v17;
	_ =	sdelay $0x4  }
0x1ed: {  	v19 =	vld.idx.msk [tilespmem:v19+s19+$0x0], $0xffff  }
0x1ee: {  	v20 =	vadd.s32 v10, v17;
	_ =	sdelay $0x1  }
0x1ef: {  	s26 =	sshll.u32 s5, $0x9  }
0x1f0: {  	s3 =	sshra.s32 s26, $0x2  }
0x1f1: {  	[tilespmem:s3+$0x1A000] =	vst v19  }
0x1f2: {  	v19 =	vld.idx.msk [tilespmem:v20+s19+$0x0], $0xffff  }
0x1f3: {  	v63 =	vadd.s32 v11, v17;
	_ =	sdelay $0x2  }
0x1f4: {  	s5 =	sadd.s32 $0x1, s5  }
0x1f5: {  	s6 =	sand.u32 $0x3F, s5;
	[tilespmem:s3+$0x1A010] =	vst v19  }
0x1f6: {  	p3 =	sne.s32 s6, $0x0;
	v19 =	vld.idx.msk [tilespmem:v63+s19+$0x0], $0xffff  }
0x1f7: {  	s6 =	sshra.s32 @!p3 s5, $0x1F;
	p0 =	slt.u32 @!p3 s10, $0x7FFFFFFF;
	v17 =	vadd.s32 v12, v17  }
0x1f8: {  	s14 =	simm.s32 @!p3 $0x1;
	s9 =	sshrl.u32 @!p3 s6, $0x1A;
	p0 =	por !p0, p3  }
0x1f9: {  	s9 =	sadd.s32 @!p3 s9, s5;
	s14 =	simm.s32 @p0 $0x0  }
0x1fa: {  	s15 =	sshrl.u32 @!p3 s9, $0x6;
	s9 =	sand.u32 @!p3 $0xFFFFFFC0, s9;
	s6 =	sadd.s32 @!p3 s14, s6  }
0x1fb: {  	s14 =	sand.u32 @!p3 $0x1, s15;
	p0 =	seq.s32 @!p3 s6, $0x1;
	p2 =	seq.s32 @!p3 s5, s9;
	[tilespmem:s3+$0x1A020] =	vst v19  }
0x1fc: {  	p4 =	seq.s32 @!p3 s14, $0x1;
	p0 =	por @!p3 p2, p0;
	v17 =	vld.idx.msk [tilespmem:v17+s19+$0x0], $0xffff  }
0x1fd: {  	p2 =	por @!p3 !p4, !p4;
	p0 =	por !p0, p3;
	v19 =	vmov s10  }
0x1fe: {  	p4 =	por @!p0 p2, p2  }
0x1ff: {  	s6 =	simm.s32 @!p3 $0x40;
	p0 =	por !p4, p3  }
0x200: {  	p2 =	seq.s32 @!p3 s28, $0x0;
	s6 =	simm.s32 @p0 $0x0  }
0x201: {  	v18 =	vshrl.u32 v18, $0xF;
	p2 =	por p2, p3;
	s9 =	sshll.u32 @!p3 s6, $0x7;
	[tilespmem:s3+$0x1A030] =	vst v17  }
0x202: {  	s6 =	sor.u32 @!p3 $0x1E000, s6;
	s9 =	sadd.s32 @!p3 $0x1A000, s9;
	[tilespmem:v19+s23+$0x0] =	vst.idx.msk $0x1, v18;
	(ifvalue) =	ssetifvalue @!p3 $0xFFFFFFFF  }
0x203: {  	s10 =	simm.s32 @!p2 $0x4;
	s3 =	simm.s32 @!p3 $0x40;
	(ifvalue) =	ssetifvalue @!p3 $0xFFFFFFFF  }
0x204: {  	[hbm4b:s8+s3] =	stream.indirect.scatter @!p3 [tilespmem:s9], [sflag:$0x4], $0x80, s6, s3, $0x40b8;
	[tilespmem:$0x1E080] =	vst v63  }
0x205: {  	_ =	swait.ge @!p2 [sflag:s10], $0x2000  }
0x206: {  	s3 =	simm.s32 @!p3 $0x0;
	[sflag:s10] =	ssyncset.done @!p2 $0x0  }
.Ltmp21:
0x207: {  	v17 =	vimm.s32 @!p3 $0xFFFFFFFF;
	s3 =	simm.s32 @p0 $0x40;
	[sflag:s10] =	ssyncadd.s32 @!p2 $0xFFFFE000;
	(pc) =	sbr.rel @!p1 .LBB2_39-.Ltmp21, $4  }
.Ltmp22:
0x208: {  	[tilespmem:s3+$0x1E000] =	vst @!p3 v17;
	(pc) =	sbr.rel @p1 .LBB2_34-.Ltmp22, $4  }
0x209: {  	[tilespmem:s3+$0x1E030] =	vst @!p3 v17  }
0x20a: {  	p0 =	seq.s32 s5, $0x80;
	[tilespmem:s3+$0x1E020] =	vst @!p3 v17  }
0x20b: {  	s28 =	simm.s32 @!p3 $0x1;
	s5 =	simm.s32 @p0 $0x0;
	[tilespmem:s3+$0x1E010] =	vst @!p3 v17  }
0x20c: {  	_ = 	snop  }
.LBB2_38:
.Ltmp23:
0x20d: {  	(pc) =	sbr.rel @!p1 .LBB2_39-.Ltmp23, $4  }
.Ltmp24:
0x20e: {  	(pc) =	sbr.rel @p1 .LBB2_34-.Ltmp24, $4  }
0x20f: {  	_ = 	snop  }
0x210: {  	_ = 	snop  }
0x211: {  	_ = 	snop  }
0x212: {  	_ = 	snop  }
.LBB2_6:
.Ltmp25:
0x213: {  	(pc) =	sbr.rel .LBB2_13-.Ltmp25, $2  }
0x214: {  	_ =	sdelay $0x2  }
0x215: {  	s6 =	simm.s32 $0x0;
	s3 =	simm.s32 $0x0  }
.LBB2_21:
.Ltmp26:
0x216: {  	(pc) =	sbr.rel .LBB2_28-.Ltmp26, $2  }
0x217: {  	_ =	sdelay $0x2  }
0x218: {  	s9 =	simm.s32 $0x0;
	s6 =	simm.s32 $0x0  }
.LBB2_11:
.Ltmp27:
0x219: {  	(pc) =	sbr.rel .LBB2_13-.Ltmp27, $2  }
0x21a: {  	_ =	sdelay $0x2  }
0x21b: {  	s6 =	simm.s32 $0x0;
	s3 =	simm.s32 $0x0  }
.LBB2_26:
.Ltmp28:
0x21c: {  	(pc) =	sbr.rel .LBB2_28-.Ltmp28, $2  }
0x21d: {  	_ =	sdelay $0x2  }
0x21e: {  	s9 =	simm.s32 $0x0;
	s6 =	simm.s32 $0x0  }
.LBB2_9:
.Ltmp29:
0x21f: {  	(pc) =	sbr.rel .LBB2_18-.Ltmp29, $2  }
0x220: {  	_ =	sdelay $0x2  }
0x221: {  	s3 =	smov.u32 s5  }
.LBB2_24:
.Ltmp30:
0x222: {  	(pc) =	sbr.rel .LBB2_33-.Ltmp30, $2  }
0x223: {  	_ =	sdelay $0x2  }
0x224: {  	s10 =	smov.u32 s5  }
.LBB2_15:
.Ltmp31:
0x225: {  	(pc) =	sbr.rel .LBB2_18-.Ltmp31, $2  }
0x226: {  	s0 =	sld [smem:$0x7FD];
	_ =	sdelay $0x2  }
0x227: {  	s5 =	smov.u32 s6;
	s3 =	smov.u32 s6;
	p5 =	seq.s32 s0, $0x1  }
.LBB2_30:
.Ltmp32:
0x228: {  	(pc) =	sbr.rel .LBB2_33-.Ltmp32, $3  }
0x229: {  	s3 =	sld [smem:$0x7FD];
	_ =	sdelay $0x1  }
0x22a: {  	s5 =	smov.u32 s6;
	s10 =	smov.u32 s6  }
0x22b: {  	s17 =	simm.s32 $0x1000;
	p3 =	por $0x1, $0x1;
	p5 =	seq.s32 s3, $0x1  }
.LBB2_34:
0x22c: {  	s1 =	simm.s32 $0x3  }
0x22d: {  	_ =	swait.ge [sflag:s1], $0x2000  }
0x22e: {  	s31 =	sld [smem:$0x7FC];
	_ =	sdelay $0x2  }
0x22f: {  	p1 =	seq.s32 s31, $0x1  }
.Ltmp33:
0x230: {  	_ = 	snop;
	(pc) =	sbr.rel @p1 .LBB2_35-.Ltmp33, $4  }
0x231: {  	_ = 	snop  }
0x232: {  	[sflag:s1] =	ssyncset.done $0x0  }
0x233: {  	s6 =	simm.s32 $0x4000;
	[sflag:s1] =	ssyncadd.s32 $0xFFFFE000  }
0x234: {  	s3 =	simm.s32 $0x0;
	p0 =	por $0x0, $0x0;
	s1 =	rddreg [dreg:$0x9];
	v17 =	vld [tilespmem:s6+$0x0]  }
0x235: {  	_ =	sdelay $0x3  }
0x236: {  	v18 =	vor.u32 s3, v6;
	v19 =	vand.u32 $0x7FFF, v17  }
0x237: {  	vm0 =	vlt.s32 v18, v16;
	vm1 =	vge.u32 v19, v2  }
0x238: {  	vm15 =	vlt.u32 v19, v3;
	vm0 =	vmand vm0, vm1  }
0x239: {  	vm0 =	vmand vm15, vm0  }
0x23a: {  	v18 =	vsel vm0, $0x1, v5  }
0x23b: {  	(xrf0) =	vadd.scan.msk.s32 $0xffff, v18;
	_ =	sdelay $0x2  }
0x23c: {  	v18 =	vmov s3  }
0x23d: {  	v18 =	vadd.s32 $0xFFFFFFFF, v18  }
0x23e: {  	v18 =	vbroadcast v18, $0x0  }
0x23f: {  	v19, _, _ =	vpop (xrf0)  }
0x240: {  	v18 =	vadd.s32 v19, v18;
	(v2sf) =	vpush v19, $0xF  }
0x241: {  	p1 =	seq.s32 s0, $0x1  }
.Ltmp34:
0x242: {  	_ = 	snop;
	(pc) =	sbr.rel @p1 .LBB2_44-.Ltmp34, $3  }
0x243: {  	_ =	sdelay $0x1  }
0x244: {  	s9 =	simm.s32 $0x4010;
	s10 =	sadd.s32 $0xFFFFFFFF, s0;
	[tilespmem:v18+s7+$0x0] =	vst.idx.msk vm0, v17  }
0x245: {  	p0 =	por $0x1, $0x1;
	s6 =	simm.s32 $0x0;
	s0 =	simm.s32 $0x0;
	v17 =	vld [tilespmem:s9+$0x0]  }
.LBB2_45:
0x246: {  	p1 =	seq.s32 s10, $0x1;
	_ =	sdelay $0x2  }
0x247: {  	s6 =	sadd.s32 $0x10, s6  }
0x248: {  	v18 =	vor.u32 s6, v6;
	v19 =	vand.u32 $0x7FFF, v17  }
0x249: {  	vm0 =	vlt.s32 v18, v16;
	vm1 =	vge.u32 v19, v2  }
0x24a: {  	vm0 =	vmand vm0, vm1;
	vm1 =	vlt.u32 v19, v3  }
0x24b: {  	vm0 =	vmand vm1, vm0  }
0x24c: {  	v18 =	vsel vm0, $0x1, v5;
	s14 =	spop (v2sf)  }
0x24d: {  	(xrf0) =	vadd.scan.msk.s32 $0xffff, v18;
	s0 =	sadd.s32 s0, s14  }
0x24e: {  	v18 =	vmov s0  }
0x24f: {  	v18 =	vadd.s32 $0xFFFFFFFF, v18  }
0x250: {  	v18 =	vbroadcast v18, $0x0;
	_ =	sdelay $0x2  }
0x251: {  	v19, _, _ =	vpop (xrf0)  }
0x252: {  	v18 =	vadd.s32 v19, v18;
	(v2sf) =	vpush v19, $0xF;
	_ =	sdelay $0x1  }
.Ltmp35:
0x253: {  	(pc) =	sbr.rel @!p1 .LBB2_45-.Ltmp35, $3  }
0x254: {  	_ =	sdelay $0x1  }
0x255: {  	s9 =	sadd.s32 $0x10, s9;
	[tilespmem:v18+s7+$0x0] =	vst.idx.msk vm0, v17  }
0x256: {  	s10 =	sadd.s32 $0xFFFFFFFF, s10;
	v17 =	vld [tilespmem:s9+$0x0]  }
.LBB2_46:
0x257: {  	_ =	sdelay $0x1  }
0x258: {  	s6 =	sadd.s32 @p0 $0x10, s6;
	s9 =	simm.s32 $0x0  }
0x259: {  	s9 =	smov.u32 @p0 s6  }
0x25a: {  	v18 =	vor.u32 s9, v6;
	v19 =	vand.u32 $0x7FFF, v17  }
0x25b: {  	vm0 =	vlt.s32 v18, v16;
	vm1 =	vge.u32 v19, v2  }
0x25c: {  	vm15 =	vlt.u32 v19, v3;
	vm0 =	vmand vm0, vm1  }
0x25d: {  	vm0 =	vmand vm15, vm0  }
0x25e: {  	v16 =	vsel vm0, $0x1, v5  }
0x25f: {  	(xrf0) =	vadd.scan.msk.s32 $0xffff, v16;
	_ =	sdelay $0x5  }
0x260: {  	v16, _, _ =	vpop (xrf0)  }
0x261: {  	(v2sf) =	vpush v16, $0xF;
	_ =	sdelay $0x3  }
0x262: {  	s6 =	spop @p0 (v2sf)  }
0x263: {  	s0 =	sadd.s32 @p0 s0, s6  }
0x264: {  	s3 =	smov.u32 @p0 s0  }
0x265: {  	v63 =	vmov s3  }
0x266: {  	v18 =	vadd.s32 $0xFFFFFFFF, v63  }
0x267: {  	v18 =	vbroadcast v18, $0x0;
	_ =	sdelay $0x1  }
0x268: {  	v16 =	vadd.s32 v16, v18;
	_ =	sdelay $0x3  }
0x269: {  	s31 =	spop (v2sf)  }
0x26a: {  	[tilespmem:v16+s7+$0x0] =	vst.idx.msk vm0, v17;
	s0 =	sadd.s32 s3, s31  }
0x26b: {  	p0 =	slt.s32 s0, $0x1  }
.Ltmp36:
0x26c: {  	_ = 	snop;
	(pc) =	sbr.rel @p0 .LBB2_52-.Ltmp36, $1  }
0x26d: {  	_ =	sdelay $0x3  }
0x26e: {  	p1 =	sne.s32 s0, $0x1  }
.Ltmp37:
0x26f: {  	_ = 	snop;
	(pc) =	sbr.rel @!p1 .LBB2_42-.Ltmp37, $3  }
0x270: {  	_ =	sdelay $0x1  }
0x271: {  	s6 =	simm.s32 $0x0  }
0x272: {  	s3 =	simm.s32 $0x1;
	p0 =	por $0x0, $0x0;
	v16 =	vmov s6  }
0x273: {  	_ =	sdelay $0x3  }
0x274: {  	v16 =	vld.idx.msk [tilespmem:v16+s7+$0x0], $0xffff;
	_ =	sdelay $0x4  }
0x275: {  	v17 =	vand.u32 $0x7F80, v16  }
0x276: {  	v18 =	vand.u32 $0x7F, v16;
	v17 =	vsub.s32 v17, v2  }
0x277: {  	v17 =	vadd.s32 v18, v17  }
0x278: {  	v18 =	vadd.s32 v9, v17;
	_ =	sdelay $0x4  }
0x279: {  	v18 =	vld.idx.msk [tilespmem:v18+s20+$0x0], $0xffff  }
0x27a: {  	v19 =	vadd.s32 v13, v17;
	_ =	sdelay $0x1  }
0x27b: {  	s6 =	sshll.u32 s5, $0x9  }
0x27c: {  	s6 =	sshra.s32 s6, $0x2  }
0x27d: {  	[tilespmem:s6+$0x1A000] =	vst v18  }
0x27e: {  	v18 =	vld.idx.msk [tilespmem:v19+s20+$0x0], $0xffff  }
0x27f: {  	v19 =	vadd.s32 v14, v17;
	_ =	sdelay $0x2  }
0x280: {  	s9 =	sadd.s32 $0x1, s5  }
0x281: {  	s10 =	sand.u32 $0x3F, s9;
	[tilespmem:s6+$0x1A010] =	vst v18  }
0x282: {  	p1 =	sne.s32 s10, $0x0;
	v18 =	vld.idx.msk [tilespmem:v19+s20+$0x0], $0xffff  }
0x283: {  	s10 =	sshra.s32 @!p1 s9, $0x1F;
	p0 =	slt.u32 @!p1 s5, $0x7FFFFFFF;
	v17 =	vadd.s32 v15, v17  }
0x284: {  	s15 =	simm.s32 @!p1 $0x1;
	s14 =	sshrl.u32 @!p1 s10, $0x1A;
	p0 =	por !p0, p1  }
0x285: {  	s14 =	sadd.s32 @!p1 s14, s9;
	s15 =	simm.s32 @p0 $0x0  }
0x286: {  	s16 =	sshrl.u32 @!p1 s14, $0x6;
	s14 =	sand.u32 @!p1 $0xFFFFFFC0, s14;
	s10 =	sadd.s32 @!p1 s15, s10  }
0x287: {  	s15 =	sand.u32 @!p1 $0x1, s16;
	p0 =	seq.s32 @!p1 s10, $0x1;
	p2 =	seq.s32 @!p1 s9, s14;
	[tilespmem:s6+$0x1A020] =	vst v18  }
0x288: {  	p3 =	seq.s32 @!p1 s15, $0x1;
	p0 =	por @!p1 p2, p0;
	v17 =	vld.idx.msk [tilespmem:v17+s20+$0x0], $0xffff  }
0x289: {  	p2 =	por @!p1 !p3, !p3;
	p0 =	por !p0, p1;
	v18 =	vmov s5  }
0x28a: {  	p3 =	por @!p0 p2, p2  }
0x28b: {  	p5 =	sne.s32 s0, $0x2;
	s10 =	simm.s32 @!p1 $0x40;
	p3 =	por !p3, p1  }
0x28c: {  	s14 =	simm.s32 @!p1 $0x40;
	p0 =	seq.s32 s9, $0x80;
	s10 =	simm.s32 @p3 $0x0  }
0x28d: {  	v16 =	vshrl.u32 v16, $0xF;
	p2 =	seq.s32 @!p1 s28, $0x0;
	s28 =	simm.s32 @!p1 $0x1;
	[tilespmem:s6+$0x1A030] =	vst v17;
	s6 =	sshll.u32 @!p1 s10, $0x7  }
.Ltmp38:
0x28e: {  	s10 =	sor.u32 @!p1 $0x1E000, s10;
	[tilespmem:v18+s23+$0x0] =	vst.idx.msk $0x1, v16;
	(ifvalue) =	ssetifvalue @!p1 $0xFFFFFFFF;
	(pc) =	sbr.rel @!p5 .LBB2_48-.Ltmp38, $4  }
0x28f: {  	s15 =	sadd.s32 @!p1 $0x1A000, s6;
	s6 =	smov.u32 s9;
	(ifvalue) =	ssetifvalue @!p1 $0xFFFFFFFF  }
0x290: {  	[hbm4b:s8+s14] =	stream.indirect.scatter @!p1 [tilespmem:s15], [sflag:$0x4], $0x80, s10, s14, $0x40b8;
	[tilespmem:$0x1E080] =	vst v63  }
0x291: {  	p4 =	por p2, p1;
	s5 =	simm.s32 $0x2;
	s6 =	simm.s32 @p0 $0x0  }
0x292: {  	s9 =	simm.s32 @!p4 $0x4;
	v16 =	vmov s3;
	p0 =	por $0x1, $0x1;
	s3 =	smov.u32 s6  }
.LBB2_49:
0x293: {  	_ =	swait.ge @!p4 [sflag:s9], $0x2000;
	s10 =	smov.u32 s5;
	s5 =	sadd.s32 $0x1, s5  }
0x294: {  	s14 =	simm.s32 @!p1 $0x0;
	p2 =	sne.s32 s0, s5;
	[sflag:s9] =	ssyncset.done @!p4 $0x0  }
0x295: {  	v17 =	vimm.s32 @!p1 $0xFFFFFFFF;
	s14 =	simm.s32 @p3 $0x40;
	[sflag:s9] =	ssyncadd.s32 @!p4 $0xFFFFE000  }
0x296: {  	[tilespmem:s14+$0x1E000] =	vst @!p1 v17  }
0x297: {  	[tilespmem:s14+$0x1E030] =	vst @!p1 v17  }
0x298: {  	[tilespmem:s14+$0x1E020] =	vst @!p1 v17  }
0x299: {  	[tilespmem:s14+$0x1E010] =	vst @!p1 v17  }
0x29a: {  	v16 =	vld.idx.msk [tilespmem:v16+s7+$0x0], $0xffff;
	_ =	sdelay $0x5  }
0x29b: {  	v17 =	vand.u32 $0x7F80, v16  }
0x29c: {  	v18 =	vand.u32 $0x7F, v16;
	v17 =	vsub.s32 v17, v2  }
0x29d: {  	v17 =	vadd.s32 v18, v17  }
0x29e: {  	v18 =	vadd.s32 v9, v17;
	_ =	sdelay $0x3  }
0x29f: {  	v19 =	vadd.s32 v13, v17  }
0x2a0: {  	v18 =	vld.idx.msk [tilespmem:v18+s20+$0x0], $0xffff  }
0x2a1: {  	s9 =	sshll.u32 s6, $0x9  }
0x2a2: {  	s9 =	sshra.s32 s9, $0x2;
	_ =	sdelay $0x3  }
0x2a3: {  	[tilespmem:s9+$0x1A000] =	vst v18;
	v18 =	vadd.s32 v14, v17  }
0x2a4: {  	v19 =	vld.idx.msk [tilespmem:v19+s20+$0x0], $0xffff;
	_ =	sdelay $0x4  }
0x2a5: {  	s14 =	sadd.s32 $0x1, s6  }
0x2a6: {  	s6 =	sand.u32 $0x3F, s14;
	v17 =	vadd.s32 v15, v17;
	[tilespmem:s9+$0x1A010] =	vst v19  }
0x2a7: {  	p3 =	seq.s32 s14, $0x80;
	p1 =	sne.s32 s6, $0x0;
	s6 =	smov.u32 s14;
	v18 =	vld.idx.msk [tilespmem:v18+s20+$0x0], $0xffff  }
0x2a8: {  	s6 =	simm.s32 @p3 $0x0  }
0x2a9: {  	s15 =	sshra.s32 @!p1 s14, $0x1F;
	p3 =	slt.u32 @!p1 s3, $0x7FFFFFFF;
	p4 =	seq.s32 @!p1 s28, $0x0  }
0x2aa: {  	s17 =	simm.s32 @!p1 $0x1;
	s16 =	sshrl.u32 @!p1 s15, $0x1A;
	p3 =	por !p3, p1  }
0x2ab: {  	s28 =	simm.s32 @!p1 $0x1;
	s16 =	sadd.s32 @!p1 s16, s14;
	s17 =	simm.s32 @p3 $0x0  }
0x2ac: {  	s25 =	sshrl.u32 @!p1 s16, $0x6;
	s16 =	sand.u32 @!p1 $0xFFFFFFC0, s16;
	s15 =	sadd.s32 @!p1 s17, s15  }
0x2ad: {  	s17 =	sand.u32 @!p1 $0x1, s25;
	p3 =	seq.s32 @!p1 s15, $0x1;
	p5 =	seq.s32 @!p1 s14, s16;
	[tilespmem:s9+$0x1A020] =	vst v18  }
0x2ae: {  	p6 =	seq.s32 @!p1 s17, $0x1;
	p3 =	por @!p1 p5, p3;
	v17 =	vld.idx.msk [tilespmem:v17+s20+$0x0], $0xffff  }
0x2af: {  	p5 =	por @!p1 !p6, !p6;
	p3 =	por !p3, p1  }
0x2b0: {  	p6 =	por @!p3 p5, p5;
	v18 =	vmov s3;
	s3 =	smov.u32 s6  }
0x2b1: {  	v16 =	vshrl.u32 v16, $0xF;
	s14 =	simm.s32 @!p1 $0x40;
	s15 =	simm.s32 @!p1 $0x40;
	p3 =	por !p6, p1  }
0x2b2: {  	s15 =	simm.s32 @p3 $0x0  }
0x2b3: {  	s16 =	sshll.u32 @!p1 s15, $0x7;
	s15 =	sor.u32 @!p1 $0x1E000, s15  }
.Ltmp39:
0x2b4: {  	p4 =	por p4, p1;
	s16 =	sadd.s32 @!p1 $0x1A000, s16;
	[tilespmem:s9+$0x1A030] =	vst v17;
	(pc) =	sbr.rel @p2 .LBB2_49-.Ltmp39, $4  }
0x2b5: {  	s9 =	simm.s32 @!p4 $0x4;
	[tilespmem:v18+s23+$0x0] =	vst.idx.msk $0x1, v16  }
0x2b6: {  	(ifvalue) =	ssetifvalue @!p1 $0xFFFFFFFF  }
0x2b7: {  	(ifvalue) =	ssetifvalue @!p1 $0xFFFFFFFF  }
0x2b8: {  	v16 =	vmov s10;
	[hbm4b:s8+s14] =	stream.indirect.scatter @!p1 [tilespmem:s16], [sflag:$0x4], $0x80, s15, s14, $0x40b8;
	[tilespmem:$0x1E080] =	vst v63  }
0x2b9: {  	s5 =	smov.u32 s6;
	s17 =	simm.s32 $0x1000  }
.LBB2_51:
0x2ba: {  	p2 =	por p4, !p0  }
0x2bb: {  	p1 =	por p1, !p0;
	_ =	swait.ge @!p2 [sflag:s9], $0x2000  }
0x2bc: {  	p0 =	por !p3, !p0;
	s0 =	simm.s32 @!p1 $0x0;
	[sflag:s9] =	ssyncset.done @!p2 $0x0  }
0x2bd: {  	v17 =	vimm.s32 @!p1 $0xFFFFFFFF;
	s0 =	simm.s32 @!p0 $0x40;
	[sflag:s9] =	ssyncadd.s32 @!p2 $0xFFFFE000  }
0x2be: {  	[tilespmem:s0+$0x1E000] =	vst @!p1 v17  }
0x2bf: {  	[tilespmem:s0+$0x1E030] =	vst @!p1 v17  }
0x2c0: {  	[tilespmem:s0+$0x1E020] =	vst @!p1 v17  }
0x2c1: {  	[tilespmem:s0+$0x1E010] =	vst @!p1 v17  }
0x2c2: {  	v16 =	vld.idx.msk [tilespmem:v16+s7+$0x0], $0xffff;
	_ =	sdelay $0x4  }
0x2c3: {  	v17 =	vand.u32 $0x7F80, v16  }
0x2c4: {  	v18 =	vand.u32 $0x7F, v16;
	v17 =	vsub.s32 v17, v2  }
0x2c5: {  	v17 =	vadd.s32 v18, v17  }
0x2c6: {  	v18 =	vadd.s32 v9, v17;
	_ =	sdelay $0x4  }
0x2c7: {  	v18 =	vld.idx.msk [tilespmem:v18+s20+$0x0], $0xffff  }
0x2c8: {  	v19 =	vadd.s32 v13, v17;
	_ =	sdelay $0x1  }
0x2c9: {  	s31 =	sshll.u32 s5, $0x9  }
0x2ca: {  	s0 =	sshra.s32 s31, $0x2  }
0x2cb: {  	[tilespmem:s0+$0x1A000] =	vst v18  }
0x2cc: {  	v18 =	vld.idx.msk [tilespmem:v19+s20+$0x0], $0xffff  }
0x2cd: {  	v62 =	vadd.s32 v14, v17;
	_ =	sdelay $0x3  }
0x2ce: {  	s5 =	sadd.s32 $0x1, s5;
	[tilespmem:s0+$0x1A010] =	vst v18  }
0x2cf: {  	s6 =	sand.u32 $0x3F, s5;
	v18 =	vld.idx.msk [tilespmem:v62+s20+$0x0], $0xffff  }
0x2d0: {  	p0 =	sne.s32 s6, $0x0;
	v17 =	vadd.s32 v15, v17  }
0x2d1: {  	s6 =	sshra.s32 @!p0 s5, $0x1F;
	p1 =	slt.u32 @!p0 s3, $0x7FFFFFFF  }
0x2d2: {  	s10 =	simm.s32 @!p0 $0x1;
	s9 =	sshrl.u32 @!p0 s6, $0x1A;
	p1 =	por !p1, p0  }
0x2d3: {  	s9 =	sadd.s32 @!p0 s9, s5;
	s10 =	simm.s32 @p1 $0x0  }
0x2d4: {  	s14 =	sshrl.u32 @!p0 s9, $0x6;
	s9 =	sand.u32 @!p0 $0xFFFFFFC0, s9;
	s6 =	sadd.s32 @!p0 s10, s6;
	[tilespmem:s0+$0x1A020] =	vst v18  }
0x2d5: {  	s10 =	sand.u32 @!p0 $0x1, s14;
	p2 =	seq.s32 @!p0 s5, s9;
	p1 =	seq.s32 @!p0 s6, $0x1;
	v17 =	vld.idx.msk [tilespmem:v17+s20+$0x0], $0xffff  }
0x2d6: {  	v63 =	vmov s3;
	p3 =	seq.s32 @!p0 s10, $0x1;
	p1 =	por @!p0 p2, p1  }
0x2d7: {  	p2 =	por @!p0 !p3, !p3;
	p1 =	por !p1, p0  }
0x2d8: {  	p3 =	por @!p1 p2, p2;
	p2 =	seq.s32 @!p0 s28, $0x0  }
0x2d9: {  	s3 =	simm.s32 @!p0 $0x40;
	p1 =	por !p3, p0;
	p2 =	por p2, p0  }
0x2da: {  	v16 =	vshrl.u32 v16, $0xF;
	s3 =	simm.s32 @p1 $0x0;
	s9 =	simm.s32 @!p2 $0x4;
	[tilespmem:s0+$0x1A030] =	vst v17  }
0x2db: {  	s6 =	sshll.u32 @!p0 s3, $0x7;
	s3 =	sor.u32 @!p0 $0x1E000, s3;
	[tilespmem:v63+s23+$0x0] =	vst.idx.msk $0x1, v16;
	(ifvalue) =	ssetifvalue @!p0 $0xFFFFFFFF  }
0x2dc: {  	s6 =	sadd.s32 @!p0 $0x1A000, s6;
	s0 =	simm.s32 @!p0 $0x40;
	(ifvalue) =	ssetifvalue @!p0 $0xFFFFFFFF  }
0x2dd: {  	[hbm4b:s8+s0] =	stream.indirect.scatter @!p0 [tilespmem:s6], [sflag:$0x4], $0x80, s3, s0, $0x40b8;
	[tilespmem:$0x1E080] =	vst v63  }
0x2de: {  	_ =	swait.ge @!p2 [sflag:s9], $0x2000  }
0x2df: {  	s0 =	simm.s32 @!p0 $0x0;
	[sflag:s9] =	ssyncset.done @!p2 $0x0  }
.Ltmp40:
0x2e0: {  	v16 =	vimm.s32 @!p0 $0xFFFFFFFF;
	s0 =	simm.s32 @p1 $0x40;
	[sflag:s9] =	ssyncadd.s32 @!p2 $0xFFFFE000;
	(pc) =	sbr.rel .LBB2_52-.Ltmp40, $4  }
0x2e1: {  	[tilespmem:s0+$0x1E000] =	vst @!p0 v16  }
0x2e2: {  	[tilespmem:s0+$0x1E030] =	vst @!p0 v16  }
0x2e3: {  	p1 =	seq.s32 s5, $0x80;
	[tilespmem:s0+$0x1E020] =	vst @!p0 v16  }
0x2e4: {  	s28 =	simm.s32 @!p0 $0x1;
	s5 =	simm.s32 @p1 $0x0;
	[tilespmem:s0+$0x1E010] =	vst @!p0 v16  }
.LBB2_35:
.Ltmp41:
0x2e5: {  	(pc) =	sbr.rel .LBB2_46-.Ltmp41, $2  }
0x2e6: {  	_ =	sdelay $0x2  }
0x2e7: {  	s6 =	simm.s32 $0x0;
	s0 =	simm.s32 $0x0  }
.LBB2_44:
.Ltmp42:
0x2e8: {  	(pc) =	sbr.rel .LBB2_46-.Ltmp42, $2  }
0x2e9: {  	_ =	sdelay $0x2  }
0x2ea: {  	s6 =	simm.s32 $0x0;
	s0 =	simm.s32 $0x0  }
.LBB2_42:
.Ltmp43:
0x2eb: {  	(pc) =	sbr.rel .LBB2_51-.Ltmp43, $2  }
0x2ec: {  	_ =	sdelay $0x2  }
0x2ed: {  	s3 =	smov.u32 s5  }
.LBB2_48:
.Ltmp44:
0x2ee: {  	(pc) =	sbr.rel .LBB2_51-.Ltmp44, $2  }
0x2ef: {  	_ =	sdelay $0x2  }
0x2f0: {  	s5 =	smov.u32 s6;
	s3 =	smov.u32 s6;
	s17 =	simm.s32 $0x1000  }
.LBB2_53:
0x2f1: {  	_ =	sfence.sel $0x180000  }
0x2f2: {  	[bflag:$0x0] =	sbarrier.arrive $0xFFFF  }
0x2f3: {  	_ =	strace $0x90000047  }
0x2f4: {  	s0 =	stileid.u32;
	[bflag:$0x2] =	sbarrier.arrive $0xFFFF  }
0x2f5: {  	p0 =	sne.s32 s0, $0x0;
	s0 =	rddreg [dreg:$0x4]  }
0x2f6: {  	s0 =	sadd.s32 @!p0 $0x100000, s0  }
0x2f7: {  	[sflag:s0] =	ssyncadd.tile.s32 @!p0 $0x1;
	_ =	shalt  }
.Lfunc_end2:
_tile_overlayer_lowered:
.L_overlay_start_2:
0x2f8: {  	(tag) =	ssettag $0x2  }
0x2f9: {  	s0 =	rddreg [dreg:$0x0];
	s2 =	stileid.u32  }
0x2fa: {  	s1 =	rddreg [dreg:$0x1];
	p0 =	sne.s32 s2, $0x0  }
0x2fb: {  	s3 =	rddreg [dreg:$0x2];
	[bflag:$0x3] =	sbarrier.arrive $0xFFFF;
	s2 =	simm.s32 @!p0 $0x1C05  }
0x2fc: {  	[timem:s3], [sflag:s2] =	dma.local @!p0 [hbm:s0], s1  }
0x2fd: {  	s0 =	simm.s32 @!p0 $0x5  }
0x2fe: {  	_ =	swait.ge @!p0 [sflag:s0], s1  }
0x2ff: {  	s1 =	ssub.s32 @!p0 $0x0, s1;
	[sflag:s0] =	ssyncset.done @!p0 $0x0  }
0x300: {  	[sflag:s0] =	ssyncadd.s32 @!p0 s1  }
0x301: {  	[bflag:$0x3] =	sbarrier.arrive $0xFFFF  }
0x302: {  	_ =	shalt  }

</sc_bundles>
